<compile_context>
chip_gen: v7x
topology: tpu7x:2x2x1
jax: 0.10.2.dev20260603
libtpu: 0.0.44.dev20260713+nightly
codegen_flags: <defaults>
</compile_context>

<pallas_src>
import functools

import jax
import jax.numpy as jnp
from jax import lax
from jax.experimental import pallas as pl
from jax.experimental.pallas import tpu as pltpu
from jax.experimental.pallas import tpu_sc as plsc

N = 10000
NPAD = 10240
E = 320000
H = 256
Q = 64
NS = 16
K = 125
RING = 2
NCHUNK = E // NS // K
E_PAD = NS * NCHUNK * K
ROWS = NPAD // NS
BLK = 2000
GRID = N // BLK


def _mm(x, w):
    return lax.dot_general(x, w, (((1,), (1,)), ((), ())),
                           preferred_element_type=jnp.float32)


def _split_quarters(m, m4_ref):
    for c in range(2):
        for p in range(2):
            q = 2 * c + p
            m4_ref[c, p] = m[:, q * Q:(q + 1) * Q]



def _emb_body(h_ref, w0_ref, b0_ref, w1_ref, b1_ref, mw_ref, mb_ref,
              feat_ref, m4_ref):
    x = jax.nn.relu(_mm(h_ref[...], w0_ref[...]) + b0_ref[...])
    x = jax.nn.relu(_mm(x, w1_ref[...]) + b1_ref[...])
    feat_ref[...] = x
    m = _mm(x, mw_ref[...]) + mb_ref[...]
    _split_quarters(m, m4_ref)


def _gru_math(a4_ref, feat_ref, wih_ref, whh_ref, bih_ref, bhh_ref):
    a = jnp.concatenate(
        [a4_ref[0, 0], a4_ref[0, 1], a4_ref[1, 0], a4_ref[1, 1]], axis=1)
    gi = _mm(a, wih_ref[...]) + bih_ref[...]
    feat = feat_ref[...]
    gh = _mm(feat, whh_ref[...]) + bhh_ref[...]
    r = jax.nn.sigmoid(gi[:, :H] + gh[:, :H])
    z = jax.nn.sigmoid(gi[:, H:2 * H] + gh[:, H:2 * H])
    n = jnp.tanh(gi[:, 2 * H:] + r * gh[:, 2 * H:])
    return (1.0 - z) * n + z * feat


def _gru_msg_body(a4_ref, feat_ref, wih_ref, whh_ref, bih_ref, bhh_ref,
                  mw_ref, mb_ref, nfeat_ref, m4_ref):
    f = _gru_math(a4_ref, feat_ref, wih_ref, whh_ref, bih_ref, bhh_ref)
    nfeat_ref[...] = f
    m = _mm(f, mw_ref[...]) + mb_ref[...]
    _split_quarters(m, m4_ref)


def _gru_dec_body(a4_ref, feat_ref, wih_ref, whh_ref, bih_ref, bhh_ref,
                  dw0_ref, db0_ref, dw1_ref, db1_ref, dw2_ref, db2_ref,
                  out_ref):
    f = _gru_math(a4_ref, feat_ref, wih_ref, whh_ref, bih_ref, bhh_ref)
    x = jax.nn.relu(f)
    x = jax.nn.relu(_mm(x, dw0_ref[...]) + db0_ref[...])
    x = jax.nn.relu(_mm(x, dw1_ref[...]) + db1_ref[...])
    out_ref[...] = _mm(x, dw2_ref[...]) + db2_ref[...]


def _full(shape):
    return pl.BlockSpec(shape, lambda i: (0,) * len(shape))


_M4_SPEC = pl.BlockSpec((2, 2, BLK, Q), lambda i: (0, 0, i, 0))

_emb_call = pl.pallas_call(
    _emb_body,
    grid=(GRID,),
    in_specs=[
        pl.BlockSpec((BLK, 128), lambda i: (i, 0)),
        _full((128, 128)), _full((1, 128)),
        _full((256, 128)), _full((1, 256)),
        _full((256, 256)), _full((1, 256)),
    ],
    out_specs=[
        pl.BlockSpec((BLK, 256), lambda i: (i, 0)),
        _M4_SPEC,
    ],
    out_shape=[
        jax.ShapeDtypeStruct((N, 256), jnp.float32),
        jax.ShapeDtypeStruct((2, 2, N, Q), jnp.float32),
    ],
)

_gru_msg_call = pl.pallas_call(
    _gru_msg_body,
    grid=(GRID,),
    in_specs=[
        _M4_SPEC,
        pl.BlockSpec((BLK, 256), lambda i: (i, 0)),
        _full((768, 256)), _full((768, 256)),
        _full((1, 768)), _full((1, 768)),
        _full((256, 256)), _full((1, 256)),
    ],
    out_specs=[
        pl.BlockSpec((BLK, 256), lambda i: (i, 0)),
        _M4_SPEC,
    ],
    out_shape=[
        jax.ShapeDtypeStruct((N, 256), jnp.float32),
        jax.ShapeDtypeStruct((2, 2, N, Q), jnp.float32),
    ],
)

_gru_dec_call = pl.pallas_call(
    _gru_dec_body,
    grid=(GRID,),
    in_specs=[
        _M4_SPEC,
        pl.BlockSpec((BLK, 256), lambda i: (i, 0)),
        _full((768, 256)), _full((768, 256)),
        _full((1, 768)), _full((1, 768)),
        _full((128, 256)), _full((1, 128)),
        _full((64, 128)), _full((1, 64)),
        _full((64, 64)), _full((1, 64)),
    ],
    out_specs=[pl.BlockSpec((BLK, 64), lambda i: (i, 0))],
    out_shape=[jax.ShapeDtypeStruct((N, 64), jnp.float32)],
)



def _segsum_body(m4_hbm, edges_hbm, zeros_hbm, out_hbm,
                 src_v, dst_v, *rest):
    rbs = rest[:RING]
    acc = rest[RING]
    gsem = rest[RING + 1:RING + 1 + RING]
    ssem = rest[RING + 1 + RING:]
    c = lax.axis_index("c")
    s = lax.axis_index("s")
    pltpu.sync_copy(edges_hbm.at[0, s], src_v)
    pltpu.sync_copy(edges_hbm.at[1, s], dst_v)
    r0 = s * ROWS
    for p in range(2):
        pltpu.sync_copy(zeros_hbm, acc.at[pl.ds(r0, ROWS)])
        plsc.subcore_barrier()
        table = m4_hbm.at[c, p]
        rb0, rb1 = rbs[0], rbs[1]
        sem0, sem1 = gsem[0], gsem[1]
        pltpu.async_copy(table.at[src_v.at[0]], rb0, sem0)

        def body(i, carry):
            j0 = 2 * i
            pltpu.async_copy(table.at[src_v.at[j0 + 1]], rb1, sem1)
            pltpu.make_async_copy(table.at[src_v.at[j0]], rb0, sem0).wait()
            pltpu.sync_copy(rb0, acc.at[dst_v.at[j0]], add=True)

            @pl.when(j0 + 2 < NCHUNK)
            def _():
                pltpu.async_copy(table.at[src_v.at[j0 + 2]], rb0, sem0)

            pltpu.make_async_copy(table.at[src_v.at[j0 + 1]], rb1, sem1).wait()
            pltpu.sync_copy(rb1, acc.at[dst_v.at[j0 + 1]], add=True)
            return carry

        lax.fori_loop(0, NCHUNK // 2, body, 0)
        plsc.subcore_barrier()
        pltpu.sync_copy(acc.at[pl.ds(r0, ROWS)],
                        out_hbm.at[c, p, pl.ds(r0, ROWS)])
        plsc.subcore_barrier()


@functools.cache
def _segsum_call():
    return pl.kernel(
        _segsum_body,
        out_type=jax.ShapeDtypeStruct((2, 2, NPAD, Q), jnp.float32),
        mesh=plsc.VectorSubcoreMesh(core_axis_name="c", subcore_axis_name="s",
                                    num_cores=2, num_subcores=NS),
        compiler_params=pltpu.CompilerParams(use_tc_tiling_on_sc=False),
        scratch_types=(
            [pltpu.VMEM((NCHUNK, K), jnp.int32)] * 2
            + [pltpu.VMEM((K, Q), jnp.float32)] * RING
            + [pltpu.VMEM_SHARED((NPAD, Q), jnp.float32)]
            + [pltpu.SemaphoreType.DMA] * (2 * RING)
        ),
    )


def kernel(h, edge_index, emb_W0, emb_b0, emb_W1, emb_b1, msg_W, msg_b,
           gru_W_ih, gru_W_hh, gru_b_ih, gru_b_hh,
           dec_W0, dec_b0, dec_W1, dec_b1, dec_W2, dec_b2):
    pad = E_PAD - E
    if pad:
        edge_index = jnp.concatenate(
            [edge_index,
             jnp.stack([jnp.zeros((pad,), jnp.int32),
                        jnp.full((pad,), NPAD - 1, jnp.int32)])], axis=1)
    edges = edge_index.reshape(2, NS, NCHUNK, K)
    zeros = jnp.zeros((ROWS, Q), jnp.float32)
    b = lambda v: v.reshape(1, -1)

    feat, m4 = _emb_call(h, emb_W0, b(emb_b0), emb_W1, b(emb_b1),
                         msg_W, b(msg_b))
    segsum = _segsum_call()
    for _ in range(2):
        a4 = segsum(m4, edges, zeros)
        feat, m4 = _gru_msg_call(a4, feat, gru_W_ih, gru_W_hh,
                                 b(gru_b_ih), b(gru_b_hh), msg_W, b(msg_b))
    a4 = segsum(m4, edges, zeros)
    (out,) = _gru_dec_call(a4, feat, gru_W_ih, gru_W_hh,
                           b(gru_b_ih), b(gru_b_hh),
                           dec_W0, b(dec_b0), dec_W1, b(dec_b1),
                           dec_W2, b(dec_b2))
    return out

# --- scband reference (transcript-rebuilt; emitter-appended) ---
"""Pipeline reference for scband-net-33260226740961 (READ-ONLY COPY).

The authoritative reference and input builder live on the scoring server;
editing this copy changes nothing except your own understanding.
"""

import jax, jax.numpy as jnp
import numpy as np

N = 10000
E = 320000
IN = 128
H = 256
OUT = 64
N_STEPS = 3


def setup_inputs(seed: int = 0) -> dict:
    key = jax.random.key(seed)
    ks = jax.random.split(key, 20)
    s = 0.05
    inp = {}
    inp['h'] = jax.random.normal(ks[0], (N, IN), dtype=jnp.float32)
    inp['edge_index'] = jax.random.randint(ks[1], (2, E), 0, N, dtype=jnp.int32)
    # embedding layers: sizes [128, 128, 256] -> Linear(128,128), Linear(128,256)
    inp['emb_W0'] = jax.random.normal(ks[2], (128, 128), dtype=jnp.float32) * s
    inp['emb_b0'] = jnp.zeros((128,), dtype=jnp.float32)
    inp['emb_W1'] = jax.random.normal(ks[3], (256, 128), dtype=jnp.float32) * s
    inp['emb_b1'] = jnp.zeros((256,), dtype=jnp.float32)
    # GatedGraphConv: single etype Linear(H,H) shared across steps + GRUCell(H,H)
    inp['msg_W'] = jax.random.normal(ks[4], (H, H), dtype=jnp.float32) * s
    inp['msg_b'] = jnp.zeros((H,), dtype=jnp.float32)
    inp['gru_W_ih'] = jax.random.normal(ks[5], (3 * H, H), dtype=jnp.float32) * s
    inp['gru_W_hh'] = jax.random.normal(ks[6], (3 * H, H), dtype=jnp.float32) * s
    inp['gru_b_ih'] = jnp.zeros((3 * H,), dtype=jnp.float32)
    inp['gru_b_hh'] = jnp.zeros((3 * H,), dtype=jnp.float32)
    # decision layers: sizes [256, 128, 64, 64]
    inp['dec_W0'] = jax.random.normal(ks[7], (128, 256), dtype=jnp.float32) * s
    inp['dec_b0'] = jnp.zeros((128,), dtype=jnp.float32)
    inp['dec_W1'] = jax.random.normal(ks[8], (64, 128), dtype=jnp.float32) * s
    inp['dec_b1'] = jnp.zeros((64,), dtype=jnp.float32)
    inp['dec_W2'] = jax.random.normal(ks[9], (64, 64), dtype=jnp.float32) * s
    inp['dec_b2'] = jnp.zeros((64,), dtype=jnp.float32)
    return inp


def reference(h, edge_index, emb_W0, emb_b0, emb_W1, emb_b1, msg_W, msg_b,
              gru_W_ih, gru_W_hh, gru_b_ih, gru_b_hh,
              dec_W0, dec_b0, dec_W1, dec_b1, dec_W2, dec_b2):
    # embedding MLP
    x = jax.nn.relu(h @ emb_W0.T + emb_b0)
    x = jax.nn.relu(x @ emb_W1.T + emb_b1)
    src = edge_index[0]
    dst = edge_index[1]
    feat = x
    # GatedGraphConv, n_etypes=1 (etypes are all zeros)
    for _ in range(N_STEPS):
        m = feat @ msg_W.T + msg_b
        a = jax.ops.segment_sum(m[src], dst, num_segments=N)
        gi = a @ gru_W_ih.T + gru_b_ih
        gh = feat @ gru_W_hh.T + gru_b_hh
        i_r, i_z, i_n = jnp.split(gi, 3, axis=1)
        h_r, h_z, h_n = jnp.split(gh, 3, axis=1)
        r = jax.nn.sigmoid(i_r + h_r)
        z = jax.nn.sigmoid(i_z + h_z)
        n = jnp.tanh(i_n + r * h_n)
        feat = (1.0 - z) * n + z * feat
    x = jax.nn.relu(feat)
    # decision MLP (last layer without activation)
    x = jax.nn.relu(x @ dec_W0.T + dec_b0)
    x = jax.nn.relu(x @ dec_W1.T + dec_b1)
    x = x @ dec_W2.T + dec_b2
    return x

if __name__ == "__main__":
    import jax
    _d = setup_inputs()
    print(jax.jit(kernel)(*tuple(_d.values())))

</pallas_src>

<mosaic_0001>
#map = affine_map<(d0, d1) -> (0, 0, 0, 0)>
#map1 = affine_map<(d0, d1) -> (0, 0)>
module attributes {stable_mosaic.version = 14 : i64} {
  func.func @_segsum_body(%arg0: i32, %arg1: i32, %arg2: memref<2x2x10000x64xf32, #tpu.memory_space<hbm>>, %arg3: memref<2x16x160x125xi32, #tpu.memory_space<hbm>>, %arg4: memref<640x64xf32, #tpu.memory_space<hbm>>, %arg5: memref<2x2x10240x64xf32, #tpu.memory_space<hbm>>, %arg6: memref<160x125xi32, #tpu.memory_space<vmem>>, %arg7: memref<160x125xi32, #tpu.memory_space<vmem>>, %arg8: memref<125x64xf32, #tpu.memory_space<vmem>>, %arg9: memref<125x64xf32, #tpu.memory_space<vmem>>, %arg10: memref<10240x64xf32, #tpu.memory_space<vmem_shared>>, %arg11: memref<!tpu.dma_semaphore, #tpu.memory_space<semaphore_mem>>, %arg12: memref<!tpu.dma_semaphore, #tpu.memory_space<semaphore_mem>>, %arg13: memref<!tpu.dma_semaphore, #tpu.memory_space<semaphore_mem>>, %arg14: memref<!tpu.dma_semaphore, #tpu.memory_space<semaphore_mem>>) attributes {dimension_semantics = [#tpu.dimension_semantics<core_parallel>, #tpu.dimension_semantics<subcore_parallel>], iteration_bounds = array<i64: 2, 16>, scalar_prefetch = 0 : i64, scratch_operands = 9 : i64, tpu.core_type = #tpu.core_type<sc_vector_subcore>, window_params = [{transform_indices = #map}, {transform_indices = #map}, {transform_indices = #map1}, {transform_indices = #map}]} {
    %run_scoped3A = arith.constant 0 : i32
    "tpu.region"() ({
      %run_scoped3A_45 = tpu.sem_alloc : memref<!tpu.dma_semaphore, #tpu.memory_space<semaphore_mem>>
      %dma_start3A_46 = arith.constant 0 : i32
      %dma_start3A_47 = arith.constant 0 : i32
      %dma_start3A_48 = tpu.memref_slice %arg3[%run_scoped3A, %arg1, %dma_start3A_46, %dma_start3A_47] : memref<2x16x160x125xi32, #tpu.memory_space<hbm>> -> memref<1x1x160x125xi32, #tpu.memory_space<hbm>>
      %dma_start3A_49 = tpu.memref_squeeze %dma_start3A_48 : memref<1x1x160x125xi32, #tpu.memory_space<hbm>> -> memref<160x125xi32, #tpu.memory_space<hbm>>
      %dma_start3A_50 = arith.constant 0 : i32
      %dma_start3A_51 = arith.constant 0 : i32
      %dma_start3A_52 = tpu.memref_slice %arg3[%run_scoped3A, %arg1, %dma_start3A_50, %dma_start3A_51] : memref<2x16x160x125xi32, #tpu.memory_space<hbm>> -> memref<1x1x160x125xi32, #tpu.memory_space<hbm>>
      %dma_start3A_53 = tpu.memref_squeeze %dma_start3A_52 : memref<1x1x160x125xi32, #tpu.memory_space<hbm>> -> memref<160x125xi32, #tpu.memory_space<hbm>>
      tpu.enqueue_dma source(%dma_start3A_53 : memref<160x125xi32, #tpu.memory_space<hbm>>) target(%arg6 : memref<160x125xi32, #tpu.memory_space<vmem>>) target_semaphore(%run_scoped3A_45 : memref<!tpu.dma_semaphore, #tpu.memory_space<semaphore_mem>>)
      %dma_wait3A = arith.constant 0 : i32
      %dma_wait3A_54 = arith.constant 0 : i32
      %dma_wait3A_55 = tpu.memref_slice %arg3[%run_scoped3A, %arg1, %dma_wait3A, %dma_wait3A_54] : memref<2x16x160x125xi32, #tpu.memory_space<hbm>> -> memref<1x1x160x125xi32, #tpu.memory_space<hbm>>
      %dma_wait3A_56 = tpu.memref_squeeze %dma_wait3A_55 : memref<1x1x160x125xi32, #tpu.memory_space<hbm>> -> memref<160x125xi32, #tpu.memory_space<hbm>>
      %dma_wait3A_57 = arith.constant 0 : i32
      %dma_wait3A_58 = arith.constant 0 : i32
      %dma_wait3A_59 = tpu.memref_slice %arg3[%run_scoped3A, %arg1, %dma_wait3A_57, %dma_wait3A_58] : memref<2x16x160x125xi32, #tpu.memory_space<hbm>> -> memref<1x1x160x125xi32, #tpu.memory_space<hbm>>
      %dma_wait3A_60 = tpu.memref_squeeze %dma_wait3A_59 : memref<1x1x160x125xi32, #tpu.memory_space<hbm>> -> memref<160x125xi32, #tpu.memory_space<hbm>>
      tpu.wait_dma2 semaphore(%run_scoped3A_45 : memref<!tpu.dma_semaphore, #tpu.memory_space<semaphore_mem>>) src(%dma_wait3A_60 : memref<160x125xi32, #tpu.memory_space<hbm>>) dst(%arg6 : memref<160x125xi32, #tpu.memory_space<vmem>>)
      tpu.yield
    }) : () -> ()
    %run_scoped3A_0 = arith.constant 1 : i32
    "tpu.region"() ({
      %run_scoped3A_45 = tpu.sem_alloc : memref<!tpu.dma_semaphore, #tpu.memory_space<semaphore_mem>>
      %dma_start3A_46 = arith.constant 0 : i32
      %dma_start3A_47 = arith.constant 0 : i32
      %dma_start3A_48 = tpu.memref_slice %arg3[%run_scoped3A_0, %arg1, %dma_start3A_46, %dma_start3A_47] : memref<2x16x160x125xi32, #tpu.memory_space<hbm>> -> memref<1x1x160x125xi32, #tpu.memory_space<hbm>>
      %dma_start3A_49 = tpu.memref_squeeze %dma_start3A_48 : memref<1x1x160x125xi32, #tpu.memory_space<hbm>> -> memref<160x125xi32, #tpu.memory_space<hbm>>
      %dma_start3A_50 = arith.constant 0 : i32
      %dma_start3A_51 = arith.constant 0 : i32
      %dma_start3A_52 = tpu.memref_slice %arg3[%run_scoped3A_0, %arg1, %dma_start3A_50, %dma_start3A_51] : memref<2x16x160x125xi32, #tpu.memory_space<hbm>> -> memref<1x1x160x125xi32, #tpu.memory_space<hbm>>
      %dma_start3A_53 = tpu.memref_squeeze %dma_start3A_52 : memref<1x1x160x125xi32, #tpu.memory_space<hbm>> -> memref<160x125xi32, #tpu.memory_space<hbm>>
      tpu.enqueue_dma source(%dma_start3A_53 : memref<160x125xi32, #tpu.memory_space<hbm>>) target(%arg7 : memref<160x125xi32, #tpu.memory_space<vmem>>) target_semaphore(%run_scoped3A_45 : memref<!tpu.dma_semaphore, #tpu.memory_space<semaphore_mem>>)
      %dma_wait3A = arith.constant 0 : i32
      %dma_wait3A_54 = arith.constant 0 : i32
      %dma_wait3A_55 = tpu.memref_slice %arg3[%run_scoped3A_0, %arg1, %dma_wait3A, %dma_wait3A_54] : memref<2x16x160x125xi32, #tpu.memory_space<hbm>> -> memref<1x1x160x125xi32, #tpu.memory_space<hbm>>
      %dma_wait3A_56 = tpu.memref_squeeze %dma_wait3A_55 : memref<1x1x160x125xi32, #tpu.memory_space<hbm>> -> memref<160x125xi32, #tpu.memory_space<hbm>>
      %dma_wait3A_57 = arith.constant 0 : i32
      %dma_wait3A_58 = arith.constant 0 : i32
      %dma_wait3A_59 = tpu.memref_slice %arg3[%run_scoped3A_0, %arg1, %dma_wait3A_57, %dma_wait3A_58] : memref<2x16x160x125xi32, #tpu.memory_space<hbm>> -> memref<1x1x160x125xi32, #tpu.memory_space<hbm>>
      %dma_wait3A_60 = tpu.memref_squeeze %dma_wait3A_59 : memref<1x1x160x125xi32, #tpu.memory_space<hbm>> -> memref<160x125xi32, #tpu.memory_space<hbm>>
      tpu.wait_dma2 semaphore(%run_scoped3A_45 : memref<!tpu.dma_semaphore, #tpu.memory_space<semaphore_mem>>) src(%dma_wait3A_60 : memref<160x125xi32, #tpu.memory_space<hbm>>) dst(%arg7 : memref<160x125xi32, #tpu.memory_space<vmem>>)
      tpu.yield
    }) : () -> ()
    %mul3A = arith.constant 640 : i32
    %mul3A_1 = arith.muli %arg1, %mul3A : i32
    "tpu.region"() ({
      %run_scoped3A_45 = tpu.sem_alloc : memref<!tpu.dma_semaphore, #tpu.memory_space<semaphore_mem>>
      %dma_start3A_46 = arith.constant 0 : i32
      %dma_start3A_47 = tpu.memref_slice %arg10[%mul3A_1, %dma_start3A_46] : memref<10240x64xf32, #tpu.memory_space<vmem_shared>> -> memref<640x64xf32, #tpu.memory_space<vmem_shared>>
      tpu.enqueue_dma source(%arg4 : memref<640x64xf32, #tpu.memory_space<hbm>>) target(%dma_start3A_47 : memref<640x64xf32, #tpu.memory_space<vmem_shared>>) target_semaphore(%run_scoped3A_45 : memref<!tpu.dma_semaphore, #tpu.memory_space<semaphore_mem>>)
      %dma_wait3A = arith.constant 0 : i32
      %dma_wait3A_48 = tpu.memref_slice %arg10[%mul3A_1, %dma_wait3A] : memref<10240x64xf32, #tpu.memory_space<vmem_shared>> -> memref<640x64xf32, #tpu.memory_space<vmem_shared>>
      tpu.wait_dma2 semaphore(%run_scoped3A_45 : memref<!tpu.dma_semaphore, #tpu.memory_space<semaphore_mem>>) src(%arg4 : memref<640x64xf32, #tpu.memory_space<hbm>>) dst(%dma_wait3A_48 : memref<640x64xf32, #tpu.memory_space<vmem_shared>>)
      tpu.yield
    }) : () -> ()
    %barrier3A = arith.constant 0 : index
    tpu.barrier barrier_id(%barrier3A)
    %dma_start3A = arith.constant 0 : i32
    %dma_start3A_2 = arith.constant 0 : i32
    %dma_start3A_3 = arith.constant 0 : i32
    %dma_start3A_4 = tpu.memref_slice %arg6[%dma_start3A_2, %dma_start3A_3] : memref<160x125xi32, #tpu.memory_space<vmem>> -> memref<1x125xi32, #tpu.memory_space<vmem>>
    %dma_start3A_5 = tpu.memref_squeeze %dma_start3A_4 : memref<1x125xi32, #tpu.memory_space<vmem>> -> memref<125xi32, #tpu.memory_space<vmem>>
    %dma_start3A_6 = arith.constant 0 : i32
    %dma_start3A_7 = arith.constant 0 : i32
    %dma_start3A_8 = tpu.memref_slice %arg2[%arg0, %dma_start3A, %dma_start3A_6, %dma_start3A_7] : memref<2x2x10000x64xf32, #tpu.memory_space<hbm>> -> memref<1x1x10000x64xf32, #tpu.memory_space<hbm>>
    %dma_start3A_9 = tpu.memref_squeeze %dma_start3A_8 : memref<1x1x10000x64xf32, #tpu.memory_space<hbm>> -> memref<10000x64xf32, #tpu.memory_space<hbm>>
    %dma_start3A_10 = arith.constant 0 : i32
    %dma_start3A_11 = arith.constant 0 : i32
    %dma_start3A_12 = tpu.memref_slice %dma_start3A_9[%dma_start3A_10, %dma_start3A_11] : memref<10000x64xf32, #tpu.memory_space<hbm>> -> memref<10000x64xf32, #tpu.memory_space<hbm>>
    tpu.enqueue_indirect_dma source(%dma_start3A_12 : memref<10000x64xf32, #tpu.memory_space<hbm>>) target(%arg8 : memref<125x64xf32, #tpu.memory_space<vmem>>) offsets(%dma_start3A_5 : memref<125xi32, #tpu.memory_space<vmem>>) semaphore(%arg11 : memref<!tpu.dma_semaphore, #tpu.memory_space<semaphore_mem>>)
    %scan3A = arith.constant 0 : i32
    %scan3A_13 = arith.constant 0 : i32
    %scan3A_14 = arith.constant 0 : i32
    %scan3A_15 = arith.constant 80 : i32
    %scan3A_16 = arith.addi %scan3A_14, %scan3A_15 : i32
    %scan3A_17 = arith.constant 1 : i32
    scf.for %scan3A_45 = %scan3A_14 to %scan3A_16 step %scan3A_17  : i32 {
      %mul3A_46 = arith.constant 2 : i32
      %mul3A_47 = arith.muli %mul3A_46, %scan3A_45 : i32
      %add3A = arith.constant 1 : i32
      %add3A_48 = arith.addi %mul3A_47, %add3A : i32
      %dma_start3A_49 = arith.constant 0 : i32
      %dma_start3A_50 = tpu.memref_slice %arg6[%add3A_48, %dma_start3A_49] : memref<160x125xi32, #tpu.memory_space<vmem>> -> memref<1x125xi32, #tpu.memory_space<vmem>>
      %dma_start3A_51 = tpu.memref_squeeze %dma_start3A_50 : memref<1x125xi32, #tpu.memory_space<vmem>> -> memref<125xi32, #tpu.memory_space<vmem>>
      %dma_start3A_52 = arith.constant 0 : i32
      %dma_start3A_53 = arith.constant 0 : i32
      %dma_start3A_54 = tpu.memref_slice %arg2[%arg0, %scan3A_13, %dma_start3A_52, %dma_start3A_53] : memref<2x2x10000x64xf32, #tpu.memory_space<hbm>> -> memref<1x1x10000x64xf32, #tpu.memory_space<hbm>>
      %dma_start3A_55 = tpu.memref_squeeze %dma_start3A_54 : memref<1x1x10000x64xf32, #tpu.memory_space<hbm>> -> memref<10000x64xf32, #tpu.memory_space<hbm>>
      %dma_start3A_56 = arith.constant 0 : i32
      %dma_start3A_57 = arith.constant 0 : i32
      %dma_start3A_58 = tpu.memref_slice %dma_start3A_55[%dma_start3A_56, %dma_start3A_57] : memref<10000x64xf32, #tpu.memory_space<hbm>> -> memref<10000x64xf32, #tpu.memory_space<hbm>>
      tpu.enqueue_indirect_dma source(%dma_start3A_58 : memref<10000x64xf32, #tpu.memory_space<hbm>>) target(%arg9 : memref<125x64xf32, #tpu.memory_space<vmem>>) offsets(%dma_start3A_51 : memref<125xi32, #tpu.memory_space<vmem>>) semaphore(%arg12 : memref<!tpu.dma_semaphore, #tpu.memory_space<semaphore_mem>>)
      %dma_wait3A = arith.constant 0 : i32
      %dma_wait3A_59 = tpu.memref_slice %arg6[%mul3A_47, %dma_wait3A] : memref<160x125xi32, #tpu.memory_space<vmem>> -> memref<1x125xi32, #tpu.memory_space<vmem>>
      %dma_wait3A_60 = tpu.memref_squeeze %dma_wait3A_59 : memref<1x125xi32, #tpu.memory_space<vmem>> -> memref<125xi32, #tpu.memory_space<vmem>>
      %dma_wait3A_61 = arith.constant 0 : i32
      %dma_wait3A_62 = arith.constant 0 : i32
      %dma_wait3A_63 = tpu.memref_slice %arg2[%arg0, %scan3A_13, %dma_wait3A_61, %dma_wait3A_62] : memref<2x2x10000x64xf32, #tpu.memory_space<hbm>> -> memref<1x1x10000x64xf32, #tpu.memory_space<hbm>>
      %dma_wait3A_64 = tpu.memref_squeeze %dma_wait3A_63 : memref<1x1x10000x64xf32, #tpu.memory_space<hbm>> -> memref<10000x64xf32, #tpu.memory_space<hbm>>
      %dma_wait3A_65 = arith.constant 0 : i32
      %dma_wait3A_66 = arith.constant 0 : i32
      %dma_wait3A_67 = tpu.memref_slice %dma_wait3A_64[%dma_wait3A_65, %dma_wait3A_66] : memref<10000x64xf32, #tpu.memory_space<hbm>> -> memref<10000x64xf32, #tpu.memory_space<hbm>>
      tpu.wait_indirect_dma semaphore(%arg11 : memref<!tpu.dma_semaphore, #tpu.memory_space<semaphore_mem>>) src(%dma_wait3A_67 : memref<10000x64xf32, #tpu.memory_space<hbm>>) dst(%arg8 : memref<125x64xf32, #tpu.memory_space<vmem>>)
      "tpu.region"() ({
        %run_scoped3A_86 = tpu.sem_alloc : memref<!tpu.dma_semaphore, #tpu.memory_space<semaphore_mem>>
        %dma_start3A_87 = arith.constant 0 : i32
        %dma_start3A_88 = tpu.memref_slice %arg7[%mul3A_47, %dma_start3A_87] : memref<160x125xi32, #tpu.memory_space<vmem>> -> memref<1x125xi32, #tpu.memory_space<vmem>>
        %dma_start3A_89 = tpu.memref_squeeze %dma_start3A_88 : memref<1x125xi32, #tpu.memory_space<vmem>> -> memref<125xi32, #tpu.memory_space<vmem>>
        %dma_start3A_90 = arith.constant 0 : i32
        %dma_start3A_91 = arith.constant 0 : i32
        %dma_start3A_92 = tpu.memref_slice %arg10[%dma_start3A_90, %dma_start3A_91] : memref<10240x64xf32, #tpu.memory_space<vmem_shared>> -> memref<10240x64xf32, #tpu.memory_space<vmem_shared>>
        tpu.enqueue_indirect_dma source(%arg8 : memref<125x64xf32, #tpu.memory_space<vmem>>) target(%dma_start3A_92 : memref<10240x64xf32, #tpu.memory_space<vmem_shared>>) offsets(%dma_start3A_89 : memref<125xi32, #tpu.memory_space<vmem>>) semaphore(%run_scoped3A_86 : memref<!tpu.dma_semaphore, #tpu.memory_space<semaphore_mem>>) {add = true}
        %dma_wait3A_93 = arith.constant 0 : i32
        %dma_wait3A_94 = tpu.memref_slice %arg7[%mul3A_47, %dma_wait3A_93] : memref<160x125xi32, #tpu.memory_space<vmem>> -> memref<1x125xi32, #tpu.memory_space<vmem>>
        %dma_wait3A_95 = tpu.memref_squeeze %dma_wait3A_94 : memref<1x125xi32, #tpu.memory_space<vmem>> -> memref<125xi32, #tpu.memory_space<vmem>>
        %dma_wait3A_96 = arith.constant 0 : i32
        %dma_wait3A_97 = arith.constant 0 : i32
        %dma_wait3A_98 = tpu.memref_slice %arg10[%dma_wait3A_96, %dma_wait3A_97] : memref<10240x64xf32, #tpu.memory_space<vmem_shared>> -> memref<10240x64xf32, #tpu.memory_space<vmem_shared>>
        tpu.wait_indirect_dma semaphore(%run_scoped3A_86 : memref<!tpu.dma_semaphore, #tpu.memory_space<semaphore_mem>>) src(%arg8 : memref<125x64xf32, #tpu.memory_space<vmem>>) dst(%dma_wait3A_98 : memref<10240x64xf32, #tpu.memory_space<vmem_shared>>)
        tpu.yield
      }) : () -> ()
      %add3A_68 = arith.constant 2 : i32
      %add3A_69 = arith.addi %mul3A_47, %add3A_68 : i32
      %lt3A = arith.constant 160 : i32
      %lt3A_70 = arith.cmpi slt, %add3A_69, %lt3A : i32
      %convert_element_type3A = arith.extui %lt3A_70 : i1 to i32
      %cond3A = arith.constant 0 : i32
      %cond3A_71 = arith.cmpi ne, %convert_element_type3A, %cond3A : i32
      scf.if %cond3A_71 {
        %add3A_86 = arith.constant 2 : i32
        %add3A_87 = arith.addi %mul3A_47, %add3A_86 : i32
        %dma_start3A_88 = arith.constant 0 : i32
        %dma_start3A_89 = tpu.memref_slice %arg6[%add3A_87, %dma_start3A_88] : memref<160x125xi32, #tpu.memory_space<vmem>> -> memref<1x125xi32, #tpu.memory_space<vmem>>
        %dma_start3A_90 = tpu.memref_squeeze %dma_start3A_89 : memref<1x125xi32, #tpu.memory_space<vmem>> -> memref<125xi32, #tpu.memory_space<vmem>>
        %dma_start3A_91 = arith.constant 0 : i32
        %dma_start3A_92 = arith.constant 0 : i32
        %dma_start3A_93 = tpu.memref_slice %arg2[%arg0, %scan3A_13, %dma_start3A_91, %dma_start3A_92] : memref<2x2x10000x64xf32, #tpu.memory_space<hbm>> -> memref<1x1x10000x64xf32, #tpu.memory_space<hbm>>
        %dma_start3A_94 = tpu.memref_squeeze %dma_start3A_93 : memref<1x1x10000x64xf32, #tpu.memory_space<hbm>> -> memref<10000x64xf32, #tpu.memory_space<hbm>>
        %dma_start3A_95 = arith.constant 0 : i32
        %dma_start3A_96 = arith.constant 0 : i32
        %dma_start3A_97 = tpu.memref_slice %dma_start3A_94[%dma_start3A_95, %dma_start3A_96] : memref<10000x64xf32, #tpu.memory_space<hbm>> -> memref<10000x64xf32, #tpu.memory_space<hbm>>
        tpu.enqueue_indirect_dma source(%dma_start3A_97 : memref<10000x64xf32, #tpu.memory_space<hbm>>) target(%arg8 : memref<125x64xf32, #tpu.memory_space<vmem>>) offsets(%dma_start3A_90 : memref<125xi32, #tpu.memory_space<vmem>>) semaphore(%arg11 : memref<!tpu.dma_semaphore, #tpu.memory_space<semaphore_mem>>)
      } else {
      }
      %add3A_72 = arith.constant 1 : i32
      %add3A_73 = arith.addi %mul3A_47, %add3A_72 : i32
      %dma_wait3A_74 = arith.constant 0 : i32
      %dma_wait3A_75 = tpu.memref_slice %arg6[%add3A_73, %dma_wait3A_74] : memref<160x125xi32, #tpu.memory_space<vmem>> -> memref<1x125xi32, #tpu.memory_space<vmem>>
      %dma_wait3A_76 = tpu.memref_squeeze %dma_wait3A_75 : memref<1x125xi32, #tpu.memory_space<vmem>> -> memref<125xi32, #tpu.memory_space<vmem>>
      %dma_wait3A_77 = arith.constant 0 : i32
      %dma_wait3A_78 = arith.constant 0 : i32
      %dma_wait3A_79 = tpu.memref_slice %arg2[%arg0, %scan3A_13, %dma_wait3A_77, %dma_wait3A_78] : memref<2x2x10000x64xf32, #tpu.memory_space<hbm>> -> memref<1x1x10000x64xf32, #tpu.memory_space<hbm>>
      %dma_wait3A_80 = tpu.memref_squeeze %dma_wait3A_79 : memref<1x1x10000x64xf32, #tpu.memory_space<hbm>> -> memref<10000x64xf32, #tpu.memory_space<hbm>>
      %dma_wait3A_81 = arith.constant 0 : i32
      %dma_wait3A_82 = arith.constant 0 : i32
      %dma_wait3A_83 = tpu.memref_slice %dma_wait3A_80[%dma_wait3A_81, %dma_wait3A_82] : memref<10000x64xf32, #tpu.memory_space<hbm>> -> memref<10000x64xf32, #tpu.memory_space<hbm>>
      tpu.wait_indirect_dma semaphore(%arg12 : memref<!tpu.dma_semaphore, #tpu.memory_space<semaphore_mem>>) src(%dma_wait3A_83 : memref<10000x64xf32, #tpu.memory_space<hbm>>) dst(%arg9 : memref<125x64xf32, #tpu.memory_space<vmem>>)
      %add3A_84 = arith.constant 1 : i32
      %add3A_85 = arith.addi %mul3A_47, %add3A_84 : i32
      "tpu.region"() ({
        %run_scoped3A_86 = tpu.sem_alloc : memref<!tpu.dma_semaphore, #tpu.memory_space<semaphore_mem>>
        %dma_start3A_87 = arith.constant 0 : i32
        %dma_start3A_88 = tpu.memref_slice %arg7[%add3A_85, %dma_start3A_87] : memref<160x125xi32, #tpu.memory_space<vmem>> -> memref<1x125xi32, #tpu.memory_space<vmem>>
        %dma_start3A_89 = tpu.memref_squeeze %dma_start3A_88 : memref<1x125xi32, #tpu.memory_space<vmem>> -> memref<125xi32, #tpu.memory_space<vmem>>
        %dma_start3A_90 = arith.constant 0 : i32
        %dma_start3A_91 = arith.constant 0 : i32
        %dma_start3A_92 = tpu.memref_slice %arg10[%dma_start3A_90, %dma_start3A_91] : memref<10240x64xf32, #tpu.memory_space<vmem_shared>> -> memref<10240x64xf32, #tpu.memory_space<vmem_shared>>
        tpu.enqueue_indirect_dma source(%arg9 : memref<125x64xf32, #tpu.memory_space<vmem>>) target(%dma_start3A_92 : memref<10240x64xf32, #tpu.memory_space<vmem_shared>>) offsets(%dma_start3A_89 : memref<125xi32, #tpu.memory_space<vmem>>) semaphore(%run_scoped3A_86 : memref<!tpu.dma_semaphore, #tpu.memory_space<semaphore_mem>>) {add = true}
        %dma_wait3A_93 = arith.constant 0 : i32
        %dma_wait3A_94 = tpu.memref_slice %arg7[%add3A_85, %dma_wait3A_93] : memref<160x125xi32, #tpu.memory_space<vmem>> -> memref<1x125xi32, #tpu.memory_space<vmem>>
        %dma_wait3A_95 = tpu.memref_squeeze %dma_wait3A_94 : memref<1x125xi32, #tpu.memory_space<vmem>> -> memref<125xi32, #tpu.memory_space<vmem>>
        %dma_wait3A_96 = arith.constant 0 : i32
        %dma_wait3A_97 = arith.constant 0 : i32
        %dma_wait3A_98 = tpu.memref_slice %arg10[%dma_wait3A_96, %dma_wait3A_97] : memref<10240x64xf32, #tpu.memory_space<vmem_shared>> -> memref<10240x64xf32, #tpu.memory_space<vmem_shared>>
        tpu.wait_indirect_dma semaphore(%run_scoped3A_86 : memref<!tpu.dma_semaphore, #tpu.memory_space<semaphore_mem>>) src(%arg9 : memref<125x64xf32, #tpu.memory_space<vmem>>) dst(%dma_wait3A_98 : memref<10240x64xf32, #tpu.memory_space<vmem_shared>>)
        tpu.yield
      }) : () -> ()
    }
    %scan3A_18 = arith.constant 80 : i32
    %barrier3A_19 = arith.constant 0 : index
    tpu.barrier barrier_id(%barrier3A_19)
    %run_scoped3A_20 = arith.constant 0 : i32
    "tpu.region"() ({
      %run_scoped3A_45 = tpu.sem_alloc : memref<!tpu.dma_semaphore, #tpu.memory_space<semaphore_mem>>
      %dma_start3A_46 = arith.constant 0 : i32
      %dma_start3A_47 = tpu.memref_slice %arg5[%arg0, %run_scoped3A_20, %mul3A_1, %dma_start3A_46] : memref<2x2x10240x64xf32, #tpu.memory_space<hbm>> -> memref<1x1x640x64xf32, #tpu.memory_space<hbm>>
      %dma_start3A_48 = tpu.memref_squeeze %dma_start3A_47 : memref<1x1x640x64xf32, #tpu.memory_space<hbm>> -> memref<640x64xf32, #tpu.memory_space<hbm>>
      %dma_start3A_49 = arith.constant 0 : i32
      %dma_start3A_50 = tpu.memref_slice %arg10[%mul3A_1, %dma_start3A_49] : memref<10240x64xf32, #tpu.memory_space<vmem_shared>> -> memref<640x64xf32, #tpu.memory_space<vmem_shared>>
      tpu.enqueue_dma source(%dma_start3A_50 : memref<640x64xf32, #tpu.memory_space<vmem_shared>>) target(%dma_start3A_48 : memref<640x64xf32, #tpu.memory_space<hbm>>) target_semaphore(%run_scoped3A_45 : memref<!tpu.dma_semaphore, #tpu.memory_space<semaphore_mem>>)
      %dma_wait3A = arith.constant 0 : i32
      %dma_wait3A_51 = tpu.memref_slice %arg5[%arg0, %run_scoped3A_20, %mul3A_1, %dma_wait3A] : memref<2x2x10240x64xf32, #tpu.memory_space<hbm>> -> memref<1x1x640x64xf32, #tpu.memory_space<hbm>>
      %dma_wait3A_52 = tpu.memref_squeeze %dma_wait3A_51 : memref<1x1x640x64xf32, #tpu.memory_space<hbm>> -> memref<640x64xf32, #tpu.memory_space<hbm>>
      %dma_wait3A_53 = arith.constant 0 : i32
      %dma_wait3A_54 = tpu.memref_slice %arg10[%mul3A_1, %dma_wait3A_53] : memref<10240x64xf32, #tpu.memory_space<vmem_shared>> -> memref<640x64xf32, #tpu.memory_space<vmem_shared>>
      tpu.wait_dma2 semaphore(%run_scoped3A_45 : memref<!tpu.dma_semaphore, #tpu.memory_space<semaphore_mem>>) src(%dma_wait3A_54 : memref<640x64xf32, #tpu.memory_space<vmem_shared>>) dst(%dma_wait3A_52 : memref<640x64xf32, #tpu.memory_space<hbm>>)
      tpu.yield
    }) : () -> ()
    %barrier3A_21 = arith.constant 0 : index
    tpu.barrier barrier_id(%barrier3A_21)
    "tpu.region"() ({
      %run_scoped3A_45 = tpu.sem_alloc : memref<!tpu.dma_semaphore, #tpu.memory_space<semaphore_mem>>
      %dma_start3A_46 = arith.constant 0 : i32
      %dma_start3A_47 = tpu.memref_slice %arg10[%mul3A_1, %dma_start3A_46] : memref<10240x64xf32, #tpu.memory_space<vmem_shared>> -> memref<640x64xf32, #tpu.memory_space<vmem_shared>>
      tpu.enqueue_dma source(%arg4 : memref<640x64xf32, #tpu.memory_space<hbm>>) target(%dma_start3A_47 : memref<640x64xf32, #tpu.memory_space<vmem_shared>>) target_semaphore(%run_scoped3A_45 : memref<!tpu.dma_semaphore, #tpu.memory_space<semaphore_mem>>)
      %dma_wait3A = arith.constant 0 : i32
      %dma_wait3A_48 = tpu.memref_slice %arg10[%mul3A_1, %dma_wait3A] : memref<10240x64xf32, #tpu.memory_space<vmem_shared>> -> memref<640x64xf32, #tpu.memory_space<vmem_shared>>
      tpu.wait_dma2 semaphore(%run_scoped3A_45 : memref<!tpu.dma_semaphore, #tpu.memory_space<semaphore_mem>>) src(%arg4 : memref<640x64xf32, #tpu.memory_space<hbm>>) dst(%dma_wait3A_48 : memref<640x64xf32, #tpu.memory_space<vmem_shared>>)
      tpu.yield
    }) : () -> ()
    %barrier3A_22 = arith.constant 0 : index
    tpu.barrier barrier_id(%barrier3A_22)
    %dma_start3A_23 = arith.constant 1 : i32
    %dma_start3A_24 = arith.constant 0 : i32
    %dma_start3A_25 = arith.constant 0 : i32
    %dma_start3A_26 = tpu.memref_slice %arg6[%dma_start3A_24, %dma_start3A_25] : memref<160x125xi32, #tpu.memory_space<vmem>> -> memref<1x125xi32, #tpu.memory_space<vmem>>
    %dma_start3A_27 = tpu.memref_squeeze %dma_start3A_26 : memref<1x125xi32, #tpu.memory_space<vmem>> -> memref<125xi32, #tpu.memory_space<vmem>>
    %dma_start3A_28 = arith.constant 0 : i32
    %dma_start3A_29 = arith.constant 0 : i32
    %dma_start3A_30 = tpu.memref_slice %arg2[%arg0, %dma_start3A_23, %dma_start3A_28, %dma_start3A_29] : memref<2x2x10000x64xf32, #tpu.memory_space<hbm>> -> memref<1x1x10000x64xf32, #tpu.memory_space<hbm>>
    %dma_start3A_31 = tpu.memref_squeeze %dma_start3A_30 : memref<1x1x10000x64xf32, #tpu.memory_space<hbm>> -> memref<10000x64xf32, #tpu.memory_space<hbm>>
    %dma_start3A_32 = arith.constant 0 : i32
    %dma_start3A_33 = arith.constant 0 : i32
    %dma_start3A_34 = tpu.memref_slice %dma_start3A_31[%dma_start3A_32, %dma_start3A_33] : memref<10000x64xf32, #tpu.memory_space<hbm>> -> memref<10000x64xf32, #tpu.memory_space<hbm>>
    tpu.enqueue_indirect_dma source(%dma_start3A_34 : memref<10000x64xf32, #tpu.memory_space<hbm>>) target(%arg8 : memref<125x64xf32, #tpu.memory_space<vmem>>) offsets(%dma_start3A_27 : memref<125xi32, #tpu.memory_space<vmem>>) semaphore(%arg11 : memref<!tpu.dma_semaphore, #tpu.memory_space<semaphore_mem>>)
    %scan3A_35 = arith.constant 0 : i32
    %scan3A_36 = arith.constant 1 : i32
    %scan3A_37 = arith.constant 0 : i32
    %scan3A_38 = arith.constant 80 : i32
    %scan3A_39 = arith.addi %scan3A_37, %scan3A_38 : i32
    %scan3A_40 = arith.constant 1 : i32
    scf.for %scan3A_45 = %scan3A_37 to %scan3A_39 step %scan3A_40  : i32 {
      %mul3A_46 = arith.constant 2 : i32
      %mul3A_47 = arith.muli %mul3A_46, %scan3A_45 : i32
      %add3A = arith.constant 1 : i32
      %add3A_48 = arith.addi %mul3A_47, %add3A : i32
      %dma_start3A_49 = arith.constant 0 : i32
      %dma_start3A_50 = tpu.memref_slice %arg6[%add3A_48, %dma_start3A_49] : memref<160x125xi32, #tpu.memory_space<vmem>> -> memref<1x125xi32, #tpu.memory_space<vmem>>
      %dma_start3A_51 = tpu.memref_squeeze %dma_start3A_50 : memref<1x125xi32, #tpu.memory_space<vmem>> -> memref<125xi32, #tpu.memory_space<vmem>>
      %dma_start3A_52 = arith.constant 0 : i32
      %dma_start3A_53 = arith.constant 0 : i32
      %dma_start3A_54 = tpu.memref_slice %arg2[%arg0, %scan3A_36, %dma_start3A_52, %dma_start3A_53] : memref<2x2x10000x64xf32, #tpu.memory_space<hbm>> -> memref<1x1x10000x64xf32, #tpu.memory_space<hbm>>
      %dma_start3A_55 = tpu.memref_squeeze %dma_start3A_54 : memref<1x1x10000x64xf32, #tpu.memory_space<hbm>> -> memref<10000x64xf32, #tpu.memory_space<hbm>>
      %dma_start3A_56 = arith.constant 0 : i32
      %dma_start3A_57 = arith.constant 0 : i32
      %dma_start3A_58 = tpu.memref_slice %dma_start3A_55[%dma_start3A_56, %dma_start3A_57] : memref<10000x64xf32, #tpu.memory_space<hbm>> -> memref<10000x64xf32, #tpu.memory_space<hbm>>
      tpu.enqueue_indirect_dma source(%dma_start3A_58 : memref<10000x64xf32, #tpu.memory_space<hbm>>) target(%arg9 : memref<125x64xf32, #tpu.memory_space<vmem>>) offsets(%dma_start3A_51 : memref<125xi32, #tpu.memory_space<vmem>>) semaphore(%arg12 : memref<!tpu.dma_semaphore, #tpu.memory_space<semaphore_mem>>)
      %dma_wait3A = arith.constant 0 : i32
      %dma_wait3A_59 = tpu.memref_slice %arg6[%mul3A_47, %dma_wait3A] : memref<160x125xi32, #tpu.memory_space<vmem>> -> memref<1x125xi32, #tpu.memory_space<vmem>>
      %dma_wait3A_60 = tpu.memref_squeeze %dma_wait3A_59 : memref<1x125xi32, #tpu.memory_space<vmem>> -> memref<125xi32, #tpu.memory_space<vmem>>
      %dma_wait3A_61 = arith.constant 0 : i32
      %dma_wait3A_62 = arith.constant 0 : i32
      %dma_wait3A_63 = tpu.memref_slice %arg2[%arg0, %scan3A_36, %dma_wait3A_61, %dma_wait3A_62] : memref<2x2x10000x64xf32, #tpu.memory_space<hbm>> -> memref<1x1x10000x64xf32, #tpu.memory_space<hbm>>
      %dma_wait3A_64 = tpu.memref_squeeze %dma_wait3A_63 : memref<1x1x10000x64xf32, #tpu.memory_space<hbm>> -> memref<10000x64xf32, #tpu.memory_space<hbm>>
      %dma_wait3A_65 = arith.constant 0 : i32
      %dma_wait3A_66 = arith.constant 0 : i32
      %dma_wait3A_67 = tpu.memref_slice %dma_wait3A_64[%dma_wait3A_65, %dma_wait3A_66] : memref<10000x64xf32, #tpu.memory_space<hbm>> -> memref<10000x64xf32, #tpu.memory_space<hbm>>
      tpu.wait_indirect_dma semaphore(%arg11 : memref<!tpu.dma_semaphore, #tpu.memory_space<semaphore_mem>>) src(%dma_wait3A_67 : memref<10000x64xf32, #tpu.memory_space<hbm>>) dst(%arg8 : memref<125x64xf32, #tpu.memory_space<vmem>>)
      "tpu.region"() ({
        %run_scoped3A_86 = tpu.sem_alloc : memref<!tpu.dma_semaphore, #tpu.memory_space<semaphore_mem>>
        %dma_start3A_87 = arith.constant 0 : i32
        %dma_start3A_88 = tpu.memref_slice %arg7[%mul3A_47, %dma_start3A_87] : memref<160x125xi32, #tpu.memory_space<vmem>> -> memref<1x125xi32, #tpu.memory_space<vmem>>
        %dma_start3A_89 = tpu.memref_squeeze %dma_start3A_88 : memref<1x125xi32, #tpu.memory_space<vmem>> -> memref<125xi32, #tpu.memory_space<vmem>>
        %dma_start3A_90 = arith.constant 0 : i32
        %dma_start3A_91 = arith.constant 0 : i32
        %dma_start3A_92 = tpu.memref_slice %arg10[%dma_start3A_90, %dma_start3A_91] : memref<10240x64xf32, #tpu.memory_space<vmem_shared>> -> memref<10240x64xf32, #tpu.memory_space<vmem_shared>>
        tpu.enqueue_indirect_dma source(%arg8 : memref<125x64xf32, #tpu.memory_space<vmem>>) target(%dma_start3A_92 : memref<10240x64xf32, #tpu.memory_space<vmem_shared>>) offsets(%dma_start3A_89 : memref<125xi32, #tpu.memory_space<vmem>>) semaphore(%run_scoped3A_86 : memref<!tpu.dma_semaphore, #tpu.memory_space<semaphore_mem>>) {add = true}
        %dma_wait3A_93 = arith.constant 0 : i32
        %dma_wait3A_94 = tpu.memref_slice %arg7[%mul3A_47, %dma_wait3A_93] : memref<160x125xi32, #tpu.memory_space<vmem>> -> memref<1x125xi32, #tpu.memory_space<vmem>>
        %dma_wait3A_95 = tpu.memref_squeeze %dma_wait3A_94 : memref<1x125xi32, #tpu.memory_space<vmem>> -> memref<125xi32, #tpu.memory_space<vmem>>
        %dma_wait3A_96 = arith.constant 0 : i32
        %dma_wait3A_97 = arith.constant 0 : i32
        %dma_wait3A_98 = tpu.memref_slice %arg10[%dma_wait3A_96, %dma_wait3A_97] : memref<10240x64xf32, #tpu.memory_space<vmem_shared>> -> memref<10240x64xf32, #tpu.memory_space<vmem_shared>>
        tpu.wait_indirect_dma semaphore(%run_scoped3A_86 : memref<!tpu.dma_semaphore, #tpu.memory_space<semaphore_mem>>) src(%arg8 : memref<125x64xf32, #tpu.memory_space<vmem>>) dst(%dma_wait3A_98 : memref<10240x64xf32, #tpu.memory_space<vmem_shared>>)
        tpu.yield
      }) : () -> ()
      %add3A_68 = arith.constant 2 : i32
      %add3A_69 = arith.addi %mul3A_47, %add3A_68 : i32
      %lt3A = arith.constant 160 : i32
      %lt3A_70 = arith.cmpi slt, %add3A_69, %lt3A : i32
      %convert_element_type3A = arith.extui %lt3A_70 : i1 to i32
      %cond3A = arith.constant 0 : i32
      %cond3A_71 = arith.cmpi ne, %convert_element_type3A, %cond3A : i32
      scf.if %cond3A_71 {
        %add3A_86 = arith.constant 2 : i32
        %add3A_87 = arith.addi %mul3A_47, %add3A_86 : i32
        %dma_start3A_88 = arith.constant 0 : i32
        %dma_start3A_89 = tpu.memref_slice %arg6[%add3A_87, %dma_start3A_88] : memref<160x125xi32, #tpu.memory_space<vmem>> -> memref<1x125xi32, #tpu.memory_space<vmem>>
        %dma_start3A_90 = tpu.memref_squeeze %dma_start3A_89 : memref<1x125xi32, #tpu.memory_space<vmem>> -> memref<125xi32, #tpu.memory_space<vmem>>
        %dma_start3A_91 = arith.constant 0 : i32
        %dma_start3A_92 = arith.constant 0 : i32
        %dma_start3A_93 = tpu.memref_slice %arg2[%arg0, %scan3A_36, %dma_start3A_91, %dma_start3A_92] : memref<2x2x10000x64xf32, #tpu.memory_space<hbm>> -> memref<1x1x10000x64xf32, #tpu.memory_space<hbm>>
        %dma_start3A_94 = tpu.memref_squeeze %dma_start3A_93 : memref<1x1x10000x64xf32, #tpu.memory_space<hbm>> -> memref<10000x64xf32, #tpu.memory_space<hbm>>
        %dma_start3A_95 = arith.constant 0 : i32
        %dma_start3A_96 = arith.constant 0 : i32
        %dma_start3A_97 = tpu.memref_slice %dma_start3A_94[%dma_start3A_95, %dma_start3A_96] : memref<10000x64xf32, #tpu.memory_space<hbm>> -> memref<10000x64xf32, #tpu.memory_space<hbm>>
        tpu.enqueue_indirect_dma source(%dma_start3A_97 : memref<10000x64xf32, #tpu.memory_space<hbm>>) target(%arg8 : memref<125x64xf32, #tpu.memory_space<vmem>>) offsets(%dma_start3A_90 : memref<125xi32, #tpu.memory_space<vmem>>) semaphore(%arg11 : memref<!tpu.dma_semaphore, #tpu.memory_space<semaphore_mem>>)
      } else {
      }
      %add3A_72 = arith.constant 1 : i32
      %add3A_73 = arith.addi %mul3A_47, %add3A_72 : i32
      %dma_wait3A_74 = arith.constant 0 : i32
      %dma_wait3A_75 = tpu.memref_slice %arg6[%add3A_73, %dma_wait3A_74] : memref<160x125xi32, #tpu.memory_space<vmem>> -> memref<1x125xi32, #tpu.memory_space<vmem>>
      %dma_wait3A_76 = tpu.memref_squeeze %dma_wait3A_75 : memref<1x125xi32, #tpu.memory_space<vmem>> -> memref<125xi32, #tpu.memory_space<vmem>>
      %dma_wait3A_77 = arith.constant 0 : i32
      %dma_wait3A_78 = arith.constant 0 : i32
      %dma_wait3A_79 = tpu.memref_slice %arg2[%arg0, %scan3A_36, %dma_wait3A_77, %dma_wait3A_78] : memref<2x2x10000x64xf32, #tpu.memory_space<hbm>> -> memref<1x1x10000x64xf32, #tpu.memory_space<hbm>>
      %dma_wait3A_80 = tpu.memref_squeeze %dma_wait3A_79 : memref<1x1x10000x64xf32, #tpu.memory_space<hbm>> -> memref<10000x64xf32, #tpu.memory_space<hbm>>
      %dma_wait3A_81 = arith.constant 0 : i32
      %dma_wait3A_82 = arith.constant 0 : i32
      %dma_wait3A_83 = tpu.memref_slice %dma_wait3A_80[%dma_wait3A_81, %dma_wait3A_82] : memref<10000x64xf32, #tpu.memory_space<hbm>> -> memref<10000x64xf32, #tpu.memory_space<hbm>>
      tpu.wait_indirect_dma semaphore(%arg12 : memref<!tpu.dma_semaphore, #tpu.memory_space<semaphore_mem>>) src(%dma_wait3A_83 : memref<10000x64xf32, #tpu.memory_space<hbm>>) dst(%arg9 : memref<125x64xf32, #tpu.memory_space<vmem>>)
      %add3A_84 = arith.constant 1 : i32
      %add3A_85 = arith.addi %mul3A_47, %add3A_84 : i32
      "tpu.region"() ({
        %run_scoped3A_86 = tpu.sem_alloc : memref<!tpu.dma_semaphore, #tpu.memory_space<semaphore_mem>>
        %dma_start3A_87 = arith.constant 0 : i32
        %dma_start3A_88 = tpu.memref_slice %arg7[%add3A_85, %dma_start3A_87] : memref<160x125xi32, #tpu.memory_space<vmem>> -> memref<1x125xi32, #tpu.memory_space<vmem>>
        %dma_start3A_89 = tpu.memref_squeeze %dma_start3A_88 : memref<1x125xi32, #tpu.memory_space<vmem>> -> memref<125xi32, #tpu.memory_space<vmem>>
        %dma_start3A_90 = arith.constant 0 : i32
        %dma_start3A_91 = arith.constant 0 : i32
        %dma_start3A_92 = tpu.memref_slice %arg10[%dma_start3A_90, %dma_start3A_91] : memref<10240x64xf32, #tpu.memory_space<vmem_shared>> -> memref<10240x64xf32, #tpu.memory_space<vmem_shared>>
        tpu.enqueue_indirect_dma source(%arg9 : memref<125x64xf32, #tpu.memory_space<vmem>>) target(%dma_start3A_92 : memref<10240x64xf32, #tpu.memory_space<vmem_shared>>) offsets(%dma_start3A_89 : memref<125xi32, #tpu.memory_space<vmem>>) semaphore(%run_scoped3A_86 : memref<!tpu.dma_semaphore, #tpu.memory_space<semaphore_mem>>) {add = true}
        %dma_wait3A_93 = arith.constant 0 : i32
        %dma_wait3A_94 = tpu.memref_slice %arg7[%add3A_85, %dma_wait3A_93] : memref<160x125xi32, #tpu.memory_space<vmem>> -> memref<1x125xi32, #tpu.memory_space<vmem>>
        %dma_wait3A_95 = tpu.memref_squeeze %dma_wait3A_94 : memref<1x125xi32, #tpu.memory_space<vmem>> -> memref<125xi32, #tpu.memory_space<vmem>>
        %dma_wait3A_96 = arith.constant 0 : i32
        %dma_wait3A_97 = arith.constant 0 : i32
        %dma_wait3A_98 = tpu.memref_slice %arg10[%dma_wait3A_96, %dma_wait3A_97] : memref<10240x64xf32, #tpu.memory_space<vmem_shared>> -> memref<10240x64xf32, #tpu.memory_space<vmem_shared>>
        tpu.wait_indirect_dma semaphore(%run_scoped3A_86 : memref<!tpu.dma_semaphore, #tpu.memory_space<semaphore_mem>>) src(%arg9 : memref<125x64xf32, #tpu.memory_space<vmem>>) dst(%dma_wait3A_98 : memref<10240x64xf32, #tpu.memory_space<vmem_shared>>)
        tpu.yield
      }) : () -> ()
    }
    %scan3A_41 = arith.constant 80 : i32
    %barrier3A_42 = arith.constant 0 : index
    tpu.barrier barrier_id(%barrier3A_42)
    %run_scoped3A_43 = arith.constant 1 : i32
    "tpu.region"() ({
      %run_scoped3A_45 = tpu.sem_alloc : memref<!tpu.dma_semaphore, #tpu.memory_space<semaphore_mem>>
      %dma_start3A_46 = arith.constant 0 : i32
      %dma_start3A_47 = tpu.memref_slice %arg5[%arg0, %run_scoped3A_43, %mul3A_1, %dma_start3A_46] : memref<2x2x10240x64xf32, #tpu.memory_space<hbm>> -> memref<1x1x640x64xf32, #tpu.memory_space<hbm>>
      %dma_start3A_48 = tpu.memref_squeeze %dma_start3A_47 : memref<1x1x640x64xf32, #tpu.memory_space<hbm>> -> memref<640x64xf32, #tpu.memory_space<hbm>>
      %dma_start3A_49 = arith.constant 0 : i32
      %dma_start3A_50 = tpu.memref_slice %arg10[%mul3A_1, %dma_start3A_49] : memref<10240x64xf32, #tpu.memory_space<vmem_shared>> -> memref<640x64xf32, #tpu.memory_space<vmem_shared>>
      tpu.enqueue_dma source(%dma_start3A_50 : memref<640x64xf32, #tpu.memory_space<vmem_shared>>) target(%dma_start3A_48 : memref<640x64xf32, #tpu.memory_space<hbm>>) target_semaphore(%run_scoped3A_45 : memref<!tpu.dma_semaphore, #tpu.memory_space<semaphore_mem>>)
      %dma_wait3A = arith.constant 0 : i32
      %dma_wait3A_51 = tpu.memref_slice %arg5[%arg0, %run_scoped3A_43, %mul3A_1, %dma_wait3A] : memref<2x2x10240x64xf32, #tpu.memory_space<hbm>> -> memref<1x1x640x64xf32, #tpu.memory_space<hbm>>
      %dma_wait3A_52 = tpu.memref_squeeze %dma_wait3A_51 : memref<1x1x640x64xf32, #tpu.memory_space<hbm>> -> memref<640x64xf32, #tpu.memory_space<hbm>>
      %dma_wait3A_53 = arith.constant 0 : i32
      %dma_wait3A_54 = tpu.memref_slice %arg10[%mul3A_1, %dma_wait3A_53] : memref<10240x64xf32, #tpu.memory_space<vmem_shared>> -> memref<640x64xf32, #tpu.memory_space<vmem_shared>>
      tpu.wait_dma2 semaphore(%run_scoped3A_45 : memref<!tpu.dma_semaphore, #tpu.memory_space<semaphore_mem>>) src(%dma_wait3A_54 : memref<640x64xf32, #tpu.memory_space<vmem_shared>>) dst(%dma_wait3A_52 : memref<640x64xf32, #tpu.memory_space<hbm>>)
      tpu.yield
    }) : () -> ()
    %barrier3A_44 = arith.constant 0 : index
    tpu.barrier barrier_id(%barrier3A_44)
    return
  }
}

#map = affine_map<(d0, d1) -> (0, 0, 0, 0)>
#map1 = affine_map<(d0, d1) -> (0, 0)>
module attributes {stable_mosaic.version = 14 : i64} {
  func.func @_segsum_body(%arg0: i32, %arg1: i32, %arg2: memref<2x2x10000x64xf32, #tpu.memory_space<hbm>>, %arg3: memref<2x16x160x125xi32, #tpu.memory_space<hbm>>, %arg4: memref<640x64xf32, #tpu.memory_space<hbm>>, %arg5: memref<2x2x10240x64xf32, #tpu.memory_space<hbm>>, %arg6: memref<160x125xi32, #tpu.memory_space<vmem>>, %arg7: memref<160x125xi32, #tpu.memory_space<vmem>>, %arg8: memref<125x64xf32, #tpu.memory_space<vmem>>, %arg9: memref<125x64xf32, #tpu.memory_space<vmem>>, %arg10: memref<10240x64xf32, #tpu.memory_space<vmem_shared>>, %arg11: memref<!tpu.dma_semaphore, #tpu.memory_space<semaphore_mem>>, %arg12: memref<!tpu.dma_semaphore, #tpu.memory_space<semaphore_mem>>, %arg13: memref<!tpu.dma_semaphore, #tpu.memory_space<semaphore_mem>>, %arg14: memref<!tpu.dma_semaphore, #tpu.memory_space<semaphore_mem>>) attributes {dimension_semantics = [#tpu.dimension_semantics<core_parallel>, #tpu.dimension_semantics<subcore_parallel>], iteration_bounds = array<i64: 2, 16>, scalar_prefetch = 0 : i64, scratch_operands = 9 : i64, tpu.core_type = #tpu.core_type<sc_vector_subcore>, window_params = [{transform_indices = #map}, {transform_indices = #map}, {transform_indices = #map1}, {transform_indices = #map}]} {
    %run_scoped3A = arith.constant 0 : i32
    "tpu.region"() ({
      %run_scoped3A_45 = tpu.sem_alloc : memref<!tpu.dma_semaphore, #tpu.memory_space<semaphore_mem>>
      %dma_start3A_46 = arith.constant 0 : i32
      %dma_start3A_47 = arith.constant 0 : i32
      %dma_start3A_48 = tpu.memref_slice %arg3[%run_scoped3A, %arg1, %dma_start3A_46, %dma_start3A_47] : memref<2x16x160x125xi32, #tpu.memory_space<hbm>> -> memref<1x1x160x125xi32, #tpu.memory_space<hbm>>
      %dma_start3A_49 = tpu.memref_squeeze %dma_start3A_48 : memref<1x1x160x125xi32, #tpu.memory_space<hbm>> -> memref<160x125xi32, #tpu.memory_space<hbm>>
      %dma_start3A_50 = arith.constant 0 : i32
      %dma_start3A_51 = arith.constant 0 : i32
      %dma_start3A_52 = tpu.memref_slice %arg3[%run_scoped3A, %arg1, %dma_start3A_50, %dma_start3A_51] : memref<2x16x160x125xi32, #tpu.memory_space<hbm>> -> memref<1x1x160x125xi32, #tpu.memory_space<hbm>>
      %dma_start3A_53 = tpu.memref_squeeze %dma_start3A_52 : memref<1x1x160x125xi32, #tpu.memory_space<hbm>> -> memref<160x125xi32, #tpu.memory_space<hbm>>
      tpu.enqueue_dma source(%dma_start3A_53 : memref<160x125xi32, #tpu.memory_space<hbm>>) target(%arg6 : memref<160x125xi32, #tpu.memory_space<vmem>>) target_semaphore(%run_scoped3A_45 : memref<!tpu.dma_semaphore, #tpu.memory_space<semaphore_mem>>)
      %dma_wait3A = arith.constant 0 : i32
      %dma_wait3A_54 = arith.constant 0 : i32
      %dma_wait3A_55 = tpu.memref_slice %arg3[%run_scoped3A, %arg1, %dma_wait3A, %dma_wait3A_54] : memref<2x16x160x125xi32, #tpu.memory_space<hbm>> -> memref<1x1x160x125xi32, #tpu.memory_space<hbm>>
      %dma_wait3A_56 = tpu.memref_squeeze %dma_wait3A_55 : memref<1x1x160x125xi32, #tpu.memory_space<hbm>> -> memref<160x125xi32, #tpu.memory_space<hbm>>
      %dma_wait3A_57 = arith.constant 0 : i32
      %dma_wait3A_58 = arith.constant 0 : i32
      %dma_wait3A_59 = tpu.memref_slice %arg3[%run_scoped3A, %arg1, %dma_wait3A_57, %dma_wait3A_58] : memref<2x16x160x125xi32, #tpu.memory_space<hbm>> -> memref<1x1x160x125xi32, #tpu.memory_space<hbm>>
      %dma_wait3A_60 = tpu.memref_squeeze %dma_wait3A_59 : memref<1x1x160x125xi32, #tpu.memory_space<hbm>> -> memref<160x125xi32, #tpu.memory_space<hbm>>
      tpu.wait_dma2 semaphore(%run_scoped3A_45 : memref<!tpu.dma_semaphore, #tpu.memory_space<semaphore_mem>>) src(%dma_wait3A_60 : memref<160x125xi32, #tpu.memory_space<hbm>>) dst(%arg6 : memref<160x125xi32, #tpu.memory_space<vmem>>)
      tpu.yield
    }) : () -> ()
    %run_scoped3A_0 = arith.constant 1 : i32
    "tpu.region"() ({
      %run_scoped3A_45 = tpu.sem_alloc : memref<!tpu.dma_semaphore, #tpu.memory_space<semaphore_mem>>
      %dma_start3A_46 = arith.constant 0 : i32
      %dma_start3A_47 = arith.constant 0 : i32
      %dma_start3A_48 = tpu.memref_slice %arg3[%run_scoped3A_0, %arg1, %dma_start3A_46, %dma_start3A_47] : memref<2x16x160x125xi32, #tpu.memory_space<hbm>> -> memref<1x1x160x125xi32, #tpu.memory_space<hbm>>
      %dma_start3A_49 = tpu.memref_squeeze %dma_start3A_48 : memref<1x1x160x125xi32, #tpu.memory_space<hbm>> -> memref<160x125xi32, #tpu.memory_space<hbm>>
      %dma_start3A_50 = arith.constant 0 : i32
      %dma_start3A_51 = arith.constant 0 : i32
      %dma_start3A_52 = tpu.memref_slice %arg3[%run_scoped3A_0, %arg1, %dma_start3A_50, %dma_start3A_51] : memref<2x16x160x125xi32, #tpu.memory_space<hbm>> -> memref<1x1x160x125xi32, #tpu.memory_space<hbm>>
      %dma_start3A_53 = tpu.memref_squeeze %dma_start3A_52 : memref<1x1x160x125xi32, #tpu.memory_space<hbm>> -> memref<160x125xi32, #tpu.memory_space<hbm>>
      tpu.enqueue_dma source(%dma_start3A_53 : memref<160x125xi32, #tpu.memory_space<hbm>>) target(%arg7 : memref<160x125xi32, #tpu.memory_space<vmem>>) target_semaphore(%run_scoped3A_45 : memref<!tpu.dma_semaphore, #tpu.memory_space<semaphore_mem>>)
      %dma_wait3A = arith.constant 0 : i32
      %dma_wait3A_54 = arith.constant 0 : i32
      %dma_wait3A_55 = tpu.memref_slice %arg3[%run_scoped3A_0, %arg1, %dma_wait3A, %dma_wait3A_54] : memref<2x16x160x125xi32, #tpu.memory_space<hbm>> -> memref<1x1x160x125xi32, #tpu.memory_space<hbm>>
      %dma_wait3A_56 = tpu.memref_squeeze %dma_wait3A_55 : memref<1x1x160x125xi32, #tpu.memory_space<hbm>> -> memref<160x125xi32, #tpu.memory_space<hbm>>
      %dma_wait3A_57 = arith.constant 0 : i32
      %dma_wait3A_58 = arith.constant 0 : i32
      %dma_wait3A_59 = tpu.memref_slice %arg3[%run_scoped3A_0, %arg1, %dma_wait3A_57, %dma_wait3A_58] : memref<2x16x160x125xi32, #tpu.memory_space<hbm>> -> memref<1x1x160x125xi32, #tpu.memory_space<hbm>>
      %dma_wait3A_60 = tpu.memref_squeeze %dma_wait3A_59 : memref<1x1x160x125xi32, #tpu.memory_space<hbm>> -> memref<160x125xi32, #tpu.memory_space<hbm>>
      tpu.wait_dma2 semaphore(%run_scoped3A_45 : memref<!tpu.dma_semaphore, #tpu.memory_space<semaphore_mem>>) src(%dma_wait3A_60 : memref<160x125xi32, #tpu.memory_space<hbm>>) dst(%arg7 : memref<160x125xi32, #tpu.memory_space<vmem>>)
      tpu.yield
    }) : () -> ()
    %mul3A = arith.constant 640 : i32
    %mul3A_1 = arith.muli %arg1, %mul3A : i32
    "tpu.region"() ({
      %run_scoped3A_45 = tpu.sem_alloc : memref<!tpu.dma_semaphore, #tpu.memory_space<semaphore_mem>>
      %dma_start3A_46 = arith.constant 0 : i32
      %dma_start3A_47 = tpu.memref_slice %arg10[%mul3A_1, %dma_start3A_46] : memref<10240x64xf32, #tpu.memory_space<vmem_shared>> -> memref<640x64xf32, #tpu.memory_space<vmem_shared>>
      tpu.enqueue_dma source(%arg4 : memref<640x64xf32, #tpu.memory_space<hbm>>) target(%dma_start3A_47 : memref<640x64xf32, #tpu.memory_space<vmem_shared>>) target_semaphore(%run_scoped3A_45 : memref<!tpu.dma_semaphore, #tpu.memory_space<semaphore_mem>>)
      %dma_wait3A = arith.constant 0 : i32
      %dma_wait3A_48 = tpu.memref_slice %arg10[%mul3A_1, %dma_wait3A] : memref<10240x64xf32, #tpu.memory_space<vmem_shared>> -> memref<640x64xf32, #tpu.memory_space<vmem_shared>>
      tpu.wait_dma2 semaphore(%run_scoped3A_45 : memref<!tpu.dma_semaphore, #tpu.memory_space<semaphore_mem>>) src(%arg4 : memref<640x64xf32, #tpu.memory_space<hbm>>) dst(%dma_wait3A_48 : memref<640x64xf32, #tpu.memory_space<vmem_shared>>)
      tpu.yield
    }) : () -> ()
    %barrier3A = arith.constant 0 : index
    tpu.barrier barrier_id(%barrier3A)
    %dma_start3A = arith.constant 0 : i32
    %dma_start3A_2 = arith.constant 0 : i32
    %dma_start3A_3 = arith.constant 0 : i32
    %dma_start3A_4 = tpu.memref_slice %arg6[%dma_start3A_2, %dma_start3A_3] : memref<160x125xi32, #tpu.memory_space<vmem>> -> memref<1x125xi32, #tpu.memory_space<vmem>>
    %dma_start3A_5 = tpu.memref_squeeze %dma_start3A_4 : memref<1x125xi32, #tpu.memory_space<vmem>> -> memref<125xi32, #tpu.memory_space<vmem>>
    %dma_start3A_6 = arith.constant 0 : i32
    %dma_start3A_7 = arith.constant 0 : i32
    %dma_start3A_8 = tpu.memref_slice %arg2[%arg0, %dma_start3A, %dma_start3A_6, %dma_start3A_7] : memref<2x2x10000x64xf32, #tpu.memory_space<hbm>> -> memref<1x1x10000x64xf32, #tpu.memory_space<hbm>>
    %dma_start3A_9 = tpu.memref_squeeze %dma_start3A_8 : memref<1x1x10000x64xf32, #tpu.memory_space<hbm>> -> memref<10000x64xf32, #tpu.memory_space<hbm>>
    %dma_start3A_10 = arith.constant 0 : i32
    %dma_start3A_11 = arith.constant 0 : i32
    %dma_start3A_12 = tpu.memref_slice %dma_start3A_9[%dma_start3A_10, %dma_start3A_11] : memref<10000x64xf32, #tpu.memory_space<hbm>> -> memref<10000x64xf32, #tpu.memory_space<hbm>>
    tpu.enqueue_indirect_dma source(%dma_start3A_12 : memref<10000x64xf32, #tpu.memory_space<hbm>>) target(%arg8 : memref<125x64xf32, #tpu.memory_space<vmem>>) offsets(%dma_start3A_5 : memref<125xi32, #tpu.memory_space<vmem>>) semaphore(%arg11 : memref<!tpu.dma_semaphore, #tpu.memory_space<semaphore_mem>>)
    %scan3A = arith.constant 0 : i32
    %scan3A_13 = arith.constant 0 : i32
    %scan3A_14 = arith.constant 0 : i32
    %scan3A_15 = arith.constant 80 : i32
    %scan3A_16 = arith.addi %scan3A_14, %scan3A_15 : i32
    %scan3A_17 = arith.constant 1 : i32
    scf.for %scan3A_45 = %scan3A_14 to %scan3A_16 step %scan3A_17  : i32 {
      %mul3A_46 = arith.constant 2 : i32
      %mul3A_47 = arith.muli %mul3A_46, %scan3A_45 : i32
      %add3A = arith.constant 1 : i32
      %add3A_48 = arith.addi %mul3A_47, %add3A : i32
      %dma_start3A_49 = arith.constant 0 : i32
      %dma_start3A_50 = tpu.memref_slice %arg6[%add3A_48, %dma_start3A_49] : memref<160x125xi32, #tpu.memory_space<vmem>> -> memref<1x125xi32, #tpu.memory_space<vmem>>
      %dma_start3A_51 = tpu.memref_squeeze %dma_start3A_50 : memref<1x125xi32, #tpu.memory_space<vmem>> -> memref<125xi32, #tpu.memory_space<vmem>>
      %dma_start3A_52 = arith.constant 0 : i32
      %dma_start3A_53 = arith.constant 0 : i32
      %dma_start3A_54 = tpu.memref_slice %arg2[%arg0, %scan3A_13, %dma_start3A_52, %dma_start3A_53] : memref<2x2x10000x64xf32, #tpu.memory_space<hbm>> -> memref<1x1x10000x64xf32, #tpu.memory_space<hbm>>
      %dma_start3A_55 = tpu.memref_squeeze %dma_start3A_54 : memref<1x1x10000x64xf32, #tpu.memory_space<hbm>> -> memref<10000x64xf32, #tpu.memory_space<hbm>>
      %dma_start3A_56 = arith.constant 0 : i32
      %dma_start3A_57 = arith.constant 0 : i32
      %dma_start3A_58 = tpu.memref_slice %dma_start3A_55[%dma_start3A_56, %dma_start3A_57] : memref<10000x64xf32, #tpu.memory_space<hbm>> -> memref<10000x64xf32, #tpu.memory_space<hbm>>
      tpu.enqueue_indirect_dma source(%dma_start3A_58 : memref<10000x64xf32, #tpu.memory_space<hbm>>) target(%arg9 : memref<125x64xf32, #tpu.memory_space<vmem>>) offsets(%dma_start3A_51 : memref<125xi32, #tpu.memory_space<vmem>>) semaphore(%arg12 : memref<!tpu.dma_semaphore, #tpu.memory_space<semaphore_mem>>)
      %dma_wait3A = arith.constant 0 : i32
      %dma_wait3A_59 = tpu.memref_slice %arg6[%mul3A_47, %dma_wait3A] : memref<160x125xi32, #tpu.memory_space<vmem>> -> memref<1x125xi32, #tpu.memory_space<vmem>>
      %dma_wait3A_60 = tpu.memref_squeeze %dma_wait3A_59 : memref<1x125xi32, #tpu.memory_space<vmem>> -> memref<125xi32, #tpu.memory_space<vmem>>
      %dma_wait3A_61 = arith.constant 0 : i32
      %dma_wait3A_62 = arith.constant 0 : i32
      %dma_wait3A_63 = tpu.memref_slice %arg2[%arg0, %scan3A_13, %dma_wait3A_61, %dma_wait3A_62] : memref<2x2x10000x64xf32, #tpu.memory_space<hbm>> -> memref<1x1x10000x64xf32, #tpu.memory_space<hbm>>
      %dma_wait3A_64 = tpu.memref_squeeze %dma_wait3A_63 : memref<1x1x10000x64xf32, #tpu.memory_space<hbm>> -> memref<10000x64xf32, #tpu.memory_space<hbm>>
      %dma_wait3A_65 = arith.constant 0 : i32
      %dma_wait3A_66 = arith.constant 0 : i32
      %dma_wait3A_67 = tpu.memref_slice %dma_wait3A_64[%dma_wait3A_65, %dma_wait3A_66] : memref<10000x64xf32, #tpu.memory_space<hbm>> -> memref<10000x64xf32, #tpu.memory_space<hbm>>
      tpu.wait_indirect_dma semaphore(%arg11 : memref<!tpu.dma_semaphore, #tpu.memory_space<semaphore_mem>>) src(%dma_wait3A_67 : memref<10000x64xf32, #tpu.memory_space<hbm>>) dst(%arg8 : memref<125x64xf32, #tpu.memory_space<vmem>>)
      "tpu.region"() ({
        %run_scoped3A_86 = tpu.sem_alloc : memref<!tpu.dma_semaphore, #tpu.memory_space<semaphore_mem>>
        %dma_start3A_87 = arith.constant 0 : i32
        %dma_start3A_88 = tpu.memref_slice %arg7[%mul3A_47, %dma_start3A_87] : memref<160x125xi32, #tpu.memory_space<vmem>> -> memref<1x125xi32, #tpu.memory_space<vmem>>
        %dma_start3A_89 = tpu.memref_squeeze %dma_start3A_88 : memref<1x125xi32, #tpu.memory_space<vmem>> -> memref<125xi32, #tpu.memory_space<vmem>>
        %dma_start3A_90 = arith.constant 0 : i32
        %dma_start3A_91 = arith.constant 0 : i32
        %dma_start3A_92 = tpu.memref_slice %arg10[%dma_start3A_90, %dma_start3A_91] : memref<10240x64xf32, #tpu.memory_space<vmem_shared>> -> memref<10240x64xf32, #tpu.memory_space<vmem_shared>>
        tpu.enqueue_indirect_dma source(%arg8 : memref<125x64xf32, #tpu.memory_space<vmem>>) target(%dma_start3A_92 : memref<10240x64xf32, #tpu.memory_space<vmem_shared>>) offsets(%dma_start3A_89 : memref<125xi32, #tpu.memory_space<vmem>>) semaphore(%run_scoped3A_86 : memref<!tpu.dma_semaphore, #tpu.memory_space<semaphore_mem>>) {add = true}
        %dma_wait3A_93 = arith.constant 0 : i32
        %dma_wait3A_94 = tpu.memref_slice %arg7[%mul3A_47, %dma_wait3A_93] : memref<160x125xi32, #tpu.memory_space<vmem>> -> memref<1x125xi32, #tpu.memory_space<vmem>>
        %dma_wait3A_95 = tpu.memref_squeeze %dma_wait3A_94 : memref<1x125xi32, #tpu.memory_space<vmem>> -> memref<125xi32, #tpu.memory_space<vmem>>
        %dma_wait3A_96 = arith.constant 0 : i32
        %dma_wait3A_97 = arith.constant 0 : i32
        %dma_wait3A_98 = tpu.memref_slice %arg10[%dma_wait3A_96, %dma_wait3A_97] : memref<10240x64xf32, #tpu.memory_space<vmem_shared>> -> memref<10240x64xf32, #tpu.memory_space<vmem_shared>>
        tpu.wait_indirect_dma semaphore(%run_scoped3A_86 : memref<!tpu.dma_semaphore, #tpu.memory_space<semaphore_mem>>) src(%arg8 : memref<125x64xf32, #tpu.memory_space<vmem>>) dst(%dma_wait3A_98 : memref<10240x64xf32, #tpu.memory_space<vmem_shared>>)
        tpu.yield
      }) : () -> ()
      %add3A_68 = arith.constant 2 : i32
      %add3A_69 = arith.addi %mul3A_47, %add3A_68 : i32
      %lt3A = arith.constant 160 : i32
      %lt3A_70 = arith.cmpi slt, %add3A_69, %lt3A : i32
      %convert_element_type3A = arith.extui %lt3A_70 : i1 to i32
      %cond3A = arith.constant 0 : i32
      %cond3A_71 = arith.cmpi ne, %convert_element_type3A, %cond3A : i32
      scf.if %cond3A_71 {
        %add3A_86 = arith.constant 2 : i32
        %add3A_87 = arith.addi %mul3A_47, %add3A_86 : i32
        %dma_start3A_88 = arith.constant 0 : i32
        %dma_start3A_89 = tpu.memref_slice %arg6[%add3A_87, %dma_start3A_88] : memref<160x125xi32, #tpu.memory_space<vmem>> -> memref<1x125xi32, #tpu.memory_space<vmem>>
        %dma_start3A_90 = tpu.memref_squeeze %dma_start3A_89 : memref<1x125xi32, #tpu.memory_space<vmem>> -> memref<125xi32, #tpu.memory_space<vmem>>
        %dma_start3A_91 = arith.constant 0 : i32
        %dma_start3A_92 = arith.constant 0 : i32
        %dma_start3A_93 = tpu.memref_slice %arg2[%arg0, %scan3A_13, %dma_start3A_91, %dma_start3A_92] : memref<2x2x10000x64xf32, #tpu.memory_space<hbm>> -> memref<1x1x10000x64xf32, #tpu.memory_space<hbm>>
        %dma_start3A_94 = tpu.memref_squeeze %dma_start3A_93 : memref<1x1x10000x64xf32, #tpu.memory_space<hbm>> -> memref<10000x64xf32, #tpu.memory_space<hbm>>
        %dma_start3A_95 = arith.constant 0 : i32
        %dma_start3A_96 = arith.constant 0 : i32
        %dma_start3A_97 = tpu.memref_slice %dma_start3A_94[%dma_start3A_95, %dma_start3A_96] : memref<10000x64xf32, #tpu.memory_space<hbm>> -> memref<10000x64xf32, #tpu.memory_space<hbm>>
        tpu.enqueue_indirect_dma source(%dma_start3A_97 : memref<10000x64xf32, #tpu.memory_space<hbm>>) target(%arg8 : memref<125x64xf32, #tpu.memory_space<vmem>>) offsets(%dma_start3A_90 : memref<125xi32, #tpu.memory_space<vmem>>) semaphore(%arg11 : memref<!tpu.dma_semaphore, #tpu.memory_space<semaphore_mem>>)
      } else {
      }
      %add3A_72 = arith.constant 1 : i32
      %add3A_73 = arith.addi %mul3A_47, %add3A_72 : i32
      %dma_wait3A_74 = arith.constant 0 : i32
      %dma_wait3A_75 = tpu.memref_slice %arg6[%add3A_73, %dma_wait3A_74] : memref<160x125xi32, #tpu.memory_space<vmem>> -> memref<1x125xi32, #tpu.memory_space<vmem>>
      %dma_wait3A_76 = tpu.memref_squeeze %dma_wait3A_75 : memref<1x125xi32, #tpu.memory_space<vmem>> -> memref<125xi32, #tpu.memory_space<vmem>>
      %dma_wait3A_77 = arith.constant 0 : i32
      %dma_wait3A_78 = arith.constant 0 : i32
      %dma_wait3A_79 = tpu.memref_slice %arg2[%arg0, %scan3A_13, %dma_wait3A_77, %dma_wait3A_78] : memref<2x2x10000x64xf32, #tpu.memory_space<hbm>> -> memref<1x1x10000x64xf32, #tpu.memory_space<hbm>>
      %dma_wait3A_80 = tpu.memref_squeeze %dma_wait3A_79 : memref<1x1x10000x64xf32, #tpu.memory_space<hbm>> -> memref<10000x64xf32, #tpu.memory_space<hbm>>
      %dma_wait3A_81 = arith.constant 0 : i32
      %dma_wait3A_82 = arith.constant 0 : i32
      %dma_wait3A_83 = tpu.memref_slice %dma_wait3A_80[%dma_wait3A_81, %dma_wait3A_82] : memref<10000x64xf32, #tpu.memory_space<hbm>> -> memref<10000x64xf32, #tpu.memory_space<hbm>>
      tpu.wait_indirect_dma semaphore(%arg12 : memref<!tpu.dma_semaphore, #tpu.memory_space<semaphore_mem>>) src(%dma_wait3A_83 : memref<10000x64xf32, #tpu.memory_space<hbm>>) dst(%arg9 : memref<125x64xf32, #tpu.memory_space<vmem>>)
      %add3A_84 = arith.constant 1 : i32
      %add3A_85 = arith.addi %mul3A_47, %add3A_84 : i32
      "tpu.region"() ({
        %run_scoped3A_86 = tpu.sem_alloc : memref<!tpu.dma_semaphore, #tpu.memory_space<semaphore_mem>>
        %dma_start3A_87 = arith.constant 0 : i32
        %dma_start3A_88 = tpu.memref_slice %arg7[%add3A_85, %dma_start3A_87] : memref<160x125xi32, #tpu.memory_space<vmem>> -> memref<1x125xi32, #tpu.memory_space<vmem>>
        %dma_start3A_89 = tpu.memref_squeeze %dma_start3A_88 : memref<1x125xi32, #tpu.memory_space<vmem>> -> memref<125xi32, #tpu.memory_space<vmem>>
        %dma_start3A_90 = arith.constant 0 : i32
        %dma_start3A_91 = arith.constant 0 : i32
        %dma_start3A_92 = tpu.memref_slice %arg10[%dma_start3A_90, %dma_start3A_91] : memref<10240x64xf32, #tpu.memory_space<vmem_shared>> -> memref<10240x64xf32, #tpu.memory_space<vmem_shared>>
        tpu.enqueue_indirect_dma source(%arg9 : memref<125x64xf32, #tpu.memory_space<vmem>>) target(%dma_start3A_92 : memref<10240x64xf32, #tpu.memory_space<vmem_shared>>) offsets(%dma_start3A_89 : memref<125xi32, #tpu.memory_space<vmem>>) semaphore(%run_scoped3A_86 : memref<!tpu.dma_semaphore, #tpu.memory_space<semaphore_mem>>) {add = true}
        %dma_wait3A_93 = arith.constant 0 : i32
        %dma_wait3A_94 = tpu.memref_slice %arg7[%add3A_85, %dma_wait3A_93] : memref<160x125xi32, #tpu.memory_space<vmem>> -> memref<1x125xi32, #tpu.memory_space<vmem>>
        %dma_wait3A_95 = tpu.memref_squeeze %dma_wait3A_94 : memref<1x125xi32, #tpu.memory_space<vmem>> -> memref<125xi32, #tpu.memory_space<vmem>>
        %dma_wait3A_96 = arith.constant 0 : i32
        %dma_wait3A_97 = arith.constant 0 : i32
        %dma_wait3A_98 = tpu.memref_slice %arg10[%dma_wait3A_96, %dma_wait3A_97] : memref<10240x64xf32, #tpu.memory_space<vmem_shared>> -> memref<10240x64xf32, #tpu.memory_space<vmem_shared>>
        tpu.wait_indirect_dma semaphore(%run_scoped3A_86 : memref<!tpu.dma_semaphore, #tpu.memory_space<semaphore_mem>>) src(%arg9 : memref<125x64xf32, #tpu.memory_space<vmem>>) dst(%dma_wait3A_98 : memref<10240x64xf32, #tpu.memory_space<vmem_shared>>)
        tpu.yield
      }) : () -> ()
    }
    %scan3A_18 = arith.constant 80 : i32
    %barrier3A_19 = arith.constant 0 : index
    tpu.barrier barrier_id(%barrier3A_19)
    %run_scoped3A_20 = arith.constant 0 : i32
    "tpu.region"() ({
      %run_scoped3A_45 = tpu.sem_alloc : memref<!tpu.dma_semaphore, #tpu.memory_space<semaphore_mem>>
      %dma_start3A_46 = arith.constant 0 : i32
      %dma_start3A_47 = tpu.memref_slice %arg5[%arg0, %run_scoped3A_20, %mul3A_1, %dma_start3A_46] : memref<2x2x10240x64xf32, #tpu.memory_space<hbm>> -> memref<1x1x640x64xf32, #tpu.memory_space<hbm>>
      %dma_start3A_48 = tpu.memref_squeeze %dma_start3A_47 : memref<1x1x640x64xf32, #tpu.memory_space<hbm>> -> memref<640x64xf32, #tpu.memory_space<hbm>>
      %dma_start3A_49 = arith.constant 0 : i32
      %dma_start3A_50 = tpu.memref_slice %arg10[%mul3A_1, %dma_start3A_49] : memref<10240x64xf32, #tpu.memory_space<vmem_shared>> -> memref<640x64xf32, #tpu.memory_space<vmem_shared>>
      tpu.enqueue_dma source(%dma_start3A_50 : memref<640x64xf32, #tpu.memory_space<vmem_shared>>) target(%dma_start3A_48 : memref<640x64xf32, #tpu.memory_space<hbm>>) target_semaphore(%run_scoped3A_45 : memref<!tpu.dma_semaphore, #tpu.memory_space<semaphore_mem>>)
      %dma_wait3A = arith.constant 0 : i32
      %dma_wait3A_51 = tpu.memref_slice %arg5[%arg0, %run_scoped3A_20, %mul3A_1, %dma_wait3A] : memref<2x2x10240x64xf32, #tpu.memory_space<hbm>> -> memref<1x1x640x64xf32, #tpu.memory_space<hbm>>
      %dma_wait3A_52 = tpu.memref_squeeze %dma_wait3A_51 : memref<1x1x640x64xf32, #tpu.memory_space<hbm>> -> memref<640x64xf32, #tpu.memory_space<hbm>>
      %dma_wait3A_53 = arith.constant 0 : i32
      %dma_wait3A_54 = tpu.memref_slice %arg10[%mul3A_1, %dma_wait3A_53] : memref<10240x64xf32, #tpu.memory_space<vmem_shared>> -> memref<640x64xf32, #tpu.memory_space<vmem_shared>>
      tpu.wait_dma2 semaphore(%run_scoped3A_45 : memref<!tpu.dma_semaphore, #tpu.memory_space<semaphore_mem>>) src(%dma_wait3A_54 : memref<640x64xf32, #tpu.memory_space<vmem_shared>>) dst(%dma_wait3A_52 : memref<640x64xf32, #tpu.memory_space<hbm>>)
      tpu.yield
    }) : () -> ()
    %barrier3A_21 = arith.constant 0 : index
    tpu.barrier barrier_id(%barrier3A_21)
    "tpu.region"() ({
      %run_scoped3A_45 = tpu.sem_alloc : memref<!tpu.dma_semaphore, #tpu.memory_space<semaphore_mem>>
      %dma_start3A_46 = arith.constant 0 : i32
      %dma_start3A_47 = tpu.memref_slice %arg10[%mul3A_1, %dma_start3A_46] : memref<10240x64xf32, #tpu.memory_space<vmem_shared>> -> memref<640x64xf32, #tpu.memory_space<vmem_shared>>
      tpu.enqueue_dma source(%arg4 : memref<640x64xf32, #tpu.memory_space<hbm>>) target(%dma_start3A_47 : memref<640x64xf32, #tpu.memory_space<vmem_shared>>) target_semaphore(%run_scoped3A_45 : memref<!tpu.dma_semaphore, #tpu.memory_space<semaphore_mem>>)
      %dma_wait3A = arith.constant 0 : i32
      %dma_wait3A_48 = tpu.memref_slice %arg10[%mul3A_1, %dma_wait3A] : memref<10240x64xf32, #tpu.memory_space<vmem_shared>> -> memref<640x64xf32, #tpu.memory_space<vmem_shared>>
      tpu.wait_dma2 semaphore(%run_scoped3A_45 : memref<!tpu.dma_semaphore, #tpu.memory_space<semaphore_mem>>) src(%arg4 : memref<640x64xf32, #tpu.memory_space<hbm>>) dst(%dma_wait3A_48 : memref<640x64xf32, #tpu.memory_space<vmem_shared>>)
      tpu.yield
    }) : () -> ()
    %barrier3A_22 = arith.constant 0 : index
    tpu.barrier barrier_id(%barrier3A_22)
    %dma_start3A_23 = arith.constant 1 : i32
    %dma_start3A_24 = arith.constant 0 : i32
    %dma_start3A_25 = arith.constant 0 : i32
    %dma_start3A_26 = tpu.memref_slice %arg6[%dma_start3A_24, %dma_start3A_25] : memref<160x125xi32, #tpu.memory_space<vmem>> -> memref<1x125xi32, #tpu.memory_space<vmem>>
    %dma_start3A_27 = tpu.memref_squeeze %dma_start3A_26 : memref<1x125xi32, #tpu.memory_space<vmem>> -> memref<125xi32, #tpu.memory_space<vmem>>
    %dma_start3A_28 = arith.constant 0 : i32
    %dma_start3A_29 = arith.constant 0 : i32
    %dma_start3A_30 = tpu.memref_slice %arg2[%arg0, %dma_start3A_23, %dma_start3A_28, %dma_start3A_29] : memref<2x2x10000x64xf32, #tpu.memory_space<hbm>> -> memref<1x1x10000x64xf32, #tpu.memory_space<hbm>>
    %dma_start3A_31 = tpu.memref_squeeze %dma_start3A_30 : memref<1x1x10000x64xf32, #tpu.memory_space<hbm>> -> memref<10000x64xf32, #tpu.memory_space<hbm>>
    %dma_start3A_32 = arith.constant 0 : i32
    %dma_start3A_33 = arith.constant 0 : i32
    %dma_start3A_34 = tpu.memref_slice %dma_start3A_31[%dma_start3A_32, %dma_start3A_33] : memref<10000x64xf32, #tpu.memory_space<hbm>> -> memref<10000x64xf32, #tpu.memory_space<hbm>>
    tpu.enqueue_indirect_dma source(%dma_start3A_34 : memref<10000x64xf32, #tpu.memory_space<hbm>>) target(%arg8 : memref<125x64xf32, #tpu.memory_space<vmem>>) offsets(%dma_start3A_27 : memref<125xi32, #tpu.memory_space<vmem>>) semaphore(%arg11 : memref<!tpu.dma_semaphore, #tpu.memory_space<semaphore_mem>>)
    %scan3A_35 = arith.constant 0 : i32
    %scan3A_36 = arith.constant 1 : i32
    %scan3A_37 = arith.constant 0 : i32
    %scan3A_38 = arith.constant 80 : i32
    %scan3A_39 = arith.addi %scan3A_37, %scan3A_38 : i32
    %scan3A_40 = arith.constant 1 : i32
    scf.for %scan3A_45 = %scan3A_37 to %scan3A_39 step %scan3A_40  : i32 {
      %mul3A_46 = arith.constant 2 : i32
      %mul3A_47 = arith.muli %mul3A_46, %scan3A_45 : i32
      %add3A = arith.constant 1 : i32
      %add3A_48 = arith.addi %mul3A_47, %add3A : i32
      %dma_start3A_49 = arith.constant 0 : i32
      %dma_start3A_50 = tpu.memref_slice %arg6[%add3A_48, %dma_start3A_49] : memref<160x125xi32, #tpu.memory_space<vmem>> -> memref<1x125xi32, #tpu.memory_space<vmem>>
      %dma_start3A_51 = tpu.memref_squeeze %dma_start3A_50 : memref<1x125xi32, #tpu.memory_space<vmem>> -> memref<125xi32, #tpu.memory_space<vmem>>
      %dma_start3A_52 = arith.constant 0 : i32
      %dma_start3A_53 = arith.constant 0 : i32
      %dma_start3A_54 = tpu.memref_slice %arg2[%arg0, %scan3A_36, %dma_start3A_52, %dma_start3A_53] : memref<2x2x10000x64xf32, #tpu.memory_space<hbm>> -> memref<1x1x10000x64xf32, #tpu.memory_space<hbm>>
      %dma_start3A_55 = tpu.memref_squeeze %dma_start3A_54 : memref<1x1x10000x64xf32, #tpu.memory_space<hbm>> -> memref<10000x64xf32, #tpu.memory_space<hbm>>
      %dma_start3A_56 = arith.constant 0 : i32
      %dma_start3A_57 = arith.constant 0 : i32
      %dma_start3A_58 = tpu.memref_slice %dma_start3A_55[%dma_start3A_56, %dma_start3A_57] : memref<10000x64xf32, #tpu.memory_space<hbm>> -> memref<10000x64xf32, #tpu.memory_space<hbm>>
      tpu.enqueue_indirect_dma source(%dma_start3A_58 : memref<10000x64xf32, #tpu.memory_space<hbm>>) target(%arg9 : memref<125x64xf32, #tpu.memory_space<vmem>>) offsets(%dma_start3A_51 : memref<125xi32, #tpu.memory_space<vmem>>) semaphore(%arg12 : memref<!tpu.dma_semaphore, #tpu.memory_space<semaphore_mem>>)
      %dma_wait3A = arith.constant 0 : i32
      %dma_wait3A_59 = tpu.memref_slice %arg6[%mul3A_47, %dma_wait3A] : memref<160x125xi32, #tpu.memory_space<vmem>> -> memref<1x125xi32, #tpu.memory_space<vmem>>
      %dma_wait3A_60 = tpu.memref_squeeze %dma_wait3A_59 : memref<1x125xi32, #tpu.memory_space<vmem>> -> memref<125xi32, #tpu.memory_space<vmem>>
      %dma_wait3A_61 = arith.constant 0 : i32
      %dma_wait3A_62 = arith.constant 0 : i32
      %dma_wait3A_63 = tpu.memref_slice %arg2[%arg0, %scan3A_36, %dma_wait3A_61, %dma_wait3A_62] : memref<2x2x10000x64xf32, #tpu.memory_space<hbm>> -> memref<1x1x10000x64xf32, #tpu.memory_space<hbm>>
      %dma_wait3A_64 = tpu.memref_squeeze %dma_wait3A_63 : memref<1x1x10000x64xf32, #tpu.memory_space<hbm>> -> memref<10000x64xf32, #tpu.memory_space<hbm>>
      %dma_wait3A_65 = arith.constant 0 : i32
      %dma_wait3A_66 = arith.constant 0 : i32
      %dma_wait3A_67 = tpu.memref_slice %dma_wait3A_64[%dma_wait3A_65, %dma_wait3A_66] : memref<10000x64xf32, #tpu.memory_space<hbm>> -> memref<10000x64xf32, #tpu.memory_space<hbm>>
      tpu.wait_indirect_dma semaphore(%arg11 : memref<!tpu.dma_semaphore, #tpu.memory_space<semaphore_mem>>) src(%dma_wait3A_67 : memref<10000x64xf32, #tpu.memory_space<hbm>>) dst(%arg8 : memref<125x64xf32, #tpu.memory_space<vmem>>)
      "tpu.region"() ({
        %run_scoped3A_86 = tpu.sem_alloc : memref<!tpu.dma_semaphore, #tpu.memory_space<semaphore_mem>>
        %dma_start3A_87 = arith.constant 0 : i32
        %dma_start3A_88 = tpu.memref_slice %arg7[%mul3A_47, %dma_start3A_87] : memref<160x125xi32, #tpu.memory_space<vmem>> -> memref<1x125xi32, #tpu.memory_space<vmem>>
        %dma_start3A_89 = tpu.memref_squeeze %dma_start3A_88 : memref<1x125xi32, #tpu.memory_space<vmem>> -> memref<125xi32, #tpu.memory_space<vmem>>
        %dma_start3A_90 = arith.constant 0 : i32
        %dma_start3A_91 = arith.constant 0 : i32
        %dma_start3A_92 = tpu.memref_slice %arg10[%dma_start3A_90, %dma_start3A_91] : memref<10240x64xf32, #tpu.memory_space<vmem_shared>> -> memref<10240x64xf32, #tpu.memory_space<vmem_shared>>
        tpu.enqueue_indirect_dma source(%arg8 : memref<125x64xf32, #tpu.memory_space<vmem>>) target(%dma_start3A_92 : memref<10240x64xf32, #tpu.memory_space<vmem_shared>>) offsets(%dma_start3A_89 : memref<125xi32, #tpu.memory_space<vmem>>) semaphore(%run_scoped3A_86 : memref<!tpu.dma_semaphore, #tpu.memory_space<semaphore_mem>>) {add = true}
        %dma_wait3A_93 = arith.constant 0 : i32
        %dma_wait3A_94 = tpu.memref_slice %arg7[%mul3A_47, %dma_wait3A_93] : memref<160x125xi32, #tpu.memory_space<vmem>> -> memref<1x125xi32, #tpu.memory_space<vmem>>
        %dma_wait3A_95 = tpu.memref_squeeze %dma_wait3A_94 : memref<1x125xi32, #tpu.memory_space<vmem>> -> memref<125xi32, #tpu.memory_space<vmem>>
        %dma_wait3A_96 = arith.constant 0 : i32
        %dma_wait3A_97 = arith.constant 0 : i32
        %dma_wait3A_98 = tpu.memref_slice %arg10[%dma_wait3A_96, %dma_wait3A_97] : memref<10240x64xf32, #tpu.memory_space<vmem_shared>> -> memref<10240x64xf32, #tpu.memory_space<vmem_shared>>
        tpu.wait_indirect_dma semaphore(%run_scoped3A_86 : memref<!tpu.dma_semaphore, #tpu.memory_space<semaphore_mem>>) src(%arg8 : memref<125x64xf32, #tpu.memory_space<vmem>>) dst(%dma_wait3A_98 : memref<10240x64xf32, #tpu.memory_space<vmem_shared>>)
        tpu.yield
      }) : () -> ()
      %add3A_68 = arith.constant 2 : i32
      %add3A_69 = arith.addi %mul3A_47, %add3A_68 : i32
      %lt3A = arith.constant 160 : i32
      %lt3A_70 = arith.cmpi slt, %add3A_69, %lt3A : i32
      %convert_element_type3A = arith.extui %lt3A_70 : i1 to i32
      %cond3A = arith.constant 0 : i32
      %cond3A_71 = arith.cmpi ne, %convert_element_type3A, %cond3A : i32
      scf.if %cond3A_71 {
        %add3A_86 = arith.constant 2 : i32
        %add3A_87 = arith.addi %mul3A_47, %add3A_86 : i32
        %dma_start3A_88 = arith.constant 0 : i32
        %dma_start3A_89 = tpu.memref_slice %arg6[%add3A_87, %dma_start3A_88] : memref<160x125xi32, #tpu.memory_space<vmem>> -> memref<1x125xi32, #tpu.memory_space<vmem>>
        %dma_start3A_90 = tpu.memref_squeeze %dma_start3A_89 : memref<1x125xi32, #tpu.memory_space<vmem>> -> memref<125xi32, #tpu.memory_space<vmem>>
        %dma_start3A_91 = arith.constant 0 : i32
        %dma_start3A_92 = arith.constant 0 : i32
        %dma_start3A_93 = tpu.memref_slice %arg2[%arg0, %scan3A_36, %dma_start3A_91, %dma_start3A_92] : memref<2x2x10000x64xf32, #tpu.memory_space<hbm>> -> memref<1x1x10000x64xf32, #tpu.memory_space<hbm>>
        %dma_start3A_94 = tpu.memref_squeeze %dma_start3A_93 : memref<1x1x10000x64xf32, #tpu.memory_space<hbm>> -> memref<10000x64xf32, #tpu.memory_space<hbm>>
        %dma_start3A_95 = arith.constant 0 : i32
        %dma_start3A_96 = arith.constant 0 : i32
        %dma_start3A_97 = tpu.memref_slice %dma_start3A_94[%dma_start3A_95, %dma_start3A_96] : memref<10000x64xf32, #tpu.memory_space<hbm>> -> memref<10000x64xf32, #tpu.memory_space<hbm>>
        tpu.enqueue_indirect_dma source(%dma_start3A_97 : memref<10000x64xf32, #tpu.memory_space<hbm>>) target(%arg8 : memref<125x64xf32, #tpu.memory_space<vmem>>) offsets(%dma_start3A_90 : memref<125xi32, #tpu.memory_space<vmem>>) semaphore(%arg11 : memref<!tpu.dma_semaphore, #tpu.memory_space<semaphore_mem>>)
      } else {
      }
      %add3A_72 = arith.constant 1 : i32
      %add3A_73 = arith.addi %mul3A_47, %add3A_72 : i32
      %dma_wait3A_74 = arith.constant 0 : i32
      %dma_wait3A_75 = tpu.memref_slice %arg6[%add3A_73, %dma_wait3A_74] : memref<160x125xi32, #tpu.memory_space<vmem>> -> memref<1x125xi32, #tpu.memory_space<vmem>>
      %dma_wait3A_76 = tpu.memref_squeeze %dma_wait3A_75 : memref<1x125xi32, #tpu.memory_space<vmem>> -> memref<125xi32, #tpu.memory_space<vmem>>
      %dma_wait3A_77 = arith.constant 0 : i32
      %dma_wait3A_78 = arith.constant 0 : i32
      %dma_wait3A_79 = tpu.memref_slice %arg2[%arg0, %scan3A_36, %dma_wait3A_77, %dma_wait3A_78] : memref<2x2x10000x64xf32, #tpu.memory_space<hbm>> -> memref<1x1x10000x64xf32, #tpu.memory_space<hbm>>
      %dma_wait3A_80 = tpu.memref_squeeze %dma_wait3A_79 : memref<1x1x10000x64xf32, #tpu.memory_space<hbm>> -> memref<10000x64xf32, #tpu.memory_space<hbm>>
      %dma_wait3A_81 = arith.constant 0 : i32
      %dma_wait3A_82 = arith.constant 0 : i32
      %dma_wait3A_83 = tpu.memref_slice %dma_wait3A_80[%dma_wait3A_81, %dma_wait3A_82] : memref<10000x64xf32, #tpu.memory_space<hbm>> -> memref<10000x64xf32, #tpu.memory_space<hbm>>
      tpu.wait_indirect_dma semaphore(%arg12 : memref<!tpu.dma_semaphore, #tpu.memory_space<semaphore_mem>>) src(%dma_wait3A_83 : memref<10000x64xf32, #tpu.memory_space<hbm>>) dst(%arg9 : memref<125x64xf32, #tpu.memory_space<vmem>>)
      %add3A_84 = arith.constant 1 : i32
      %add3A_85 = arith.addi %mul3A_47, %add3A_84 : i32
      "tpu.region"() ({
        %run_scoped3A_86 = tpu.sem_alloc : memref<!tpu.dma_semaphore, #tpu.memory_space<semaphore_mem>>
        %dma_start3A_87 = arith.constant 0 : i32
        %dma_start3A_88 = tpu.memref_slice %arg7[%add3A_85, %dma_start3A_87] : memref<160x125xi32, #tpu.memory_space<vmem>> -> memref<1x125xi32, #tpu.memory_space<vmem>>
        %dma_start3A_89 = tpu.memref_squeeze %dma_start3A_88 : memref<1x125xi32, #tpu.memory_space<vmem>> -> memref<125xi32, #tpu.memory_space<vmem>>
        %dma_start3A_90 = arith.constant 0 : i32
        %dma_start3A_91 = arith.constant 0 : i32
        %dma_start3A_92 = tpu.memref_slice %arg10[%dma_start3A_90, %dma_start3A_91] : memref<10240x64xf32, #tpu.memory_space<vmem_shared>> -> memref<10240x64xf32, #tpu.memory_space<vmem_shared>>
        tpu.enqueue_indirect_dma source(%arg9 : memref<125x64xf32, #tpu.memory_space<vmem>>) target(%dma_start3A_92 : memref<10240x64xf32, #tpu.memory_space<vmem_shared>>) offsets(%dma_start3A_89 : memref<125xi32, #tpu.memory_space<vmem>>) semaphore(%run_scoped3A_86 : memref<!tpu.dma_semaphore, #tpu.memory_space<semaphore_mem>>) {add = true}
        %dma_wait3A_93 = arith.constant 0 : i32
        %dma_wait3A_94 = tpu.memref_slice %arg7[%add3A_85, %dma_wait3A_93] : memref<160x125xi32, #tpu.memory_space<vmem>> -> memref<1x125xi32, #tpu.memory_space<vmem>>
        %dma_wait3A_95 = tpu.memref_squeeze %dma_wait3A_94 : memref<1x125xi32, #tpu.memory_space<vmem>> -> memref<125xi32, #tpu.memory_space<vmem>>
        %dma_wait3A_96 = arith.constant 0 : i32
        %dma_wait3A_97 = arith.constant 0 : i32
        %dma_wait3A_98 = tpu.memref_slice %arg10[%dma_wait3A_96, %dma_wait3A_97] : memref<10240x64xf32, #tpu.memory_space<vmem_shared>> -> memref<10240x64xf32, #tpu.memory_space<vmem_shared>>
        tpu.wait_indirect_dma semaphore(%run_scoped3A_86 : memref<!tpu.dma_semaphore, #tpu.memory_space<semaphore_mem>>) src(%arg9 : memref<125x64xf32, #tpu.memory_space<vmem>>) dst(%dma_wait3A_98 : memref<10240x64xf32, #tpu.memory_space<vmem_shared>>)
        tpu.yield
      }) : () -> ()
    }
    %scan3A_41 = arith.constant 80 : i32
    %barrier3A_42 = arith.constant 0 : index
    tpu.barrier barrier_id(%barrier3A_42)
    %run_scoped3A_43 = arith.constant 1 : i32
    "tpu.region"() ({
      %run_scoped3A_45 = tpu.sem_alloc : memref<!tpu.dma_semaphore, #tpu.memory_space<semaphore_mem>>
      %dma_start3A_46 = arith.constant 0 : i32
      %dma_start3A_47 = tpu.memref_slice %arg5[%arg0, %run_scoped3A_43, %mul3A_1, %dma_start3A_46] : memref<2x2x10240x64xf32, #tpu.memory_space<hbm>> -> memref<1x1x640x64xf32, #tpu.memory_space<hbm>>
      %dma_start3A_48 = tpu.memref_squeeze %dma_start3A_47 : memref<1x1x640x64xf32, #tpu.memory_space<hbm>> -> memref<640x64xf32, #tpu.memory_space<hbm>>
      %dma_start3A_49 = arith.constant 0 : i32
      %dma_start3A_50 = tpu.memref_slice %arg10[%mul3A_1, %dma_start3A_49] : memref<10240x64xf32, #tpu.memory_space<vmem_shared>> -> memref<640x64xf32, #tpu.memory_space<vmem_shared>>
      tpu.enqueue_dma source(%dma_start3A_50 : memref<640x64xf32, #tpu.memory_space<vmem_shared>>) target(%dma_start3A_48 : memref<640x64xf32, #tpu.memory_space<hbm>>) target_semaphore(%run_scoped3A_45 : memref<!tpu.dma_semaphore, #tpu.memory_space<semaphore_mem>>)
      %dma_wait3A = arith.constant 0 : i32
      %dma_wait3A_51 = tpu.memref_slice %arg5[%arg0, %run_scoped3A_43, %mul3A_1, %dma_wait3A] : memref<2x2x10240x64xf32, #tpu.memory_space<hbm>> -> memref<1x1x640x64xf32, #tpu.memory_space<hbm>>
      %dma_wait3A_52 = tpu.memref_squeeze %dma_wait3A_51 : memref<1x1x640x64xf32, #tpu.memory_space<hbm>> -> memref<640x64xf32, #tpu.memory_space<hbm>>
      %dma_wait3A_53 = arith.constant 0 : i32
      %dma_wait3A_54 = tpu.memref_slice %arg10[%mul3A_1, %dma_wait3A_53] : memref<10240x64xf32, #tpu.memory_space<vmem_shared>> -> memref<640x64xf32, #tpu.memory_space<vmem_shared>>
      tpu.wait_dma2 semaphore(%run_scoped3A_45 : memref<!tpu.dma_semaphore, #tpu.memory_space<semaphore_mem>>) src(%dma_wait3A_54 : memref<640x64xf32, #tpu.memory_space<vmem_shared>>) dst(%dma_wait3A_52 : memref<640x64xf32, #tpu.memory_space<hbm>>)
      tpu.yield
    }) : () -> ()
    %barrier3A_44 = arith.constant 0 : index
    tpu.barrier barrier_id(%barrier3A_44)
    return
  }
}

#map = affine_map<(d0, d1) -> (0, 0, 0, 0)>
#map1 = affine_map<(d0, d1) -> (0, 0)>
module attributes {stable_mosaic.version = 14 : i64} {
  func.func @_segsum_body(%arg0: i32, %arg1: i32, %arg2: memref<2x2x10000x64xf32, #tpu.memory_space<hbm>>, %arg3: memref<2x16x160x125xi32, #tpu.memory_space<hbm>>, %arg4: memref<640x64xf32, #tpu.memory_space<hbm>>, %arg5: memref<2x2x10240x64xf32, #tpu.memory_space<hbm>>, %arg6: memref<160x125xi32, #tpu.memory_space<vmem>>, %arg7: memref<160x125xi32, #tpu.memory_space<vmem>>, %arg8: memref<125x64xf32, #tpu.memory_space<vmem>>, %arg9: memref<125x64xf32, #tpu.memory_space<vmem>>, %arg10: memref<10240x64xf32, #tpu.memory_space<vmem_shared>>, %arg11: memref<!tpu.dma_semaphore, #tpu.memory_space<semaphore_mem>>, %arg12: memref<!tpu.dma_semaphore, #tpu.memory_space<semaphore_mem>>, %arg13: memref<!tpu.dma_semaphore, #tpu.memory_space<semaphore_mem>>, %arg14: memref<!tpu.dma_semaphore, #tpu.memory_space<semaphore_mem>>) attributes {dimension_semantics = [#tpu.dimension_semantics<core_parallel>, #tpu.dimension_semantics<subcore_parallel>], iteration_bounds = array<i64: 2, 16>, scalar_prefetch = 0 : i64, scratch_operands = 9 : i64, tpu.core_type = #tpu.core_type<sc_vector_subcore>, window_params = [{transform_indices = #map}, {transform_indices = #map}, {transform_indices = #map1}, {transform_indices = #map}]} {
    %run_scoped3A = arith.constant 0 : i32
    "tpu.region"() ({
      %run_scoped3A_45 = tpu.sem_alloc : memref<!tpu.dma_semaphore, #tpu.memory_space<semaphore_mem>>
      %dma_start3A_46 = arith.constant 0 : i32
      %dma_start3A_47 = arith.constant 0 : i32
      %dma_start3A_48 = tpu.memref_slice %arg3[%run_scoped3A, %arg1, %dma_start3A_46, %dma_start3A_47] : memref<2x16x160x125xi32, #tpu.memory_space<hbm>> -> memref<1x1x160x125xi32, #tpu.memory_space<hbm>>
      %dma_start3A_49 = tpu.memref_squeeze %dma_start3A_48 : memref<1x1x160x125xi32, #tpu.memory_space<hbm>> -> memref<160x125xi32, #tpu.memory_space<hbm>>
      %dma_start3A_50 = arith.constant 0 : i32
      %dma_start3A_51 = arith.constant 0 : i32
      %dma_start3A_52 = tpu.memref_slice %arg3[%run_scoped3A, %arg1, %dma_start3A_50, %dma_start3A_51] : memref<2x16x160x125xi32, #tpu.memory_space<hbm>> -> memref<1x1x160x125xi32, #tpu.memory_space<hbm>>
      %dma_start3A_53 = tpu.memref_squeeze %dma_start3A_52 : memref<1x1x160x125xi32, #tpu.memory_space<hbm>> -> memref<160x125xi32, #tpu.memory_space<hbm>>
      tpu.enqueue_dma source(%dma_start3A_53 : memref<160x125xi32, #tpu.memory_space<hbm>>) target(%arg6 : memref<160x125xi32, #tpu.memory_space<vmem>>) target_semaphore(%run_scoped3A_45 : memref<!tpu.dma_semaphore, #tpu.memory_space<semaphore_mem>>)
      %dma_wait3A = arith.constant 0 : i32
      %dma_wait3A_54 = arith.constant 0 : i32
      %dma_wait3A_55 = tpu.memref_slice %arg3[%run_scoped3A, %arg1, %dma_wait3A, %dma_wait3A_54] : memref<2x16x160x125xi32, #tpu.memory_space<hbm>> -> memref<1x1x160x125xi32, #tpu.memory_space<hbm>>
      %dma_wait3A_56 = tpu.memref_squeeze %dma_wait3A_55 : memref<1x1x160x125xi32, #tpu.memory_space<hbm>> -> memref<160x125xi32, #tpu.memory_space<hbm>>
      %dma_wait3A_57 = arith.constant 0 : i32
      %dma_wait3A_58 = arith.constant 0 : i32
      %dma_wait3A_59 = tpu.memref_slice %arg3[%run_scoped3A, %arg1, %dma_wait3A_57, %dma_wait3A_58] : memref<2x16x160x125xi32, #tpu.memory_space<hbm>> -> memref<1x1x160x125xi32, #tpu.memory_space<hbm>>
      %dma_wait3A_60 = tpu.memref_squeeze %dma_wait3A_59 : memref<1x1x160x125xi32, #tpu.memory_space<hbm>> -> memref<160x125xi32, #tpu.memory_space<hbm>>
      tpu.wait_dma2 semaphore(%run_scoped3A_45 : memref<!tpu.dma_semaphore, #tpu.memory_space<semaphore_mem>>) src(%dma_wait3A_60 : memref<160x125xi32, #tpu.memory_space<hbm>>) dst(%arg6 : memref<160x125xi32, #tpu.memory_space<vmem>>)
      tpu.yield
    }) : () -> ()
    %run_scoped3A_0 = arith.constant 1 : i32
    "tpu.region"() ({
      %run_scoped3A_45 = tpu.sem_alloc : memref<!tpu.dma_semaphore, #tpu.memory_space<semaphore_mem>>
      %dma_start3A_46 = arith.constant 0 : i32
      %dma_start3A_47 = arith.constant 0 : i32
      %dma_start3A_48 = tpu.memref_slice %arg3[%run_scoped3A_0, %arg1, %dma_start3A_46, %dma_start3A_47] : memref<2x16x160x125xi32, #tpu.memory_space<hbm>> -> memref<1x1x160x125xi32, #tpu.memory_space<hbm>>
      %dma_start3A_49 = tpu.memref_squeeze %dma_start3A_48 : memref<1x1x160x125xi32, #tpu.memory_space<hbm>> -> memref<160x125xi32, #tpu.memory_space<hbm>>
      %dma_start3A_50 = arith.constant 0 : i32
      %dma_start3A_51 = arith.constant 0 : i32
      %dma_start3A_52 = tpu.memref_slice %arg3[%run_scoped3A_0, %arg1, %dma_start3A_50, %dma_start3A_51] : memref<2x16x160x125xi32, #tpu.memory_space<hbm>> -> memref<1x1x160x125xi32, #tpu.memory_space<hbm>>
      %dma_start3A_53 = tpu.memref_squeeze %dma_start3A_52 : memref<1x1x160x125xi32, #tpu.memory_space<hbm>> -> memref<160x125xi32, #tpu.memory_space<hbm>>
      tpu.enqueue_dma source(%dma_start3A_53 : memref<160x125xi32, #tpu.memory_space<hbm>>) target(%arg7 : memref<160x125xi32, #tpu.memory_space<vmem>>) target_semaphore(%run_scoped3A_45 : memref<!tpu.dma_semaphore, #tpu.memory_space<semaphore_mem>>)
      %dma_wait3A = arith.constant 0 : i32
      %dma_wait3A_54 = arith.constant 0 : i32
      %dma_wait3A_55 = tpu.memref_slice %arg3[%run_scoped3A_0, %arg1, %dma_wait3A, %dma_wait3A_54] : memref<2x16x160x125xi32, #tpu.memory_space<hbm>> -> memref<1x1x160x125xi32, #tpu.memory_space<hbm>>
      %dma_wait3A_56 = tpu.memref_squeeze %dma_wait3A_55 : memref<1x1x160x125xi32, #tpu.memory_space<hbm>> -> memref<160x125xi32, #tpu.memory_space<hbm>>
      %dma_wait3A_57 = arith.constant 0 : i32
      %dma_wait3A_58 = arith.constant 0 : i32
      %dma_wait3A_59 = tpu.memref_slice %arg3[%run_scoped3A_0, %arg1, %dma_wait3A_57, %dma_wait3A_58] : memref<2x16x160x125xi32, #tpu.memory_space<hbm>> -> memref<1x1x160x125xi32, #tpu.memory_space<hbm>>
      %dma_wait3A_60 = tpu.memref_squeeze %dma_wait3A_59 : memref<1x1x160x125xi32, #tpu.memory_space<hbm>> -> memref<160x125xi32, #tpu.memory_space<hbm>>
      tpu.wait_dma2 semaphore(%run_scoped3A_45 : memref<!tpu.dma_semaphore, #tpu.memory_space<semaphore_mem>>) src(%dma_wait3A_60 : memref<160x125xi32, #tpu.memory_space<hbm>>) dst(%arg7 : memref<160x125xi32, #tpu.memory_space<vmem>>)
      tpu.yield
    }) : () -> ()
    %mul3A = arith.constant 640 : i32
    %mul3A_1 = arith.muli %arg1, %mul3A : i32
    "tpu.region"() ({
      %run_scoped3A_45 = tpu.sem_alloc : memref<!tpu.dma_semaphore, #tpu.memory_space<semaphore_mem>>
      %dma_start3A_46 = arith.constant 0 : i32
      %dma_start3A_47 = tpu.memref_slice %arg10[%mul3A_1, %dma_start3A_46] : memref<10240x64xf32, #tpu.memory_space<vmem_shared>> -> memref<640x64xf32, #tpu.memory_space<vmem_shared>>
      tpu.enqueue_dma source(%arg4 : memref<640x64xf32, #tpu.memory_space<hbm>>) target(%dma_start3A_47 : memref<640x64xf32, #tpu.memory_space<vmem_shared>>) target_semaphore(%run_scoped3A_45 : memref<!tpu.dma_semaphore, #tpu.memory_space<semaphore_mem>>)
      %dma_wait3A = arith.constant 0 : i32
      %dma_wait3A_48 = tpu.memref_slice %arg10[%mul3A_1, %dma_wait3A] : memref<10240x64xf32, #tpu.memory_space<vmem_shared>> -> memref<640x64xf32, #tpu.memory_space<vmem_shared>>
      tpu.wait_dma2 semaphore(%run_scoped3A_45 : memref<!tpu.dma_semaphore, #tpu.memory_space<semaphore_mem>>) src(%arg4 : memref<640x64xf32, #tpu.memory_space<hbm>>) dst(%dma_wait3A_48 : memref<640x64xf32, #tpu.memory_space<vmem_shared>>)
      tpu.yield
    }) : () -> ()
    %barrier3A = arith.constant 0 : index
    tpu.barrier barrier_id(%barrier3A)
    %dma_start3A = arith.constant 0 : i32
    %dma_start3A_2 = arith.constant 0 : i32
    %dma_start3A_3 = arith.constant 0 : i32
    %dma_start3A_4 = tpu.memref_slice %arg6[%dma_start3A_2, %dma_start3A_3] : memref<160x125xi32, #tpu.memory_space<vmem>> -> memref<1x125xi32, #tpu.memory_space<vmem>>
    %dma_start3A_5 = tpu.memref_squeeze %dma_start3A_4 : memref<1x125xi32, #tpu.memory_space<vmem>> -> memref<125xi32, #tpu.memory_space<vmem>>
    %dma_start3A_6 = arith.constant 0 : i32
    %dma_start3A_7 = arith.constant 0 : i32
    %dma_start3A_8 = tpu.memref_slice %arg2[%arg0, %dma_start3A, %dma_start3A_6, %dma_start3A_7] : memref<2x2x10000x64xf32, #tpu.memory_space<hbm>> -> memref<1x1x10000x64xf32, #tpu.memory_space<hbm>>
    %dma_start3A_9 = tpu.memref_squeeze %dma_start3A_8 : memref<1x1x10000x64xf32, #tpu.memory_space<hbm>> -> memref<10000x64xf32, #tpu.memory_space<hbm>>
    %dma_start3A_10 = arith.constant 0 : i32
    %dma_start3A_11 = arith.constant 0 : i32
    %dma_start3A_12 = tpu.memref_slice %dma_start3A_9[%dma_start3A_10, %dma_start3A_11] : memref<10000x64xf32, #tpu.memory_space<hbm>> -> memref<10000x64xf32, #tpu.memory_space<hbm>>
    tpu.enqueue_indirect_dma source(%dma_start3A_12 : memref<10000x64xf32, #tpu.memory_space<hbm>>) target(%arg8 : memref<125x64xf32, #tpu.memory_space<vmem>>) offsets(%dma_start3A_5 : memref<125xi32, #tpu.memory_space<vmem>>) semaphore(%arg11 : memref<!tpu.dma_semaphore, #tpu.memory_space<semaphore_mem>>)
    %scan3A = arith.constant 0 : i32
    %scan3A_13 = arith.constant 0 : i32
    %scan3A_14 = arith.constant 0 : i32
    %scan3A_15 = arith.constant 80 : i32
    %scan3A_16 = arith.addi %scan3A_14, %scan3A_15 : i32
    %scan3A_17 = arith.constant 1 : i32
    scf.for %scan3A_45 = %scan3A_14 to %scan3A_16 step %scan3A_17  : i32 {
      %mul3A_46 = arith.constant 2 : i32
      %mul3A_47 = arith.muli %mul3A_46, %scan3A_45 : i32
      %add3A = arith.constant 1 : i32
      %add3A_48 = arith.addi %mul3A_47, %add3A : i32
      %dma_start3A_49 = arith.constant 0 : i32
      %dma_start3A_50 = tpu.memref_slice %arg6[%add3A_48, %dma_start3A_49] : memref<160x125xi32, #tpu.memory_space<vmem>> -> memref<1x125xi32, #tpu.memory_space<vmem>>
      %dma_start3A_51 = tpu.memref_squeeze %dma_start3A_50 : memref<1x125xi32, #tpu.memory_space<vmem>> -> memref<125xi32, #tpu.memory_space<vmem>>
      %dma_start3A_52 = arith.constant 0 : i32
      %dma_start3A_53 = arith.constant 0 : i32
      %dma_start3A_54 = tpu.memref_slice %arg2[%arg0, %scan3A_13, %dma_start3A_52, %dma_start3A_53] : memref<2x2x10000x64xf32, #tpu.memory_space<hbm>> -> memref<1x1x10000x64xf32, #tpu.memory_space<hbm>>
      %dma_start3A_55 = tpu.memref_squeeze %dma_start3A_54 : memref<1x1x10000x64xf32, #tpu.memory_space<hbm>> -> memref<10000x64xf32, #tpu.memory_space<hbm>>
      %dma_start3A_56 = arith.constant 0 : i32
      %dma_start3A_57 = arith.constant 0 : i32
      %dma_start3A_58 = tpu.memref_slice %dma_start3A_55[%dma_start3A_56, %dma_start3A_57] : memref<10000x64xf32, #tpu.memory_space<hbm>> -> memref<10000x64xf32, #tpu.memory_space<hbm>>
      tpu.enqueue_indirect_dma source(%dma_start3A_58 : memref<10000x64xf32, #tpu.memory_space<hbm>>) target(%arg9 : memref<125x64xf32, #tpu.memory_space<vmem>>) offsets(%dma_start3A_51 : memref<125xi32, #tpu.memory_space<vmem>>) semaphore(%arg12 : memref<!tpu.dma_semaphore, #tpu.memory_space<semaphore_mem>>)
      %dma_wait3A = arith.constant 0 : i32
      %dma_wait3A_59 = tpu.memref_slice %arg6[%mul3A_47, %dma_wait3A] : memref<160x125xi32, #tpu.memory_space<vmem>> -> memref<1x125xi32, #tpu.memory_space<vmem>>
      %dma_wait3A_60 = tpu.memref_squeeze %dma_wait3A_59 : memref<1x125xi32, #tpu.memory_space<vmem>> -> memref<125xi32, #tpu.memory_space<vmem>>
      %dma_wait3A_61 = arith.constant 0 : i32
      %dma_wait3A_62 = arith.constant 0 : i32
      %dma_wait3A_63 = tpu.memref_slice %arg2[%arg0, %scan3A_13, %dma_wait3A_61, %dma_wait3A_62] : memref<2x2x10000x64xf32, #tpu.memory_space<hbm>> -> memref<1x1x10000x64xf32, #tpu.memory_space<hbm>>
      %dma_wait3A_64 = tpu.memref_squeeze %dma_wait3A_63 : memref<1x1x10000x64xf32, #tpu.memory_space<hbm>> -> memref<10000x64xf32, #tpu.memory_space<hbm>>
      %dma_wait3A_65 = arith.constant 0 : i32
      %dma_wait3A_66 = arith.constant 0 : i32
      %dma_wait3A_67 = tpu.memref_slice %dma_wait3A_64[%dma_wait3A_65, %dma_wait3A_66] : memref<10000x64xf32, #tpu.memory_space<hbm>> -> memref<10000x64xf32, #tpu.memory_space<hbm>>
      tpu.wait_indirect_dma semaphore(%arg11 : memref<!tpu.dma_semaphore, #tpu.memory_space<semaphore_mem>>) src(%dma_wait3A_67 : memref<10000x64xf32, #tpu.memory_space<hbm>>) dst(%arg8 : memref<125x64xf32, #tpu.memory_space<vmem>>)
      "tpu.region"() ({
        %run_scoped3A_86 = tpu.sem_alloc : memref<!tpu.dma_semaphore, #tpu.memory_space<semaphore_mem>>
        %dma_start3A_87 = arith.constant 0 : i32
        %dma_start3A_88 = tpu.memref_slice %arg7[%mul3A_47, %dma_start3A_87] : memref<160x125xi32, #tpu.memory_space<vmem>> -> memref<1x125xi32, #tpu.memory_space<vmem>>
        %dma_start3A_89 = tpu.memref_squeeze %dma_start3A_88 : memref<1x125xi32, #tpu.memory_space<vmem>> -> memref<125xi32, #tpu.memory_space<vmem>>
        %dma_start3A_90 = arith.constant 0 : i32
        %dma_start3A_91 = arith.constant 0 : i32
        %dma_start3A_92 = tpu.memref_slice %arg10[%dma_start3A_90, %dma_start3A_91] : memref<10240x64xf32, #tpu.memory_space<vmem_shared>> -> memref<10240x64xf32, #tpu.memory_space<vmem_shared>>
        tpu.enqueue_indirect_dma source(%arg8 : memref<125x64xf32, #tpu.memory_space<vmem>>) target(%dma_start3A_92 : memref<10240x64xf32, #tpu.memory_space<vmem_shared>>) offsets(%dma_start3A_89 : memref<125xi32, #tpu.memory_space<vmem>>) semaphore(%run_scoped3A_86 : memref<!tpu.dma_semaphore, #tpu.memory_space<semaphore_mem>>) {add = true}
        %dma_wait3A_93 = arith.constant 0 : i32
        %dma_wait3A_94 = tpu.memref_slice %arg7[%mul3A_47, %dma_wait3A_93] : memref<160x125xi32, #tpu.memory_space<vmem>> -> memref<1x125xi32, #tpu.memory_space<vmem>>
        %dma_wait3A_95 = tpu.memref_squeeze %dma_wait3A_94 : memref<1x125xi32, #tpu.memory_space<vmem>> -> memref<125xi32, #tpu.memory_space<vmem>>
        %dma_wait3A_96 = arith.constant 0 : i32
        %dma_wait3A_97 = arith.constant 0 : i32
        %dma_wait3A_98 = tpu.memref_slice %arg10[%dma_wait3A_96, %dma_wait3A_97] : memref<10240x64xf32, #tpu.memory_space<vmem_shared>> -> memref<10240x64xf32, #tpu.memory_space<vmem_shared>>
        tpu.wait_indirect_dma semaphore(%run_scoped3A_86 : memref<!tpu.dma_semaphore, #tpu.memory_space<semaphore_mem>>) src(%arg8 : memref<125x64xf32, #tpu.memory_space<vmem>>) dst(%dma_wait3A_98 : memref<10240x64xf32, #tpu.memory_space<vmem_shared>>)
        tpu.yield
      }) : () -> ()
      %add3A_68 = arith.constant 2 : i32
      %add3A_69 = arith.addi %mul3A_47, %add3A_68 : i32
      %lt3A = arith.constant 160 : i32
      %lt3A_70 = arith.cmpi slt, %add3A_69, %lt3A : i32
      %convert_element_type3A = arith.extui %lt3A_70 : i1 to i32
      %cond3A = arith.constant 0 : i32
      %cond3A_71 = arith.cmpi ne, %convert_element_type3A, %cond3A : i32
      scf.if %cond3A_71 {
        %add3A_86 = arith.constant 2 : i32
        %add3A_87 = arith.addi %mul3A_47, %add3A_86 : i32
        %dma_start3A_88 = arith.constant 0 : i32
        %dma_start3A_89 = tpu.memref_slice %arg6[%add3A_87, %dma_start3A_88] : memref<160x125xi32, #tpu.memory_space<vmem>> -> memref<1x125xi32, #tpu.memory_space<vmem>>
        %dma_start3A_90 = tpu.memref_squeeze %dma_start3A_89 : memref<1x125xi32, #tpu.memory_space<vmem>> -> memref<125xi32, #tpu.memory_space<vmem>>
        %dma_start3A_91 = arith.constant 0 : i32
        %dma_start3A_92 = arith.constant 0 : i32
        %dma_start3A_93 = tpu.memref_slice %arg2[%arg0, %scan3A_13, %dma_start3A_91, %dma_start3A_92] : memref<2x2x10000x64xf32, #tpu.memory_space<hbm>> -> memref<1x1x10000x64xf32, #tpu.memory_space<hbm>>
        %dma_start3A_94 = tpu.memref_squeeze %dma_start3A_93 : memref<1x1x10000x64xf32, #tpu.memory_space<hbm>> -> memref<10000x64xf32, #tpu.memory_space<hbm>>
        %dma_start3A_95 = arith.constant 0 : i32
        %dma_start3A_96 = arith.constant 0 : i32
        %dma_start3A_97 = tpu.memref_slice %dma_start3A_94[%dma_start3A_95, %dma_start3A_96] : memref<10000x64xf32, #tpu.memory_space<hbm>> -> memref<10000x64xf32, #tpu.memory_space<hbm>>
        tpu.enqueue_indirect_dma source(%dma_start3A_97 : memref<10000x64xf32, #tpu.memory_space<hbm>>) target(%arg8 : memref<125x64xf32, #tpu.memory_space<vmem>>) offsets(%dma_start3A_90 : memref<125xi32, #tpu.memory_space<vmem>>) semaphore(%arg11 : memref<!tpu.dma_semaphore, #tpu.memory_space<semaphore_mem>>)
      } else {
      }
      %add3A_72 = arith.constant 1 : i32
      %add3A_73 = arith.addi %mul3A_47, %add3A_72 : i32
      %dma_wait3A_74 = arith.constant 0 : i32
      %dma_wait3A_75 = tpu.memref_slice %arg6[%add3A_73, %dma_wait3A_74] : memref<160x125xi32, #tpu.memory_space<vmem>> -> memref<1x125xi32, #tpu.memory_space<vmem>>
      %dma_wait3A_76 = tpu.memref_squeeze %dma_wait3A_75 : memref<1x125xi32, #tpu.memory_space<vmem>> -> memref<125xi32, #tpu.memory_space<vmem>>
      %dma_wait3A_77 = arith.constant 0 : i32
      %dma_wait3A_78 = arith.constant 0 : i32
      %dma_wait3A_79 = tpu.memref_slice %arg2[%arg0, %scan3A_13, %dma_wait3A_77, %dma_wait3A_78] : memref<2x2x10000x64xf32, #tpu.memory_space<hbm>> -> memref<1x1x10000x64xf32, #tpu.memory_space<hbm>>
      %dma_wait3A_80 = tpu.memref_squeeze %dma_wait3A_79 : memref<1x1x10000x64xf32, #tpu.memory_space<hbm>> -> memref<10000x64xf32, #tpu.memory_space<hbm>>
      %dma_wait3A_81 = arith.constant 0 : i32
      %dma_wait3A_82 = arith.constant 0 : i32
      %dma_wait3A_83 = tpu.memref_slice %dma_wait3A_80[%dma_wait3A_81, %dma_wait3A_82] : memref<10000x64xf32, #tpu.memory_space<hbm>> -> memref<10000x64xf32, #tpu.memory_space<hbm>>
      tpu.wait_indirect_dma semaphore(%arg12 : memref<!tpu.dma_semaphore, #tpu.memory_space<semaphore_mem>>) src(%dma_wait3A_83 : memref<10000x64xf32, #tpu.memory_space<hbm>>) dst(%arg9 : memref<125x64xf32, #tpu.memory_space<vmem>>)
      %add3A_84 = arith.constant 1 : i32
      %add3A_85 = arith.addi %mul3A_47, %add3A_84 : i32
      "tpu.region"() ({
        %run_scoped3A_86 = tpu.sem_alloc : memref<!tpu.dma_semaphore, #tpu.memory_space<semaphore_mem>>
        %dma_start3A_87 = arith.constant 0 : i32
        %dma_start3A_88 = tpu.memref_slice %arg7[%add3A_85, %dma_start3A_87] : memref<160x125xi32, #tpu.memory_space<vmem>> -> memref<1x125xi32, #tpu.memory_space<vmem>>
        %dma_start3A_89 = tpu.memref_squeeze %dma_start3A_88 : memref<1x125xi32, #tpu.memory_space<vmem>> -> memref<125xi32, #tpu.memory_space<vmem>>
        %dma_start3A_90 = arith.constant 0 : i32
        %dma_start3A_91 = arith.constant 0 : i32
        %dma_start3A_92 = tpu.memref_slice %arg10[%dma_start3A_90, %dma_start3A_91] : memref<10240x64xf32, #tpu.memory_space<vmem_shared>> -> memref<10240x64xf32, #tpu.memory_space<vmem_shared>>
        tpu.enqueue_indirect_dma source(%arg9 : memref<125x64xf32, #tpu.memory_space<vmem>>) target(%dma_start3A_92 : memref<10240x64xf32, #tpu.memory_space<vmem_shared>>) offsets(%dma_start3A_89 : memref<125xi32, #tpu.memory_space<vmem>>) semaphore(%run_scoped3A_86 : memref<!tpu.dma_semaphore, #tpu.memory_space<semaphore_mem>>) {add = true}
        %dma_wait3A_93 = arith.constant 0 : i32
        %dma_wait3A_94 = tpu.memref_slice %arg7[%add3A_85, %dma_wait3A_93] : memref<160x125xi32, #tpu.memory_space<vmem>> -> memref<1x125xi32, #tpu.memory_space<vmem>>
        %dma_wait3A_95 = tpu.memref_squeeze %dma_wait3A_94 : memref<1x125xi32, #tpu.memory_space<vmem>> -> memref<125xi32, #tpu.memory_space<vmem>>
        %dma_wait3A_96 = arith.constant 0 : i32
        %dma_wait3A_97 = arith.constant 0 : i32
        %dma_wait3A_98 = tpu.memref_slice %arg10[%dma_wait3A_96, %dma_wait3A_97] : memref<10240x64xf32, #tpu.memory_space<vmem_shared>> -> memref<10240x64xf32, #tpu.memory_space<vmem_shared>>
        tpu.wait_indirect_dma semaphore(%run_scoped3A_86 : memref<!tpu.dma_semaphore, #tpu.memory_space<semaphore_mem>>) src(%arg9 : memref<125x64xf32, #tpu.memory_space<vmem>>) dst(%dma_wait3A_98 : memref<10240x64xf32, #tpu.memory_space<vmem_shared>>)
        tpu.yield
      }) : () -> ()
    }
    %scan3A_18 = arith.constant 80 : i32
    %barrier3A_19 = arith.constant 0 : index
    tpu.barrier barrier_id(%barrier3A_19)
    %run_scoped3A_20 = arith.constant 0 : i32
    "tpu.region"() ({
      %run_scoped3A_45 = tpu.sem_alloc : memref<!tpu.dma_semaphore, #tpu.memory_space<semaphore_mem>>
      %dma_start3A_46 = arith.constant 0 : i32
      %dma_start3A_47 = tpu.memref_slice %arg5[%arg0, %run_scoped3A_20, %mul3A_1, %dma_start3A_46] : memref<2x2x10240x64xf32, #tpu.memory_space<hbm>> -> memref<1x1x640x64xf32, #tpu.memory_space<hbm>>
      %dma_start3A_48 = tpu.memref_squeeze %dma_start3A_47 : memref<1x1x640x64xf32, #tpu.memory_space<hbm>> -> memref<640x64xf32, #tpu.memory_space<hbm>>
      %dma_start3A_49 = arith.constant 0 : i32
      %dma_start3A_50 = tpu.memref_slice %arg10[%mul3A_1, %dma_start3A_49] : memref<10240x64xf32, #tpu.memory_space<vmem_shared>> -> memref<640x64xf32, #tpu.memory_space<vmem_shared>>
      tpu.enqueue_dma source(%dma_start3A_50 : memref<640x64xf32, #tpu.memory_space<vmem_shared>>) target(%dma_start3A_48 : memref<640x64xf32, #tpu.memory_space<hbm>>) target_semaphore(%run_scoped3A_45 : memref<!tpu.dma_semaphore, #tpu.memory_space<semaphore_mem>>)
      %dma_wait3A = arith.constant 0 : i32
      %dma_wait3A_51 = tpu.memref_slice %arg5[%arg0, %run_scoped3A_20, %mul3A_1, %dma_wait3A] : memref<2x2x10240x64xf32, #tpu.memory_space<hbm>> -> memref<1x1x640x64xf32, #tpu.memory_space<hbm>>
      %dma_wait3A_52 = tpu.memref_squeeze %dma_wait3A_51 : memref<1x1x640x64xf32, #tpu.memory_space<hbm>> -> memref<640x64xf32, #tpu.memory_space<hbm>>
      %dma_wait3A_53 = arith.constant 0 : i32
      %dma_wait3A_54 = tpu.memref_slice %arg10[%mul3A_1, %dma_wait3A_53] : memref<10240x64xf32, #tpu.memory_space<vmem_shared>> -> memref<640x64xf32, #tpu.memory_space<vmem_shared>>
      tpu.wait_dma2 semaphore(%run_scoped3A_45 : memref<!tpu.dma_semaphore, #tpu.memory_space<semaphore_mem>>) src(%dma_wait3A_54 : memref<640x64xf32, #tpu.memory_space<vmem_shared>>) dst(%dma_wait3A_52 : memref<640x64xf32, #tpu.memory_space<hbm>>)
      tpu.yield
    }) : () -> ()
    %barrier3A_21 = arith.constant 0 : index
    tpu.barrier barrier_id(%barrier3A_21)
    "tpu.region"() ({
      %run_scoped3A_45 = tpu.sem_alloc : memref<!tpu.dma_semaphore, #tpu.memory_space<semaphore_mem>>
      %dma_start3A_46 = arith.constant 0 : i32
      %dma_start3A_47 = tpu.memref_slice %arg10[%mul3A_1, %dma_start3A_46] : memref<10240x64xf32, #tpu.memory_space<vmem_shared>> -> memref<640x64xf32, #tpu.memory_space<vmem_shared>>
      tpu.enqueue_dma source(%arg4 : memref<640x64xf32, #tpu.memory_space<hbm>>) target(%dma_start3A_47 : memref<640x64xf32, #tpu.memory_space<vmem_shared>>) target_semaphore(%run_scoped3A_45 : memref<!tpu.dma_semaphore, #tpu.memory_space<semaphore_mem>>)
      %dma_wait3A = arith.constant 0 : i32
      %dma_wait3A_48 = tpu.memref_slice %arg10[%mul3A_1, %dma_wait3A] : memref<10240x64xf32, #tpu.memory_space<vmem_shared>> -> memref<640x64xf32, #tpu.memory_space<vmem_shared>>
      tpu.wait_dma2 semaphore(%run_scoped3A_45 : memref<!tpu.dma_semaphore, #tpu.memory_space<semaphore_mem>>) src(%arg4 : memref<640x64xf32, #tpu.memory_space<hbm>>) dst(%dma_wait3A_48 : memref<640x64xf32, #tpu.memory_space<vmem_shared>>)
      tpu.yield
    }) : () -> ()
    %barrier3A_22 = arith.constant 0 : index
    tpu.barrier barrier_id(%barrier3A_22)
    %dma_start3A_23 = arith.constant 1 : i32
    %dma_start3A_24 = arith.constant 0 : i32
    %dma_start3A_25 = arith.constant 0 : i32
    %dma_start3A_26 = tpu.memref_slice %arg6[%dma_start3A_24, %dma_start3A_25] : memref<160x125xi32, #tpu.memory_space<vmem>> -> memref<1x125xi32, #tpu.memory_space<vmem>>
    %dma_start3A_27 = tpu.memref_squeeze %dma_start3A_26 : memref<1x125xi32, #tpu.memory_space<vmem>> -> memref<125xi32, #tpu.memory_space<vmem>>
    %dma_start3A_28 = arith.constant 0 : i32
    %dma_start3A_29 = arith.constant 0 : i32
    %dma_start3A_30 = tpu.memref_slice %arg2[%arg0, %dma_start3A_23, %dma_start3A_28, %dma_start3A_29] : memref<2x2x10000x64xf32, #tpu.memory_space<hbm>> -> memref<1x1x10000x64xf32, #tpu.memory_space<hbm>>
    %dma_start3A_31 = tpu.memref_squeeze %dma_start3A_30 : memref<1x1x10000x64xf32, #tpu.memory_space<hbm>> -> memref<10000x64xf32, #tpu.memory_space<hbm>>
    %dma_start3A_32 = arith.constant 0 : i32
    %dma_start3A_33 = arith.constant 0 : i32
    %dma_start3A_34 = tpu.memref_slice %dma_start3A_31[%dma_start3A_32, %dma_start3A_33] : memref<10000x64xf32, #tpu.memory_space<hbm>> -> memref<10000x64xf32, #tpu.memory_space<hbm>>
    tpu.enqueue_indirect_dma source(%dma_start3A_34 : memref<10000x64xf32, #tpu.memory_space<hbm>>) target(%arg8 : memref<125x64xf32, #tpu.memory_space<vmem>>) offsets(%dma_start3A_27 : memref<125xi32, #tpu.memory_space<vmem>>) semaphore(%arg11 : memref<!tpu.dma_semaphore, #tpu.memory_space<semaphore_mem>>)
    %scan3A_35 = arith.constant 0 : i32
    %scan3A_36 = arith.constant 1 : i32
    %scan3A_37 = arith.constant 0 : i32
    %scan3A_38 = arith.constant 80 : i32
    %scan3A_39 = arith.addi %scan3A_37, %scan3A_38 : i32
    %scan3A_40 = arith.constant 1 : i32
    scf.for %scan3A_45 = %scan3A_37 to %scan3A_39 step %scan3A_40  : i32 {
      %mul3A_46 = arith.constant 2 : i32
      %mul3A_47 = arith.muli %mul3A_46, %scan3A_45 : i32
      %add3A = arith.constant 1 : i32
      %add3A_48 = arith.addi %mul3A_47, %add3A : i32
      %dma_start3A_49 = arith.constant 0 : i32
      %dma_start3A_50 = tpu.memref_slice %arg6[%add3A_48, %dma_start3A_49] : memref<160x125xi32, #tpu.memory_space<vmem>> -> memref<1x125xi32, #tpu.memory_space<vmem>>
      %dma_start3A_51 = tpu.memref_squeeze %dma_start3A_50 : memref<1x125xi32, #tpu.memory_space<vmem>> -> memref<125xi32, #tpu.memory_space<vmem>>
      %dma_start3A_52 = arith.constant 0 : i32
      %dma_start3A_53 = arith.constant 0 : i32
      %dma_start3A_54 = tpu.memref_slice %arg2[%arg0, %scan3A_36, %dma_start3A_52, %dma_start3A_53] : memref<2x2x10000x64xf32, #tpu.memory_space<hbm>> -> memref<1x1x10000x64xf32, #tpu.memory_space<hbm>>
      %dma_start3A_55 = tpu.memref_squeeze %dma_start3A_54 : memref<1x1x10000x64xf32, #tpu.memory_space<hbm>> -> memref<10000x64xf32, #tpu.memory_space<hbm>>
      %dma_start3A_56 = arith.constant 0 : i32
      %dma_start3A_57 = arith.constant 0 : i32
      %dma_start3A_58 = tpu.memref_slice %dma_start3A_55[%dma_start3A_56, %dma_start3A_57] : memref<10000x64xf32, #tpu.memory_space<hbm>> -> memref<10000x64xf32, #tpu.memory_space<hbm>>
      tpu.enqueue_indirect_dma source(%dma_start3A_58 : memref<10000x64xf32, #tpu.memory_space<hbm>>) target(%arg9 : memref<125x64xf32, #tpu.memory_space<vmem>>) offsets(%dma_start3A_51 : memref<125xi32, #tpu.memory_space<vmem>>) semaphore(%arg12 : memref<!tpu.dma_semaphore, #tpu.memory_space<semaphore_mem>>)
      %dma_wait3A = arith.constant 0 : i32
      %dma_wait3A_59 = tpu.memref_slice %arg6[%mul3A_47, %dma_wait3A] : memref<160x125xi32, #tpu.memory_space<vmem>> -> memref<1x125xi32, #tpu.memory_space<vmem>>
      %dma_wait3A_60 = tpu.memref_squeeze %dma_wait3A_59 : memref<1x125xi32, #tpu.memory_space<vmem>> -> memref<125xi32, #tpu.memory_space<vmem>>
      %dma_wait3A_61 = arith.constant 0 : i32
      %dma_wait3A_62 = arith.constant 0 : i32
      %dma_wait3A_63 = tpu.memref_slice %arg2[%arg0, %scan3A_36, %dma_wait3A_61, %dma_wait3A_62] : memref<2x2x10000x64xf32, #tpu.memory_space<hbm>> -> memref<1x1x10000x64xf32, #tpu.memory_space<hbm>>
      %dma_wait3A_64 = tpu.memref_squeeze %dma_wait3A_63 : memref<1x1x10000x64xf32, #tpu.memory_space<hbm>> -> memref<10000x64xf32, #tpu.memory_space<hbm>>
      %dma_wait3A_65 = arith.constant 0 : i32
      %dma_wait3A_66 = arith.constant 0 : i32
      %dma_wait3A_67 = tpu.memref_slice %dma_wait3A_64[%dma_wait3A_65, %dma_wait3A_66] : memref<10000x64xf32, #tpu.memory_space<hbm>> -> memref<10000x64xf32, #tpu.memory_space<hbm>>
      tpu.wait_indirect_dma semaphore(%arg11 : memref<!tpu.dma_semaphore, #tpu.memory_space<semaphore_mem>>) src(%dma_wait3A_67 : memref<10000x64xf32, #tpu.memory_space<hbm>>) dst(%arg8 : memref<125x64xf32, #tpu.memory_space<vmem>>)
      "tpu.region"() ({
        %run_scoped3A_86 = tpu.sem_alloc : memref<!tpu.dma_semaphore, #tpu.memory_space<semaphore_mem>>
        %dma_start3A_87 = arith.constant 0 : i32
        %dma_start3A_88 = tpu.memref_slice %arg7[%mul3A_47, %dma_start3A_87] : memref<160x125xi32, #tpu.memory_space<vmem>> -> memref<1x125xi32, #tpu.memory_space<vmem>>
        %dma_start3A_89 = tpu.memref_squeeze %dma_start3A_88 : memref<1x125xi32, #tpu.memory_space<vmem>> -> memref<125xi32, #tpu.memory_space<vmem>>
        %dma_start3A_90 = arith.constant 0 : i32
        %dma_start3A_91 = arith.constant 0 : i32
        %dma_start3A_92 = tpu.memref_slice %arg10[%dma_start3A_90, %dma_start3A_91] : memref<10240x64xf32, #tpu.memory_space<vmem_shared>> -> memref<10240x64xf32, #tpu.memory_space<vmem_shared>>
        tpu.enqueue_indirect_dma source(%arg8 : memref<125x64xf32, #tpu.memory_space<vmem>>) target(%dma_start3A_92 : memref<10240x64xf32, #tpu.memory_space<vmem_shared>>) offsets(%dma_start3A_89 : memref<125xi32, #tpu.memory_space<vmem>>) semaphore(%run_scoped3A_86 : memref<!tpu.dma_semaphore, #tpu.memory_space<semaphore_mem>>) {add = true}
        %dma_wait3A_93 = arith.constant 0 : i32
        %dma_wait3A_94 = tpu.memref_slice %arg7[%mul3A_47, %dma_wait3A_93] : memref<160x125xi32, #tpu.memory_space<vmem>> -> memref<1x125xi32, #tpu.memory_space<vmem>>
        %dma_wait3A_95 = tpu.memref_squeeze %dma_wait3A_94 : memref<1x125xi32, #tpu.memory_space<vmem>> -> memref<125xi32, #tpu.memory_space<vmem>>
        %dma_wait3A_96 = arith.constant 0 : i32
        %dma_wait3A_97 = arith.constant 0 : i32
        %dma_wait3A_98 = tpu.memref_slice %arg10[%dma_wait3A_96, %dma_wait3A_97] : memref<10240x64xf32, #tpu.memory_space<vmem_shared>> -> memref<10240x64xf32, #tpu.memory_space<vmem_shared>>
        tpu.wait_indirect_dma semaphore(%run_scoped3A_86 : memref<!tpu.dma_semaphore, #tpu.memory_space<semaphore_mem>>) src(%arg8 : memref<125x64xf32, #tpu.memory_space<vmem>>) dst(%dma_wait3A_98 : memref<10240x64xf32, #tpu.memory_space<vmem_shared>>)
        tpu.yield
      }) : () -> ()
      %add3A_68 = arith.constant 2 : i32
      %add3A_69 = arith.addi %mul3A_47, %add3A_68 : i32
      %lt3A = arith.constant 160 : i32
      %lt3A_70 = arith.cmpi slt, %add3A_69, %lt3A : i32
      %convert_element_type3A = arith.extui %lt3A_70 : i1 to i32
      %cond3A = arith.constant 0 : i32
      %cond3A_71 = arith.cmpi ne, %convert_element_type3A, %cond3A : i32
      scf.if %cond3A_71 {
        %add3A_86 = arith.constant 2 : i32
        %add3A_87 = arith.addi %mul3A_47, %add3A_86 : i32
        %dma_start3A_88 = arith.constant 0 : i32
        %dma_start3A_89 = tpu.memref_slice %arg6[%add3A_87, %dma_start3A_88] : memref<160x125xi32, #tpu.memory_space<vmem>> -> memref<1x125xi32, #tpu.memory_space<vmem>>
        %dma_start3A_90 = tpu.memref_squeeze %dma_start3A_89 : memref<1x125xi32, #tpu.memory_space<vmem>> -> memref<125xi32, #tpu.memory_space<vmem>>
        %dma_start3A_91 = arith.constant 0 : i32
        %dma_start3A_92 = arith.constant 0 : i32
        %dma_start3A_93 = tpu.memref_slice %arg2[%arg0, %scan3A_36, %dma_start3A_91, %dma_start3A_92] : memref<2x2x10000x64xf32, #tpu.memory_space<hbm>> -> memref<1x1x10000x64xf32, #tpu.memory_space<hbm>>
        %dma_start3A_94 = tpu.memref_squeeze %dma_start3A_93 : memref<1x1x10000x64xf32, #tpu.memory_space<hbm>> -> memref<10000x64xf32, #tpu.memory_space<hbm>>
        %dma_start3A_95 = arith.constant 0 : i32
        %dma_start3A_96 = arith.constant 0 : i32
        %dma_start3A_97 = tpu.memref_slice %dma_start3A_94[%dma_start3A_95, %dma_start3A_96] : memref<10000x64xf32, #tpu.memory_space<hbm>> -> memref<10000x64xf32, #tpu.memory_space<hbm>>
        tpu.enqueue_indirect_dma source(%dma_start3A_97 : memref<10000x64xf32, #tpu.memory_space<hbm>>) target(%arg8 : memref<125x64xf32, #tpu.memory_space<vmem>>) offsets(%dma_start3A_90 : memref<125xi32, #tpu.memory_space<vmem>>) semaphore(%arg11 : memref<!tpu.dma_semaphore, #tpu.memory_space<semaphore_mem>>)
      } else {
      }
      %add3A_72 = arith.constant 1 : i32
      %add3A_73 = arith.addi %mul3A_47, %add3A_72 : i32
      %dma_wait3A_74 = arith.constant 0 : i32
      %dma_wait3A_75 = tpu.memref_slice %arg6[%add3A_73, %dma_wait3A_74] : memref<160x125xi32, #tpu.memory_space<vmem>> -> memref<1x125xi32, #tpu.memory_space<vmem>>
      %dma_wait3A_76 = tpu.memref_squeeze %dma_wait3A_75 : memref<1x125xi32, #tpu.memory_space<vmem>> -> memref<125xi32, #tpu.memory_space<vmem>>
      %dma_wait3A_77 = arith.constant 0 : i32
      %dma_wait3A_78 = arith.constant 0 : i32
      %dma_wait3A_79 = tpu.memref_slice %arg2[%arg0, %scan3A_36, %dma_wait3A_77, %dma_wait3A_78] : memref<2x2x10000x64xf32, #tpu.memory_space<hbm>> -> memref<1x1x10000x64xf32, #tpu.memory_space<hbm>>
      %dma_wait3A_80 = tpu.memref_squeeze %dma_wait3A_79 : memref<1x1x10000x64xf32, #tpu.memory_space<hbm>> -> memref<10000x64xf32, #tpu.memory_space<hbm>>
      %dma_wait3A_81 = arith.constant 0 : i32
      %dma_wait3A_82 = arith.constant 0 : i32
      %dma_wait3A_83 = tpu.memref_slice %dma_wait3A_80[%dma_wait3A_81, %dma_wait3A_82] : memref<10000x64xf32, #tpu.memory_space<hbm>> -> memref<10000x64xf32, #tpu.memory_space<hbm>>
      tpu.wait_indirect_dma semaphore(%arg12 : memref<!tpu.dma_semaphore, #tpu.memory_space<semaphore_mem>>) src(%dma_wait3A_83 : memref<10000x64xf32, #tpu.memory_space<hbm>>) dst(%arg9 : memref<125x64xf32, #tpu.memory_space<vmem>>)
      %add3A_84 = arith.constant 1 : i32
      %add3A_85 = arith.addi %mul3A_47, %add3A_84 : i32
      "tpu.region"() ({
        %run_scoped3A_86 = tpu.sem_alloc : memref<!tpu.dma_semaphore, #tpu.memory_space<semaphore_mem>>
        %dma_start3A_87 = arith.constant 0 : i32
        %dma_start3A_88 = tpu.memref_slice %arg7[%add3A_85, %dma_start3A_87] : memref<160x125xi32, #tpu.memory_space<vmem>> -> memref<1x125xi32, #tpu.memory_space<vmem>>
        %dma_start3A_89 = tpu.memref_squeeze %dma_start3A_88 : memref<1x125xi32, #tpu.memory_space<vmem>> -> memref<125xi32, #tpu.memory_space<vmem>>
        %dma_start3A_90 = arith.constant 0 : i32
        %dma_start3A_91 = arith.constant 0 : i32
        %dma_start3A_92 = tpu.memref_slice %arg10[%dma_start3A_90, %dma_start3A_91] : memref<10240x64xf32, #tpu.memory_space<vmem_shared>> -> memref<10240x64xf32, #tpu.memory_space<vmem_shared>>
        tpu.enqueue_indirect_dma source(%arg9 : memref<125x64xf32, #tpu.memory_space<vmem>>) target(%dma_start3A_92 : memref<10240x64xf32, #tpu.memory_space<vmem_shared>>) offsets(%dma_start3A_89 : memref<125xi32, #tpu.memory_space<vmem>>) semaphore(%run_scoped3A_86 : memref<!tpu.dma_semaphore, #tpu.memory_space<semaphore_mem>>) {add = true}
        %dma_wait3A_93 = arith.constant 0 : i32
        %dma_wait3A_94 = tpu.memref_slice %arg7[%add3A_85, %dma_wait3A_93] : memref<160x125xi32, #tpu.memory_space<vmem>> -> memref<1x125xi32, #tpu.memory_space<vmem>>
        %dma_wait3A_95 = tpu.memref_squeeze %dma_wait3A_94 : memref<1x125xi32, #tpu.memory_space<vmem>> -> memref<125xi32, #tpu.memory_space<vmem>>
        %dma_wait3A_96 = arith.constant 0 : i32
        %dma_wait3A_97 = arith.constant 0 : i32
        %dma_wait3A_98 = tpu.memref_slice %arg10[%dma_wait3A_96, %dma_wait3A_97] : memref<10240x64xf32, #tpu.memory_space<vmem_shared>> -> memref<10240x64xf32, #tpu.memory_space<vmem_shared>>
        tpu.wait_indirect_dma semaphore(%run_scoped3A_86 : memref<!tpu.dma_semaphore, #tpu.memory_space<semaphore_mem>>) src(%arg9 : memref<125x64xf32, #tpu.memory_space<vmem>>) dst(%dma_wait3A_98 : memref<10240x64xf32, #tpu.memory_space<vmem_shared>>)
        tpu.yield
      }) : () -> ()
    }
    %scan3A_41 = arith.constant 80 : i32
    %barrier3A_42 = arith.constant 0 : index
    tpu.barrier barrier_id(%barrier3A_42)
    %run_scoped3A_43 = arith.constant 1 : i32
    "tpu.region"() ({
      %run_scoped3A_45 = tpu.sem_alloc : memref<!tpu.dma_semaphore, #tpu.memory_space<semaphore_mem>>
      %dma_start3A_46 = arith.constant 0 : i32
      %dma_start3A_47 = tpu.memref_slice %arg5[%arg0, %run_scoped3A_43, %mul3A_1, %dma_start3A_46] : memref<2x2x10240x64xf32, #tpu.memory_space<hbm>> -> memref<1x1x640x64xf32, #tpu.memory_space<hbm>>
      %dma_start3A_48 = tpu.memref_squeeze %dma_start3A_47 : memref<1x1x640x64xf32, #tpu.memory_space<hbm>> -> memref<640x64xf32, #tpu.memory_space<hbm>>
      %dma_start3A_49 = arith.constant 0 : i32
      %dma_start3A_50 = tpu.memref_slice %arg10[%mul3A_1, %dma_start3A_49] : memref<10240x64xf32, #tpu.memory_space<vmem_shared>> -> memref<640x64xf32, #tpu.memory_space<vmem_shared>>
      tpu.enqueue_dma source(%dma_start3A_50 : memref<640x64xf32, #tpu.memory_space<vmem_shared>>) target(%dma_start3A_48 : memref<640x64xf32, #tpu.memory_space<hbm>>) target_semaphore(%run_scoped3A_45 : memref<!tpu.dma_semaphore, #tpu.memory_space<semaphore_mem>>)
      %dma_wait3A = arith.constant 0 : i32
      %dma_wait3A_51 = tpu.memref_slice %arg5[%arg0, %run_scoped3A_43, %mul3A_1, %dma_wait3A] : memref<2x2x10240x64xf32, #tpu.memory_space<hbm>> -> memref<1x1x640x64xf32, #tpu.memory_space<hbm>>
      %dma_wait3A_52 = tpu.memref_squeeze %dma_wait3A_51 : memref<1x1x640x64xf32, #tpu.memory_space<hbm>> -> memref<640x64xf32, #tpu.memory_space<hbm>>
      %dma_wait3A_53 = arith.constant 0 : i32
      %dma_wait3A_54 = tpu.memref_slice %arg10[%mul3A_1, %dma_wait3A_53] : memref<10240x64xf32, #tpu.memory_space<vmem_shared>> -> memref<640x64xf32, #tpu.memory_space<vmem_shared>>
      tpu.wait_dma2 semaphore(%run_scoped3A_45 : memref<!tpu.dma_semaphore, #tpu.memory_space<semaphore_mem>>) src(%dma_wait3A_54 : memref<640x64xf32, #tpu.memory_space<vmem_shared>>) dst(%dma_wait3A_52 : memref<640x64xf32, #tpu.memory_space<hbm>>)
      tpu.yield
    }) : () -> ()
    %barrier3A_44 = arith.constant 0 : index
    tpu.barrier barrier_id(%barrier3A_44)
    return
  }
}

module attributes {stable_mosaic.version = 14 : i64} {
  func.func @_emb_body(%arg0: i32, %arg1: memref<2000x128xf32, #tpu.memory_space<vmem>>, %arg2: memref<128x128xf32, #tpu.memory_space<vmem>>, %arg3: memref<1x128xf32, #tpu.memory_space<vmem>>, %arg4: memref<256x128xf32, #tpu.memory_space<vmem>>, %arg5: memref<1x256xf32, #tpu.memory_space<vmem>>, %arg6: memref<256x256xf32, #tpu.memory_space<vmem>>, %arg7: memref<1x256xf32, #tpu.memory_space<vmem>>, %arg8: memref<2000x256xf32, #tpu.memory_space<vmem>>, %arg9: memref<2x2x2000x64xf32, #tpu.memory_space<vmem>>) attributes {dimension_semantics = [#tpu.dimension_semantics<arbitrary>], iteration_bounds = array<i64: 5>, scalar_prefetch = 0 : i64, scratch_operands = 0 : i64, tpu.core_type = #tpu.core_type<tc>, window_params = [{transform_indices = @transform_0, window_bounds = array<i64: 2000, 128>}, {pipeline_mode = #tpu.pipeline_mode<synchronous>, transform_indices = @transform_1, window_bounds = array<i64: 128, 128>}, {pipeline_mode = #tpu.pipeline_mode<synchronous>, transform_indices = @transform_2, window_bounds = array<i64: 1, 128>}, {pipeline_mode = #tpu.pipeline_mode<synchronous>, transform_indices = @transform_3, window_bounds = array<i64: 256, 128>}, {pipeline_mode = #tpu.pipeline_mode<synchronous>, transform_indices = @transform_4, window_bounds = array<i64: 1, 256>}, {pipeline_mode = #tpu.pipeline_mode<synchronous>, transform_indices = @transform_5, window_bounds = array<i64: 256, 256>}, {pipeline_mode = #tpu.pipeline_mode<synchronous>, transform_indices = @transform_6, window_bounds = array<i64: 1, 256>}, {transform_indices = @transform_7, window_bounds = array<i64: 2000, 256>}, {transform_indices = @transform_8, window_bounds = array<i64: 2, 2, 2000, 64>}]} {
    %get3A = arith.constant 0 : index
    %get3A_0 = arith.constant 0 : index
    %get3A_1 = vector.load %arg1[%get3A, %get3A_0] : memref<2000x128xf32, #tpu.memory_space<vmem>>, vector<2000x128xf32>
    %get3A_2 = arith.constant 0 : index
    %get3A_3 = arith.constant 0 : index
    %get3A_4 = vector.load %arg2[%get3A_2, %get3A_3] : memref<128x128xf32, #tpu.memory_space<vmem>>, vector<128x128xf32>
    %dot_general3A = arith.constant dense<0.000000e+00> : vector<2000x128xf32>
    %dot_general3A_5 = tpu.matmul %get3A_1, %get3A_4, %dot_general3A {dimension_numbers = #tpu.dot_dimension_numbers<[1], [1], [0], [0], [0, 0, 1, 0], [], []>, transpose_lhs_hint = false} : vector<2000x128xf32>, vector<128x128xf32>, vector<2000x128xf32> -> vector<2000x128xf32>
    %get3A_6 = arith.constant 0 : index
    %get3A_7 = arith.constant 0 : index
    %get3A_8 = vector.load %arg3[%get3A_6, %get3A_7] : memref<1x128xf32, #tpu.memory_space<vmem>>, vector<1x128xf32>
    %add3A = vector.broadcast %get3A_8 : vector<1x128xf32> to vector<2000x128xf32>
    %add3A_9 = arith.addf %dot_general3A_5, %add3A : vector<2000x128xf32>
    %max3A = arith.constant 0.000000e+00 : f32
    %max3A_10 = vector.broadcast %max3A : f32 to vector<2000x128xf32>
    %max3A_11 = arith.maximumf %add3A_9, %max3A_10 : vector<2000x128xf32>
    %get3A_12 = arith.constant 0 : index
    %get3A_13 = arith.constant 0 : index
    %get3A_14 = vector.load %arg4[%get3A_12, %get3A_13] : memref<256x128xf32, #tpu.memory_space<vmem>>, vector<256x128xf32>
    %dot_general3A_15 = arith.constant dense<0.000000e+00> : vector<2000x256xf32>
    %dot_general3A_16 = tpu.matmul %max3A_11, %get3A_14, %dot_general3A_15 {dimension_numbers = #tpu.dot_dimension_numbers<[1], [1], [0], [0], [0, 0, 1, 0], [], []>, transpose_lhs_hint = false} : vector<2000x128xf32>, vector<256x128xf32>, vector<2000x256xf32> -> vector<2000x256xf32>
    %get3A_17 = arith.constant 0 : index
    %get3A_18 = arith.constant 0 : index
    %get3A_19 = vector.load %arg5[%get3A_17, %get3A_18] : memref<1x256xf32, #tpu.memory_space<vmem>>, vector<1x256xf32>
    %add3A_20 = vector.broadcast %get3A_19 : vector<1x256xf32> to vector<2000x256xf32>
    %add3A_21 = arith.addf %dot_general3A_16, %add3A_20 : vector<2000x256xf32>
    %max3A_22 = arith.constant 0.000000e+00 : f32
    %max3A_23 = vector.broadcast %max3A_22 : f32 to vector<2000x256xf32>
    %max3A_24 = arith.maximumf %add3A_21, %max3A_23 : vector<2000x256xf32>
    %swap3A = arith.constant 0 : index
    %swap3A_25 = arith.constant 0 : index
    %swap3A_26 = vector.load %arg8[%swap3A, %swap3A_25] : memref<2000x256xf32, #tpu.memory_space<vmem>>, vector<2000x256xf32>
    tpu.vector_store %arg8[%swap3A, %swap3A_25], %max3A_24 {strides = array<i32>} : memref<2000x256xf32, #tpu.memory_space<vmem>>, vector<2000x256xf32>,
    %get3A_27 = arith.constant 0 : index
    %get3A_28 = arith.constant 0 : index
    %get3A_29 = vector.load %arg6[%get3A_27, %get3A_28] : memref<256x256xf32, #tpu.memory_space<vmem>>, vector<256x256xf32>
    %dot_general3A_30 = arith.constant dense<0.000000e+00> : vector<2000x256xf32>
    %dot_general3A_31 = tpu.matmul %max3A_24, %get3A_29, %dot_general3A_30 {dimension_numbers = #tpu.dot_dimension_numbers<[1], [1], [0], [0], [0, 0, 1, 0], [], []>, transpose_lhs_hint = false} : vector<2000x256xf32>, vector<256x256xf32>, vector<2000x256xf32> -> vector<2000x256xf32>
    %get3A_32 = arith.constant 0 : index
    %get3A_33 = arith.constant 0 : index
    %get3A_34 = vector.load %arg7[%get3A_32, %get3A_33] : memref<1x256xf32, #tpu.memory_space<vmem>>, vector<1x256xf32>
    %add3A_35 = vector.broadcast %get3A_34 : vector<1x256xf32> to vector<2000x256xf32>
    %add3A_36 = arith.addf %dot_general3A_31, %add3A_35 : vector<2000x256xf32>
    %slice3A = vector.extract_strided_slice %add3A_36 {offsets = [0, 0], sizes = [2000, 64], strides = [1, 1]} : vector<2000x256xf32> to vector<2000x64xf32>
    %swap3A_37 = arith.constant 0 : index
    %swap3A_38 = arith.constant 0 : index
    %swap3A_39 = arith.constant 0 : index
    %swap3A_40 = arith.constant 0 : index
    %swap3A_41 = vector.load %arg9[%swap3A_37, %swap3A_38, %swap3A_39, %swap3A_40] : memref<2x2x2000x64xf32, #tpu.memory_space<vmem>>, vector<1x1x2000x64xf32>
    %swap3A_42 = vector.shape_cast %swap3A_41 : vector<1x1x2000x64xf32> to vector<2000x64xf32>
    %swap3A_43 = vector.shape_cast %slice3A : vector<2000x64xf32> to vector<1x1x2000x64xf32>
    tpu.vector_store %arg9[%swap3A_37, %swap3A_38, %swap3A_39, %swap3A_40], %swap3A_43 {strides = array<i32>} : memref<2x2x2000x64xf32, #tpu.memory_space<vmem>>, vector<1x1x2000x64xf32>,
    %slice3A_44 = vector.extract_strided_slice %add3A_36 {offsets = [0, 64], sizes = [2000, 64], strides = [1, 1]} : vector<2000x256xf32> to vector<2000x64xf32>
    %swap3A_45 = arith.constant 0 : index
    %swap3A_46 = arith.constant 1 : index
    %swap3A_47 = arith.constant 0 : index
    %swap3A_48 = arith.constant 0 : index
    %swap3A_49 = vector.load %arg9[%swap3A_45, %swap3A_46, %swap3A_47, %swap3A_48] : memref<2x2x2000x64xf32, #tpu.memory_space<vmem>>, vector<1x1x2000x64xf32>
    %swap3A_50 = vector.shape_cast %swap3A_49 : vector<1x1x2000x64xf32> to vector<2000x64xf32>
    %swap3A_51 = vector.shape_cast %slice3A_44 : vector<2000x64xf32> to vector<1x1x2000x64xf32>
    tpu.vector_store %arg9[%swap3A_45, %swap3A_46, %swap3A_47, %swap3A_48], %swap3A_51 {strides = array<i32>} : memref<2x2x2000x64xf32, #tpu.memory_space<vmem>>, vector<1x1x2000x64xf32>,
    %slice3A_52 = vector.extract_strided_slice %add3A_36 {offsets = [0, 128], sizes = [2000, 64], strides = [1, 1]} : vector<2000x256xf32> to vector<2000x64xf32>
    %swap3A_53 = arith.constant 1 : index
    %swap3A_54 = arith.constant 0 : index
    %swap3A_55 = arith.constant 0 : index
    %swap3A_56 = arith.constant 0 : index
    %swap3A_57 = vector.load %arg9[%swap3A_53, %swap3A_54, %swap3A_55, %swap3A_56] : memref<2x2x2000x64xf32, #tpu.memory_space<vmem>>, vector<1x1x2000x64xf32>
    %swap3A_58 = vector.shape_cast %swap3A_57 : vector<1x1x2000x64xf32> to vector<2000x64xf32>
    %swap3A_59 = vector.shape_cast %slice3A_52 : vector<2000x64xf32> to vector<1x1x2000x64xf32>
    tpu.vector_store %arg9[%swap3A_53, %swap3A_54, %swap3A_55, %swap3A_56], %swap3A_59 {strides = array<i32>} : memref<2x2x2000x64xf32, #tpu.memory_space<vmem>>, vector<1x1x2000x64xf32>,
    %slice3A_60 = vector.extract_strided_slice %add3A_36 {offsets = [0, 192], sizes = [2000, 64], strides = [1, 1]} : vector<2000x256xf32> to vector<2000x64xf32>
    %swap3A_61 = arith.constant 1 : index
    %swap3A_62 = arith.constant 1 : index
    %swap3A_63 = arith.constant 0 : index
    %swap3A_64 = arith.constant 0 : index
    %swap3A_65 = vector.load %arg9[%swap3A_61, %swap3A_62, %swap3A_63, %swap3A_64] : memref<2x2x2000x64xf32, #tpu.memory_space<vmem>>, vector<1x1x2000x64xf32>
    %swap3A_66 = vector.shape_cast %swap3A_65 : vector<1x1x2000x64xf32> to vector<2000x64xf32>
    %swap3A_67 = vector.shape_cast %slice3A_60 : vector<2000x64xf32> to vector<1x1x2000x64xf32>
    tpu.vector_store %arg9[%swap3A_61, %swap3A_62, %swap3A_63, %swap3A_64], %swap3A_67 {strides = array<i32>} : memref<2x2x2000x64xf32, #tpu.memory_space<vmem>>, vector<1x1x2000x64xf32>,
    return
  }
  func.func @transform_0(%arg0: i32) -> (i32, i32) {
    %c0_i32 = arith.constant 0 : i32
    %c0_i32_0 = arith.constant 0 : i32
    return %arg0, %c0_i32 : i32, i32
  }
  func.func @transform_1(%arg0: i32) -> (i32, i32) {
    %c0_i32 = arith.constant 0 : i32
    %c0_i32_0 = arith.constant 0 : i32
    %c0_i32_1 = arith.constant 0 : i32
    return %c0_i32, %c0_i32_0 : i32, i32
  }
  func.func @transform_2(%arg0: i32) -> (i32, i32) {
    %c0_i32 = arith.constant 0 : i32
    %c0_i32_0 = arith.constant 0 : i32
    %c0_i32_1 = arith.constant 0 : i32
    return %c0_i32, %c0_i32_0 : i32, i32
  }
  func.func @transform_3(%arg0: i32) -> (i32, i32) {
    %c0_i32 = arith.constant 0 : i32
    %c0_i32_0 = arith.constant 0 : i32
    %c0_i32_1 = arith.constant 0 : i32
    return %c0_i32, %c0_i32_0 : i32, i32
  }
  func.func @transform_4(%arg0: i32) -> (i32, i32) {
    %c0_i32 = arith.constant 0 : i32
    %c0_i32_0 = arith.constant 0 : i32
    %c0_i32_1 = arith.constant 0 : i32
    return %c0_i32, %c0_i32_0 : i32, i32
  }
  func.func @transform_5(%arg0: i32) -> (i32, i32) {
    %c0_i32 = arith.constant 0 : i32
    %c0_i32_0 = arith.constant 0 : i32
    %c0_i32_1 = arith.constant 0 : i32
    return %c0_i32, %c0_i32_0 : i32, i32
  }
  func.func @transform_6(%arg0: i32) -> (i32, i32) {
    %c0_i32 = arith.constant 0 : i32
    %c0_i32_0 = arith.constant 0 : i32
    %c0_i32_1 = arith.constant 0 : i32
    return %c0_i32, %c0_i32_0 : i32, i32
  }
  func.func @transform_7(%arg0: i32) -> (i32, i32) {
    %c0_i32 = arith.constant 0 : i32
    %c0_i32_0 = arith.constant 0 : i32
    return %arg0, %c0_i32 : i32, i32
  }
  func.func @transform_8(%arg0: i32) -> (i32, i32, i32, i32) {
    %c0_i32 = arith.constant 0 : i32
    %c0_i32_0 = arith.constant 0 : i32
    %c0_i32_1 = arith.constant 0 : i32
    %c0_i32_2 = arith.constant 0 : i32
    return %c0_i32, %c0_i32_0, %arg0, %c0_i32_1 : i32, i32, i32, i32
  }
}

module attributes {stable_mosaic.version = 14 : i64} {
  func.func @_gru_msg_body(%arg0: i32, %arg1: memref<2x2x2000x64xf32, #tpu.memory_space<vmem>>, %arg2: memref<2000x256xf32, #tpu.memory_space<vmem>>, %arg3: memref<768x256xf32, #tpu.memory_space<vmem>>, %arg4: memref<768x256xf32, #tpu.memory_space<vmem>>, %arg5: memref<1x768xf32, #tpu.memory_space<vmem>>, %arg6: memref<1x768xf32, #tpu.memory_space<vmem>>, %arg7: memref<256x256xf32, #tpu.memory_space<vmem>>, %arg8: memref<1x256xf32, #tpu.memory_space<vmem>>, %arg9: memref<2000x256xf32, #tpu.memory_space<vmem>>, %arg10: memref<2x2x2000x64xf32, #tpu.memory_space<vmem>>) attributes {dimension_semantics = [#tpu.dimension_semantics<arbitrary>], iteration_bounds = array<i64: 5>, scalar_prefetch = 0 : i64, scratch_operands = 0 : i64, tpu.core_type = #tpu.core_type<tc>, window_params = [{transform_indices = @transform_0, window_bounds = array<i64: 2, 2, 2000, 64>}, {transform_indices = @transform_1, window_bounds = array<i64: 2000, 256>}, {pipeline_mode = #tpu.pipeline_mode<synchronous>, transform_indices = @transform_2, window_bounds = array<i64: 768, 256>}, {pipeline_mode = #tpu.pipeline_mode<synchronous>, transform_indices = @transform_3, window_bounds = array<i64: 768, 256>}, {pipeline_mode = #tpu.pipeline_mode<synchronous>, transform_indices = @transform_4, window_bounds = array<i64: 1, 768>}, {pipeline_mode = #tpu.pipeline_mode<synchronous>, transform_indices = @transform_5, window_bounds = array<i64: 1, 768>}, {pipeline_mode = #tpu.pipeline_mode<synchronous>, transform_indices = @transform_6, window_bounds = array<i64: 256, 256>}, {pipeline_mode = #tpu.pipeline_mode<synchronous>, transform_indices = @transform_7, window_bounds = array<i64: 1, 256>}, {transform_indices = @transform_8, window_bounds = array<i64: 2000, 256>}, {transform_indices = @transform_9, window_bounds = array<i64: 2, 2, 2000, 64>}]} {
    %get3A = arith.constant 0 : index
    %get3A_0 = arith.constant 0 : index
    %get3A_1 = arith.constant 0 : index
    %get3A_2 = arith.constant 0 : index
    %get3A_3 = vector.load %arg1[%get3A, %get3A_0, %get3A_1, %get3A_2] : memref<2x2x2000x64xf32, #tpu.memory_space<vmem>>, vector<1x1x2000x64xf32>
    %get3A_4 = vector.shape_cast %get3A_3 : vector<1x1x2000x64xf32> to vector<2000x64xf32>
    %get3A_5 = arith.constant 0 : index
    %get3A_6 = arith.constant 1 : index
    %get3A_7 = arith.constant 0 : index
    %get3A_8 = arith.constant 0 : index
    %get3A_9 = vector.load %arg1[%get3A_5, %get3A_6, %get3A_7, %get3A_8] : memref<2x2x2000x64xf32, #tpu.memory_space<vmem>>, vector<1x1x2000x64xf32>
    %get3A_10 = vector.shape_cast %get3A_9 : vector<1x1x2000x64xf32> to vector<2000x64xf32>
    %get3A_11 = arith.constant 1 : index
    %get3A_12 = arith.constant 0 : index
    %get3A_13 = arith.constant 0 : index
    %get3A_14 = arith.constant 0 : index
    %get3A_15 = vector.load %arg1[%get3A_11, %get3A_12, %get3A_13, %get3A_14] : memref<2x2x2000x64xf32, #tpu.memory_space<vmem>>, vector<1x1x2000x64xf32>
    %get3A_16 = vector.shape_cast %get3A_15 : vector<1x1x2000x64xf32> to vector<2000x64xf32>
    %get3A_17 = arith.constant 1 : index
    %get3A_18 = arith.constant 1 : index
    %get3A_19 = arith.constant 0 : index
    %get3A_20 = arith.constant 0 : index
    %get3A_21 = vector.load %arg1[%get3A_17, %get3A_18, %get3A_19, %get3A_20] : memref<2x2x2000x64xf32, #tpu.memory_space<vmem>>, vector<1x1x2000x64xf32>
    %get3A_22 = vector.shape_cast %get3A_21 : vector<1x1x2000x64xf32> to vector<2000x64xf32>
    %concatenate3A = tpu.concatenate %get3A_4, %get3A_10, %get3A_16, %get3A_22 in 1 : vector<2000x64xf32>, vector<2000x64xf32>, vector<2000x64xf32>, vector<2000x64xf32> -> vector<2000x256xf32>
    %get3A_23 = arith.constant 0 : index
    %get3A_24 = arith.constant 0 : index
    %get3A_25 = vector.load %arg3[%get3A_23, %get3A_24] : memref<768x256xf32, #tpu.memory_space<vmem>>, vector<768x256xf32>
    %dot_general3A = arith.constant dense<0.000000e+00> : vector<2000x768xf32>
    %dot_general3A_26 = tpu.matmul %concatenate3A, %get3A_25, %dot_general3A {dimension_numbers = #tpu.dot_dimension_numbers<[1], [1], [0], [0], [0, 0, 1, 0], [], []>, transpose_lhs_hint = false} : vector<2000x256xf32>, vector<768x256xf32>, vector<2000x768xf32> -> vector<2000x768xf32>
    %get3A_27 = arith.constant 0 : index
    %get3A_28 = arith.constant 0 : index
    %get3A_29 = vector.load %arg5[%get3A_27, %get3A_28] : memref<1x768xf32, #tpu.memory_space<vmem>>, vector<1x768xf32>
    %add3A = vector.broadcast %get3A_29 : vector<1x768xf32> to vector<2000x768xf32>
    %add3A_30 = arith.addf %dot_general3A_26, %add3A : vector<2000x768xf32>
    %get3A_31 = arith.constant 0 : index
    %get3A_32 = arith.constant 0 : index
    %get3A_33 = vector.load %arg2[%get3A_31, %get3A_32] : memref<2000x256xf32, #tpu.memory_space<vmem>>, vector<2000x256xf32>
    %get3A_34 = arith.constant 0 : index
    %get3A_35 = arith.constant 0 : index
    %get3A_36 = vector.load %arg4[%get3A_34, %get3A_35] : memref<768x256xf32, #tpu.memory_space<vmem>>, vector<768x256xf32>
    %dot_general3A_37 = arith.constant dense<0.000000e+00> : vector<2000x768xf32>
    %dot_general3A_38 = tpu.matmul %get3A_33, %get3A_36, %dot_general3A_37 {dimension_numbers = #tpu.dot_dimension_numbers<[1], [1], [0], [0], [0, 0, 1, 0], [], []>, transpose_lhs_hint = false} : vector<2000x256xf32>, vector<768x256xf32>, vector<2000x768xf32> -> vector<2000x768xf32>
    %get3A_39 = arith.constant 0 : index
    %get3A_40 = arith.constant 0 : index
    %get3A_41 = vector.load %arg6[%get3A_39, %get3A_40] : memref<1x768xf32, #tpu.memory_space<vmem>>, vector<1x768xf32>
    %add3A_42 = vector.broadcast %get3A_41 : vector<1x768xf32> to vector<2000x768xf32>
    %add3A_43 = arith.addf %dot_general3A_38, %add3A_42 : vector<2000x768xf32>
    %slice3A = vector.extract_strided_slice %add3A_30 {offsets = [0, 0], sizes = [2000, 256], strides = [1, 1]} : vector<2000x768xf32> to vector<2000x256xf32>
    %slice3A_44 = vector.extract_strided_slice %add3A_43 {offsets = [0, 0], sizes = [2000, 256], strides = [1, 1]} : vector<2000x768xf32> to vector<2000x256xf32>
    %add3A_45 = arith.addf %slice3A, %slice3A_44 : vector<2000x256xf32>
    %logistic3A = arith.negf %add3A_45 : vector<2000x256xf32>
    %logistic3A_46 = math.exp %logistic3A : vector<2000x256xf32>
    %logistic3A_47 = arith.constant 1.000000e+00 : f32
    %logistic3A_48 = vector.broadcast %logistic3A_47 : f32 to vector<2000x256xf32>
    %logistic3A_49 = arith.addf %logistic3A_48, %logistic3A_46 : vector<2000x256xf32>
    %logistic3A_50 = arith.divf %logistic3A_48, %logistic3A_49 : vector<2000x256xf32>
    %slice3A_51 = vector.extract_strided_slice %add3A_30 {offsets = [0, 256], sizes = [2000, 256], strides = [1, 1]} : vector<2000x768xf32> to vector<2000x256xf32>
    %slice3A_52 = vector.extract_strided_slice %add3A_43 {offsets = [0, 256], sizes = [2000, 256], strides = [1, 1]} : vector<2000x768xf32> to vector<2000x256xf32>
    %add3A_53 = arith.addf %slice3A_51, %slice3A_52 : vector<2000x256xf32>
    %logistic3A_54 = arith.negf %add3A_53 : vector<2000x256xf32>
    %logistic3A_55 = math.exp %logistic3A_54 : vector<2000x256xf32>
    %logistic3A_56 = arith.constant 1.000000e+00 : f32
    %logistic3A_57 = vector.broadcast %logistic3A_56 : f32 to vector<2000x256xf32>
    %logistic3A_58 = arith.addf %logistic3A_57, %logistic3A_55 : vector<2000x256xf32>
    %logistic3A_59 = arith.divf %logistic3A_57, %logistic3A_58 : vector<2000x256xf32>
    %slice3A_60 = vector.extract_strided_slice %add3A_30 {offsets = [0, 512], sizes = [2000, 256], strides = [1, 1]} : vector<2000x768xf32> to vector<2000x256xf32>
    %slice3A_61 = vector.extract_strided_slice %add3A_43 {offsets = [0, 512], sizes = [2000, 256], strides = [1, 1]} : vector<2000x768xf32> to vector<2000x256xf32>
    %mul3A = arith.mulf %logistic3A_50, %slice3A_61 : vector<2000x256xf32>
    %add3A_62 = arith.addf %slice3A_60, %mul3A : vector<2000x256xf32>
    %tanh3A = math.tanh %add3A_62 : vector<2000x256xf32>
    %sub3A = arith.constant 1.000000e+00 : f32
    %sub3A_63 = vector.broadcast %sub3A : f32 to vector<2000x256xf32>
    %sub3A_64 = arith.subf %sub3A_63, %logistic3A_59 : vector<2000x256xf32>
    %mul3A_65 = arith.mulf %sub3A_64, %tanh3A : vector<2000x256xf32>
    %mul3A_66 = arith.mulf %logistic3A_59, %get3A_33 : vector<2000x256xf32>
    %add3A_67 = arith.addf %mul3A_65, %mul3A_66 : vector<2000x256xf32>
    %swap3A = arith.constant 0 : index
    %swap3A_68 = arith.constant 0 : index
    %swap3A_69 = vector.load %arg9[%swap3A, %swap3A_68] : memref<2000x256xf32, #tpu.memory_space<vmem>>, vector<2000x256xf32>
    tpu.vector_store %arg9[%swap3A, %swap3A_68], %add3A_67 {strides = array<i32>} : memref<2000x256xf32, #tpu.memory_space<vmem>>, vector<2000x256xf32>,
    %get3A_70 = arith.constant 0 : index
    %get3A_71 = arith.constant 0 : index
    %get3A_72 = vector.load %arg7[%get3A_70, %get3A_71] : memref<256x256xf32, #tpu.memory_space<vmem>>, vector<256x256xf32>
    %dot_general3A_73 = arith.constant dense<0.000000e+00> : vector<2000x256xf32>
    %dot_general3A_74 = tpu.matmul %add3A_67, %get3A_72, %dot_general3A_73 {dimension_numbers = #tpu.dot_dimension_numbers<[1], [1], [0], [0], [0, 0, 1, 0], [], []>, transpose_lhs_hint = false} : vector<2000x256xf32>, vector<256x256xf32>, vector<2000x256xf32> -> vector<2000x256xf32>
    %get3A_75 = arith.constant 0 : index
    %get3A_76 = arith.constant 0 : index
    %get3A_77 = vector.load %arg8[%get3A_75, %get3A_76] : memref<1x256xf32, #tpu.memory_space<vmem>>, vector<1x256xf32>
    %add3A_78 = vector.broadcast %get3A_77 : vector<1x256xf32> to vector<2000x256xf32>
    %add3A_79 = arith.addf %dot_general3A_74, %add3A_78 : vector<2000x256xf32>
    %slice3A_80 = vector.extract_strided_slice %add3A_79 {offsets = [0, 0], sizes = [2000, 64], strides = [1, 1]} : vector<2000x256xf32> to vector<2000x64xf32>
    %swap3A_81 = arith.constant 0 : index
    %swap3A_82 = arith.constant 0 : index
    %swap3A_83 = arith.constant 0 : index
    %swap3A_84 = arith.constant 0 : index
    %swap3A_85 = vector.load %arg10[%swap3A_81, %swap3A_82, %swap3A_83, %swap3A_84] : memref<2x2x2000x64xf32, #tpu.memory_space<vmem>>, vector<1x1x2000x64xf32>
    %swap3A_86 = vector.shape_cast %swap3A_85 : vector<1x1x2000x64xf32> to vector<2000x64xf32>
    %swap3A_87 = vector.shape_cast %slice3A_80 : vector<2000x64xf32> to vector<1x1x2000x64xf32>
    tpu.vector_store %arg10[%swap3A_81, %swap3A_82, %swap3A_83, %swap3A_84], %swap3A_87 {strides = array<i32>} : memref<2x2x2000x64xf32, #tpu.memory_space<vmem>>, vector<1x1x2000x64xf32>,
    %slice3A_88 = vector.extract_strided_slice %add3A_79 {offsets = [0, 64], sizes = [2000, 64], strides = [1, 1]} : vector<2000x256xf32> to vector<2000x64xf32>
    %swap3A_89 = arith.constant 0 : index
    %swap3A_90 = arith.constant 1 : index
    %swap3A_91 = arith.constant 0 : index
    %swap3A_92 = arith.constant 0 : index
    %swap3A_93 = vector.load %arg10[%swap3A_89, %swap3A_90, %swap3A_91, %swap3A_92] : memref<2x2x2000x64xf32, #tpu.memory_space<vmem>>, vector<1x1x2000x64xf32>
    %swap3A_94 = vector.shape_cast %swap3A_93 : vector<1x1x2000x64xf32> to vector<2000x64xf32>
    %swap3A_95 = vector.shape_cast %slice3A_88 : vector<2000x64xf32> to vector<1x1x2000x64xf32>
    tpu.vector_store %arg10[%swap3A_89, %swap3A_90, %swap3A_91, %swap3A_92], %swap3A_95 {strides = array<i32>} : memref<2x2x2000x64xf32, #tpu.memory_space<vmem>>, vector<1x1x2000x64xf32>,
    %slice3A_96 = vector.extract_strided_slice %add3A_79 {offsets = [0, 128], sizes = [2000, 64], strides = [1, 1]} : vector<2000x256xf32> to vector<2000x64xf32>
    %swap3A_97 = arith.constant 1 : index
    %swap3A_98 = arith.constant 0 : index
    %swap3A_99 = arith.constant 0 : index
    %swap3A_100 = arith.constant 0 : index
    %swap3A_101 = vector.load %arg10[%swap3A_97, %swap3A_98, %swap3A_99, %swap3A_100] : memref<2x2x2000x64xf32, #tpu.memory_space<vmem>>, vector<1x1x2000x64xf32>
    %swap3A_102 = vector.shape_cast %swap3A_101 : vector<1x1x2000x64xf32> to vector<2000x64xf32>
    %swap3A_103 = vector.shape_cast %slice3A_96 : vector<2000x64xf32> to vector<1x1x2000x64xf32>
    tpu.vector_store %arg10[%swap3A_97, %swap3A_98, %swap3A_99, %swap3A_100], %swap3A_103 {strides = array<i32>} : memref<2x2x2000x64xf32, #tpu.memory_space<vmem>>, vector<1x1x2000x64xf32>,
    %slice3A_104 = vector.extract_strided_slice %add3A_79 {offsets = [0, 192], sizes = [2000, 64], strides = [1, 1]} : vector<2000x256xf32> to vector<2000x64xf32>
    %swap3A_105 = arith.constant 1 : index
    %swap3A_106 = arith.constant 1 : index
    %swap3A_107 = arith.constant 0 : index
    %swap3A_108 = arith.constant 0 : index
    %swap3A_109 = vector.load %arg10[%swap3A_105, %swap3A_106, %swap3A_107, %swap3A_108] : memref<2x2x2000x64xf32, #tpu.memory_space<vmem>>, vector<1x1x2000x64xf32>
    %swap3A_110 = vector.shape_cast %swap3A_109 : vector<1x1x2000x64xf32> to vector<2000x64xf32>
    %swap3A_111 = vector.shape_cast %slice3A_104 : vector<2000x64xf32> to vector<1x1x2000x64xf32>
    tpu.vector_store %arg10[%swap3A_105, %swap3A_106, %swap3A_107, %swap3A_108], %swap3A_111 {strides = array<i32>} : memref<2x2x2000x64xf32, #tpu.memory_space<vmem>>, vector<1x1x2000x64xf32>,
    return
  }
  func.func @transform_0(%arg0: i32) -> (i32, i32, i32, i32) {
    %c0_i32 = arith.constant 0 : i32
    %c0_i32_0 = arith.constant 0 : i32
    %c0_i32_1 = arith.constant 0 : i32
    %c0_i32_2 = arith.constant 0 : i32
    return %c0_i32, %c0_i32_0, %arg0, %c0_i32_1 : i32, i32, i32, i32
  }
  func.func @transform_1(%arg0: i32) -> (i32, i32) {
    %c0_i32 = arith.constant 0 : i32
    %c0_i32_0 = arith.constant 0 : i32
    return %arg0, %c0_i32 : i32, i32
  }
  func.func @transform_2(%arg0: i32) -> (i32, i32) {
    %c0_i32 = arith.constant 0 : i32
    %c0_i32_0 = arith.constant 0 : i32
    %c0_i32_1 = arith.constant 0 : i32
    return %c0_i32, %c0_i32_0 : i32, i32
  }
  func.func @transform_3(%arg0: i32) -> (i32, i32) {
    %c0_i32 = arith.constant 0 : i32
    %c0_i32_0 = arith.constant 0 : i32
    %c0_i32_1 = arith.constant 0 : i32
    return %c0_i32, %c0_i32_0 : i32, i32
  }
  func.func @transform_4(%arg0: i32) -> (i32, i32) {
    %c0_i32 = arith.constant 0 : i32
    %c0_i32_0 = arith.constant 0 : i32
    %c0_i32_1 = arith.constant 0 : i32
    return %c0_i32, %c0_i32_0 : i32, i32
  }
  func.func @transform_5(%arg0: i32) -> (i32, i32) {
    %c0_i32 = arith.constant 0 : i32
    %c0_i32_0 = arith.constant 0 : i32
    %c0_i32_1 = arith.constant 0 : i32
    return %c0_i32, %c0_i32_0 : i32, i32
  }
  func.func @transform_6(%arg0: i32) -> (i32, i32) {
    %c0_i32 = arith.constant 0 : i32
    %c0_i32_0 = arith.constant 0 : i32
    %c0_i32_1 = arith.constant 0 : i32
    return %c0_i32, %c0_i32_0 : i32, i32
  }
  func.func @transform_7(%arg0: i32) -> (i32, i32) {
    %c0_i32 = arith.constant 0 : i32
    %c0_i32_0 = arith.constant 0 : i32
    %c0_i32_1 = arith.constant 0 : i32
    return %c0_i32, %c0_i32_0 : i32, i32
  }
  func.func @transform_8(%arg0: i32) -> (i32, i32) {
    %c0_i32 = arith.constant 0 : i32
    %c0_i32_0 = arith.constant 0 : i32
    return %arg0, %c0_i32 : i32, i32
  }
  func.func @transform_9(%arg0: i32) -> (i32, i32, i32, i32) {
    %c0_i32 = arith.constant 0 : i32
    %c0_i32_0 = arith.constant 0 : i32
    %c0_i32_1 = arith.constant 0 : i32
    %c0_i32_2 = arith.constant 0 : i32
    return %c0_i32, %c0_i32_0, %arg0, %c0_i32_1 : i32, i32, i32, i32
  }
}

module attributes {stable_mosaic.version = 14 : i64} {
  func.func @_gru_dec_body(%arg0: i32, %arg1: memref<2x2x2000x64xf32, #tpu.memory_space<vmem>>, %arg2: memref<2000x256xf32, #tpu.memory_space<vmem>>, %arg3: memref<768x256xf32, #tpu.memory_space<vmem>>, %arg4: memref<768x256xf32, #tpu.memory_space<vmem>>, %arg5: memref<1x768xf32, #tpu.memory_space<vmem>>, %arg6: memref<1x768xf32, #tpu.memory_space<vmem>>, %arg7: memref<128x256xf32, #tpu.memory_space<vmem>>, %arg8: memref<1x128xf32, #tpu.memory_space<vmem>>, %arg9: memref<64x128xf32, #tpu.memory_space<vmem>>, %arg10: memref<1x64xf32, #tpu.memory_space<vmem>>, %arg11: memref<64x64xf32, #tpu.memory_space<vmem>>, %arg12: memref<1x64xf32, #tpu.memory_space<vmem>>, %arg13: memref<2000x64xf32, #tpu.memory_space<vmem>>) attributes {dimension_semantics = [#tpu.dimension_semantics<arbitrary>], iteration_bounds = array<i64: 5>, scalar_prefetch = 0 : i64, scratch_operands = 0 : i64, tpu.core_type = #tpu.core_type<tc>, window_params = [{transform_indices = @transform_0, window_bounds = array<i64: 2, 2, 2000, 64>}, {transform_indices = @transform_1, window_bounds = array<i64: 2000, 256>}, {pipeline_mode = #tpu.pipeline_mode<synchronous>, transform_indices = @transform_2, window_bounds = array<i64: 768, 256>}, {pipeline_mode = #tpu.pipeline_mode<synchronous>, transform_indices = @transform_3, window_bounds = array<i64: 768, 256>}, {pipeline_mode = #tpu.pipeline_mode<synchronous>, transform_indices = @transform_4, window_bounds = array<i64: 1, 768>}, {pipeline_mode = #tpu.pipeline_mode<synchronous>, transform_indices = @transform_5, window_bounds = array<i64: 1, 768>}, {pipeline_mode = #tpu.pipeline_mode<synchronous>, transform_indices = @transform_6, window_bounds = array<i64: 128, 256>}, {pipeline_mode = #tpu.pipeline_mode<synchronous>, transform_indices = @transform_7, window_bounds = array<i64: 1, 128>}, {pipeline_mode = #tpu.pipeline_mode<synchronous>, transform_indices = @transform_8, window_bounds = array<i64: 64, 128>}, {pipeline_mode = #tpu.pipeline_mode<synchronous>, transform_indices = @transform_9, window_bounds = array<i64: 1, 64>}, {pipeline_mode = #tpu.pipeline_mode<synchronous>, transform_indices = @transform_10, window_bounds = array<i64: 64, 64>}, {pipeline_mode = #tpu.pipeline_mode<synchronous>, transform_indices = @transform_11, window_bounds = array<i64: 1, 64>}, {transform_indices = @transform_12, window_bounds = array<i64: 2000, 64>}]} {
    %get3A = arith.constant 0 : index
    %get3A_0 = arith.constant 0 : index
    %get3A_1 = arith.constant 0 : index
    %get3A_2 = arith.constant 0 : index
    %get3A_3 = vector.load %arg1[%get3A, %get3A_0, %get3A_1, %get3A_2] : memref<2x2x2000x64xf32, #tpu.memory_space<vmem>>, vector<1x1x2000x64xf32>
    %get3A_4 = vector.shape_cast %get3A_3 : vector<1x1x2000x64xf32> to vector<2000x64xf32>
    %get3A_5 = arith.constant 0 : index
    %get3A_6 = arith.constant 1 : index
    %get3A_7 = arith.constant 0 : index
    %get3A_8 = arith.constant 0 : index
    %get3A_9 = vector.load %arg1[%get3A_5, %get3A_6, %get3A_7, %get3A_8] : memref<2x2x2000x64xf32, #tpu.memory_space<vmem>>, vector<1x1x2000x64xf32>
    %get3A_10 = vector.shape_cast %get3A_9 : vector<1x1x2000x64xf32> to vector<2000x64xf32>
    %get3A_11 = arith.constant 1 : index
    %get3A_12 = arith.constant 0 : index
    %get3A_13 = arith.constant 0 : index
    %get3A_14 = arith.constant 0 : index
    %get3A_15 = vector.load %arg1[%get3A_11, %get3A_12, %get3A_13, %get3A_14] : memref<2x2x2000x64xf32, #tpu.memory_space<vmem>>, vector<1x1x2000x64xf32>
    %get3A_16 = vector.shape_cast %get3A_15 : vector<1x1x2000x64xf32> to vector<2000x64xf32>
    %get3A_17 = arith.constant 1 : index
    %get3A_18 = arith.constant 1 : index
    %get3A_19 = arith.constant 0 : index
    %get3A_20 = arith.constant 0 : index
    %get3A_21 = vector.load %arg1[%get3A_17, %get3A_18, %get3A_19, %get3A_20] : memref<2x2x2000x64xf32, #tpu.memory_space<vmem>>, vector<1x1x2000x64xf32>
    %get3A_22 = vector.shape_cast %get3A_21 : vector<1x1x2000x64xf32> to vector<2000x64xf32>
    %concatenate3A = tpu.concatenate %get3A_4, %get3A_10, %get3A_16, %get3A_22 in 1 : vector<2000x64xf32>, vector<2000x64xf32>, vector<2000x64xf32>, vector<2000x64xf32> -> vector<2000x256xf32>
    %get3A_23 = arith.constant 0 : index
    %get3A_24 = arith.constant 0 : index
    %get3A_25 = vector.load %arg3[%get3A_23, %get3A_24] : memref<768x256xf32, #tpu.memory_space<vmem>>, vector<768x256xf32>
    %dot_general3A = arith.constant dense<0.000000e+00> : vector<2000x768xf32>
    %dot_general3A_26 = tpu.matmul %concatenate3A, %get3A_25, %dot_general3A {dimension_numbers = #tpu.dot_dimension_numbers<[1], [1], [0], [0], [0, 0, 1, 0], [], []>, transpose_lhs_hint = false} : vector<2000x256xf32>, vector<768x256xf32>, vector<2000x768xf32> -> vector<2000x768xf32>
    %get3A_27 = arith.constant 0 : index
    %get3A_28 = arith.constant 0 : index
    %get3A_29 = vector.load %arg5[%get3A_27, %get3A_28] : memref<1x768xf32, #tpu.memory_space<vmem>>, vector<1x768xf32>
    %add3A = vector.broadcast %get3A_29 : vector<1x768xf32> to vector<2000x768xf32>
    %add3A_30 = arith.addf %dot_general3A_26, %add3A : vector<2000x768xf32>
    %get3A_31 = arith.constant 0 : index
    %get3A_32 = arith.constant 0 : index
    %get3A_33 = vector.load %arg2[%get3A_31, %get3A_32] : memref<2000x256xf32, #tpu.memory_space<vmem>>, vector<2000x256xf32>
    %get3A_34 = arith.constant 0 : index
    %get3A_35 = arith.constant 0 : index
    %get3A_36 = vector.load %arg4[%get3A_34, %get3A_35] : memref<768x256xf32, #tpu.memory_space<vmem>>, vector<768x256xf32>
    %dot_general3A_37 = arith.constant dense<0.000000e+00> : vector<2000x768xf32>
    %dot_general3A_38 = tpu.matmul %get3A_33, %get3A_36, %dot_general3A_37 {dimension_numbers = #tpu.dot_dimension_numbers<[1], [1], [0], [0], [0, 0, 1, 0], [], []>, transpose_lhs_hint = false} : vector<2000x256xf32>, vector<768x256xf32>, vector<2000x768xf32> -> vector<2000x768xf32>
    %get3A_39 = arith.constant 0 : index
    %get3A_40 = arith.constant 0 : index
    %get3A_41 = vector.load %arg6[%get3A_39, %get3A_40] : memref<1x768xf32, #tpu.memory_space<vmem>>, vector<1x768xf32>
    %add3A_42 = vector.broadcast %get3A_41 : vector<1x768xf32> to vector<2000x768xf32>
    %add3A_43 = arith.addf %dot_general3A_38, %add3A_42 : vector<2000x768xf32>
    %slice3A = vector.extract_strided_slice %add3A_30 {offsets = [0, 0], sizes = [2000, 256], strides = [1, 1]} : vector<2000x768xf32> to vector<2000x256xf32>
    %slice3A_44 = vector.extract_strided_slice %add3A_43 {offsets = [0, 0], sizes = [2000, 256], strides = [1, 1]} : vector<2000x768xf32> to vector<2000x256xf32>
    %add3A_45 = arith.addf %slice3A, %slice3A_44 : vector<2000x256xf32>
    %logistic3A = arith.negf %add3A_45 : vector<2000x256xf32>
    %logistic3A_46 = math.exp %logistic3A : vector<2000x256xf32>
    %logistic3A_47 = arith.constant 1.000000e+00 : f32
    %logistic3A_48 = vector.broadcast %logistic3A_47 : f32 to vector<2000x256xf32>
    %logistic3A_49 = arith.addf %logistic3A_48, %logistic3A_46 : vector<2000x256xf32>
    %logistic3A_50 = arith.divf %logistic3A_48, %logistic3A_49 : vector<2000x256xf32>
    %slice3A_51 = vector.extract_strided_slice %add3A_30 {offsets = [0, 256], sizes = [2000, 256], strides = [1, 1]} : vector<2000x768xf32> to vector<2000x256xf32>
    %slice3A_52 = vector.extract_strided_slice %add3A_43 {offsets = [0, 256], sizes = [2000, 256], strides = [1, 1]} : vector<2000x768xf32> to vector<2000x256xf32>
    %add3A_53 = arith.addf %slice3A_51, %slice3A_52 : vector<2000x256xf32>
    %logistic3A_54 = arith.negf %add3A_53 : vector<2000x256xf32>
    %logistic3A_55 = math.exp %logistic3A_54 : vector<2000x256xf32>
    %logistic3A_56 = arith.constant 1.000000e+00 : f32
    %logistic3A_57 = vector.broadcast %logistic3A_56 : f32 to vector<2000x256xf32>
    %logistic3A_58 = arith.addf %logistic3A_57, %logistic3A_55 : vector<2000x256xf32>
    %logistic3A_59 = arith.divf %logistic3A_57, %logistic3A_58 : vector<2000x256xf32>
    %slice3A_60 = vector.extract_strided_slice %add3A_30 {offsets = [0, 512], sizes = [2000, 256], strides = [1, 1]} : vector<2000x768xf32> to vector<2000x256xf32>
    %slice3A_61 = vector.extract_strided_slice %add3A_43 {offsets = [0, 512], sizes = [2000, 256], strides = [1, 1]} : vector<2000x768xf32> to vector<2000x256xf32>
    %mul3A = arith.mulf %logistic3A_50, %slice3A_61 : vector<2000x256xf32>
    %add3A_62 = arith.addf %slice3A_60, %mul3A : vector<2000x256xf32>
    %tanh3A = math.tanh %add3A_62 : vector<2000x256xf32>
    %sub3A = arith.constant 1.000000e+00 : f32
    %sub3A_63 = vector.broadcast %sub3A : f32 to vector<2000x256xf32>
    %sub3A_64 = arith.subf %sub3A_63, %logistic3A_59 : vector<2000x256xf32>
    %mul3A_65 = arith.mulf %sub3A_64, %tanh3A : vector<2000x256xf32>
    %mul3A_66 = arith.mulf %logistic3A_59, %get3A_33 : vector<2000x256xf32>
    %add3A_67 = arith.addf %mul3A_65, %mul3A_66 : vector<2000x256xf32>
    %max3A = arith.constant 0.000000e+00 : f32
    %max3A_68 = vector.broadcast %max3A : f32 to vector<2000x256xf32>
    %max3A_69 = arith.maximumf %add3A_67, %max3A_68 : vector<2000x256xf32>
    %get3A_70 = arith.constant 0 : index
    %get3A_71 = arith.constant 0 : index
    %get3A_72 = vector.load %arg7[%get3A_70, %get3A_71] : memref<128x256xf32, #tpu.memory_space<vmem>>, vector<128x256xf32>
    %dot_general3A_73 = arith.constant dense<0.000000e+00> : vector<2000x128xf32>
    %dot_general3A_74 = tpu.matmul %max3A_69, %get3A_72, %dot_general3A_73 {dimension_numbers = #tpu.dot_dimension_numbers<[1], [1], [0], [0], [0, 0, 1, 0], [], []>, transpose_lhs_hint = false} : vector<2000x256xf32>, vector<128x256xf32>, vector<2000x128xf32> -> vector<2000x128xf32>
    %get3A_75 = arith.constant 0 : index
    %get3A_76 = arith.constant 0 : index
    %get3A_77 = vector.load %arg8[%get3A_75, %get3A_76] : memref<1x128xf32, #tpu.memory_space<vmem>>, vector<1x128xf32>
    %add3A_78 = vector.broadcast %get3A_77 : vector<1x128xf32> to vector<2000x128xf32>
    %add3A_79 = arith.addf %dot_general3A_74, %add3A_78 : vector<2000x128xf32>
    %max3A_80 = arith.constant 0.000000e+00 : f32
    %max3A_81 = vector.broadcast %max3A_80 : f32 to vector<2000x128xf32>
    %max3A_82 = arith.maximumf %add3A_79, %max3A_81 : vector<2000x128xf32>
    %get3A_83 = arith.constant 0 : index
    %get3A_84 = arith.constant 0 : index
    %get3A_85 = vector.load %arg9[%get3A_83, %get3A_84] : memref<64x128xf32, #tpu.memory_space<vmem>>, vector<64x128xf32>
    %dot_general3A_86 = arith.constant dense<0.000000e+00> : vector<2000x64xf32>
    %dot_general3A_87 = tpu.matmul %max3A_82, %get3A_85, %dot_general3A_86 {dimension_numbers = #tpu.dot_dimension_numbers<[1], [1], [0], [0], [0, 0, 1, 0], [], []>, transpose_lhs_hint = false} : vector<2000x128xf32>, vector<64x128xf32>, vector<2000x64xf32> -> vector<2000x64xf32>
    %get3A_88 = arith.constant 0 : index
    %get3A_89 = arith.constant 0 : index
    %get3A_90 = vector.load %arg10[%get3A_88, %get3A_89] : memref<1x64xf32, #tpu.memory_space<vmem>>, vector<1x64xf32>
    %add3A_91 = vector.broadcast %get3A_90 : vector<1x64xf32> to vector<2000x64xf32>
    %add3A_92 = arith.addf %dot_general3A_87, %add3A_91 : vector<2000x64xf32>
    %max3A_93 = arith.constant 0.000000e+00 : f32
    %max3A_94 = vector.broadcast %max3A_93 : f32 to vector<2000x64xf32>
    %max3A_95 = arith.maximumf %add3A_92, %max3A_94 : vector<2000x64xf32>
    %get3A_96 = arith.constant 0 : index
    %get3A_97 = arith.constant 0 : index
    %get3A_98 = vector.load %arg11[%get3A_96, %get3A_97] : memref<64x64xf32, #tpu.memory_space<vmem>>, vector<64x64xf32>
    %dot_general3A_99 = arith.constant dense<0.000000e+00> : vector<2000x64xf32>
    %dot_general3A_100 = tpu.matmul %max3A_95, %get3A_98, %dot_general3A_99 {dimension_numbers = #tpu.dot_dimension_numbers<[1], [1], [0], [0], [0, 0, 1, 0], [], []>, transpose_lhs_hint = false} : vector<2000x64xf32>, vector<64x64xf32>, vector<2000x64xf32> -> vector<2000x64xf32>
    %get3A_101 = arith.constant 0 : index
    %get3A_102 = arith.constant 0 : index
    %get3A_103 = vector.load %arg12[%get3A_101, %get3A_102] : memref<1x64xf32, #tpu.memory_space<vmem>>, vector<1x64xf32>
    %add3A_104 = vector.broadcast %get3A_103 : vector<1x64xf32> to vector<2000x64xf32>
    %add3A_105 = arith.addf %dot_general3A_100, %add3A_104 : vector<2000x64xf32>
    %swap3A = arith.constant 0 : index
    %swap3A_106 = arith.constant 0 : index
    %swap3A_107 = vector.load %arg13[%swap3A, %swap3A_106] : memref<2000x64xf32, #tpu.memory_space<vmem>>, vector<2000x64xf32>
    tpu.vector_store %arg13[%swap3A, %swap3A_106], %add3A_105 {strides = array<i32>} : memref<2000x64xf32, #tpu.memory_space<vmem>>, vector<2000x64xf32>,
    return
  }
  func.func @transform_0(%arg0: i32) -> (i32, i32, i32, i32) {
    %c0_i32 = arith.constant 0 : i32
    %c0_i32_0 = arith.constant 0 : i32
    %c0_i32_1 = arith.constant 0 : i32
    %c0_i32_2 = arith.constant 0 : i32
    return %c0_i32, %c0_i32_0, %arg0, %c0_i32_1 : i32, i32, i32, i32
  }
  func.func @transform_1(%arg0: i32) -> (i32, i32) {
    %c0_i32 = arith.constant 0 : i32
    %c0_i32_0 = arith.constant 0 : i32
    return %arg0, %c0_i32 : i32, i32
  }
  func.func @transform_2(%arg0: i32) -> (i32, i32) {
    %c0_i32 = arith.constant 0 : i32
    %c0_i32_0 = arith.constant 0 : i32
    %c0_i32_1 = arith.constant 0 : i32
    return %c0_i32, %c0_i32_0 : i32, i32
  }
  func.func @transform_3(%arg0: i32) -> (i32, i32) {
    %c0_i32 = arith.constant 0 : i32
    %c0_i32_0 = arith.constant 0 : i32
    %c0_i32_1 = arith.constant 0 : i32
    return %c0_i32, %c0_i32_0 : i32, i32
  }
  func.func @transform_4(%arg0: i32) -> (i32, i32) {
    %c0_i32 = arith.constant 0 : i32
    %c0_i32_0 = arith.constant 0 : i32
    %c0_i32_1 = arith.constant 0 : i32
    return %c0_i32, %c0_i32_0 : i32, i32
  }
  func.func @transform_5(%arg0: i32) -> (i32, i32) {
    %c0_i32 = arith.constant 0 : i32
    %c0_i32_0 = arith.constant 0 : i32
    %c0_i32_1 = arith.constant 0 : i32
    return %c0_i32, %c0_i32_0 : i32, i32
  }
  func.func @transform_6(%arg0: i32) -> (i32, i32) {
    %c0_i32 = arith.constant 0 : i32
    %c0_i32_0 = arith.constant 0 : i32
    %c0_i32_1 = arith.constant 0 : i32
    return %c0_i32, %c0_i32_0 : i32, i32
  }
  func.func @transform_7(%arg0: i32) -> (i32, i32) {
    %c0_i32 = arith.constant 0 : i32
    %c0_i32_0 = arith.constant 0 : i32
    %c0_i32_1 = arith.constant 0 : i32
    return %c0_i32, %c0_i32_0 : i32, i32
  }
  func.func @transform_8(%arg0: i32) -> (i32, i32) {
    %c0_i32 = arith.constant 0 : i32
    %c0_i32_0 = arith.constant 0 : i32
    %c0_i32_1 = arith.constant 0 : i32
    return %c0_i32, %c0_i32_0 : i32, i32
  }
  func.func @transform_9(%arg0: i32) -> (i32, i32) {
    %c0_i32 = arith.constant 0 : i32
    %c0_i32_0 = arith.constant 0 : i32
    %c0_i32_1 = arith.constant 0 : i32
    return %c0_i32, %c0_i32_0 : i32, i32
  }
  func.func @transform_10(%arg0: i32) -> (i32, i32) {
    %c0_i32 = arith.constant 0 : i32
    %c0_i32_0 = arith.constant 0 : i32
    %c0_i32_1 = arith.constant 0 : i32
    return %c0_i32, %c0_i32_0 : i32, i32
  }
  func.func @transform_11(%arg0: i32) -> (i32, i32) {
    %c0_i32 = arith.constant 0 : i32
    %c0_i32_0 = arith.constant 0 : i32
    %c0_i32_1 = arith.constant 0 : i32
    return %c0_i32, %c0_i32_0 : i32, i32
  }
  func.func @transform_12(%arg0: i32) -> (i32, i32) {
    %c0_i32 = arith.constant 0 : i32
    %c0_i32_0 = arith.constant 0 : i32
    return %arg0, %c0_i32 : i32, i32
  }
}

</mosaic_0001>

<sc_bundles>
// kernel: kernel.12.cloned.1.call-start
scs
__scs_entry_jumppad:
0x0: {  	(pc) =	sbr.rel $0x88, $3  }
0x1: {  	(tag) =	ssettag $0x0;
	lr =	simm.s32 $0x1  }
0x2: {  	[smem:$0x3F8F] =	sst lr;
	_ =	strace $0xD0000000  }
0x3: {  	_ = 	snop  }
0x4: {  	_ = 	snop  }
0x5: {  	_ = 	snop  }
0x6: {  	_ = 	snop  }
0x7: {  	_ = 	snop  }
__scs_overlays_trampoline_lowered:
0x8: {  	[smem:$0x3F9E] =	sst s0  }
0x9: {  	[smem:$0x3F9F] =	sst s1  }
0xa: {  	[smem:$0x3FA0] =	sst s2  }
0xb: {  	[smem:$0x3FA1] =	sst s3  }
0xc: {  	[smem:$0x3FA2] =	sst s4  }
0xd: {  	[smem:$0x3FA3] =	sst s5  }
0xe: {  	[smem:$0x3FA4] =	sst s6  }
0xf: {  	[smem:$0x3FA5] =	sst s7  }
0x10: {  	[smem:$0x3FA6] =	sst s8  }
0x11: {  	[smem:$0x3FA7] =	sst s9;
	s0 =	simm.s32 @!p0 $0x0  }
0x12: {  	s1 =	sld [smem:$0x3F8D];
	s0 =	simm.s32 @p0 $0x1  }
0x13: {  	[smem:$0x3FA8] =	sst s0;
	s0 =	simm.s32 @!p1 $0x0  }
0x14: {  	s2 =	sld [smem:$0x3F8C];
	s0 =	simm.s32 @p1 $0x1  }
0x15: {  	[smem:$0x3FA9] =	sst s0;
	s0 =	simm.s32 @!p2 $0x0  }
0x16: {  	s3 =	sld [smem:$0x3FDB];
	s0 =	simm.s32 @p2 $0x1  }
0x17: {  	s4 =	simm.s32 $0x1BF5;
	[smem:$0x3FAB] =	sst s0  }
0x18: {  	s0 =	sld [smem:$0x3F8E];
	_ =	swait.ge [sflag:s4], $0x0  }
0x19: {  	s7 =	sld [smem:$0x3F8F]  }
0x1a: {  	s8 =	sadd.s32 $0xFFFFE003, lr  }
0x1b: {  	s9 =	sadd.s32 $0xFFFFFEF7, lr;
	s5 =	simm.s32 $0xFFFFFFFF;
	p2 =	slt.u32 s8, $0xFFFFF086  }
0x1c: {  	p1 =	slt.u32 s9, $0xF7A;
	s5 =	simm.s32 @!p2 $0x0  }
0x1d: {  	s5 =	simm.s32 @p1 $0x1;
	p0 =	seq.s32 s7, s2  }
0x1e: {  	s7 =	smul.u32 @!p0 $0xF7A, s2;
	p2 =	seq.s32 @!p0 s5, $0x0  }
0x1f: {  	s9 =	smul.u32 $0xF7A, s1;
	s8 =	simm.s32 @!p0 $0x1BF5;
	p2 =	por !p2, p0  }
0x20: {  	[sflag:s8] =	ssyncset.s32 @!p0 $0xFFFFF086;
	s6 =	sadd.s32 @!p0 s3, s7;
	s7 =	simm.s32 @!p0 $0x108  }
0x21: {  	s3 =	sadd.s32 s3, s9;
	s6 =	sadd.s32 @!p0 $0x88, s6;
	s7 =	simm.s32 @p2 $0x1082  }
0x22: {  	[simem:s7], [sflag:s8] =	dma.local @!p0 [hbm:s6], $0xF7A  }
0x23: {  	s9 =	sor.u32 $0xD0000000, s2;
	s6 =	simm.s32 $0x108;
	_ =	swait.ge @!p0 [sflag:s8], $0x0  }
0x24: {  	s3 =	sadd.s32 $0x88, s3;
	s6 =	simm.s32 @!p1 $0x1082;
	[sflag:s4] =	ssyncset.s32 $0xFFFFF086  }
0x25: {  	[simem:s6], [sflag:s4] =	dma.local [hbm:s3], $0xF7A  }
0x26: {  	[smem:$0x3F8F] =	sst s1;
	(tag) =	ssettag s2;
	_ =	strace s9  }
0x27: {  	s1 =	sld [smem:$0x3F9F]  }
0x28: {  	s2 =	sld [smem:$0x3FA0]  }
0x29: {  	s4 =	sld [smem:$0x3FA2]  }
0x2a: {  	p0 =	seq.s32 s5, $0x0;
	s5 =	sld [smem:$0x3FA3]  }
0x2b: {  	s6 =	sld [smem:$0x3FA4]  }
0x2c: {  	s7 =	sld [smem:$0x3FA5]  }
0x2d: {  	s3 =	simm.s32 $0x108;
	s8 =	sld [smem:$0x3FA6]  }
0x2e: {  	s3 =	simm.s32 @!p0 $0x1082;
	s9 =	sld [smem:$0x3FA7]  }
0x2f: {  	lr =	sadd.s32 s0, s3;
	s0 =	sld [smem:$0x3F9E]  }
0x30: {  	s3 =	sld [smem:$0x3FA1]  }
0x31: {  	[smem:$0x3FAA] =	sst s10  }
0x32: {  	s10 =	sld [smem:$0x3FA8];
	_ =	sdelay $0x3  }
0x33: {  	p0 =	seq.s32 s10, $0x1;
	s10 =	sld [smem:$0x3FAA];
	_ =	sdelay $0x3  }
0x34: {  	[smem:$0x3FAA] =	sst s10  }
0x35: {  	s10 =	sld [smem:$0x3FA9];
	_ =	sdelay $0x3  }
0x36: {  	p1 =	seq.s32 s10, $0x1;
	s10 =	sld [smem:$0x3FAA];
	_ =	sdelay $0x3  }
0x37: {  	[smem:$0x3FAA] =	sst s10  }
0x38: {  	s10 =	sld [smem:$0x3FAB]  }
0x39: {  	_ = 	snop;
	(pc) =	sbr.ind lr, $3  }
0x3a: {  	_ = 	snop  }
0x3b: {  	_ = 	snop  }
0x3c: {  	p2 =	seq.s32 s10, $0x1;
	s10 =	sld [smem:$0x3FAA]  }
0x3d: {  	_ =	shalt  }
0x3e: {  	_ =	shalt  }
0x3f: {  	_ =	shalt  }
0x40: {  	_ =	shalt  }
0x41: {  	_ =	shalt  }
0x42: {  	_ =	shalt  }
0x43: {  	_ =	shalt  }
0x44: {  	_ =	shalt  }
0x45: {  	_ =	shalt  }
0x46: {  	_ =	shalt  }
0x47: {  	_ =	shalt  }
0x48: {  	_ =	shalt  }
0x49: {  	_ =	shalt  }
0x4a: {  	_ =	shalt  }
0x4b: {  	_ =	shalt  }
0x4c: {  	_ =	shalt  }
0x4d: {  	_ =	shalt  }
0x4e: {  	_ =	shalt  }
0x4f: {  	_ =	shalt  }
0x50: {  	_ =	shalt  }
0x51: {  	_ =	shalt  }
0x52: {  	_ =	shalt  }
0x53: {  	_ =	shalt  }
0x54: {  	_ =	shalt  }
0x55: {  	_ =	shalt  }
0x56: {  	_ =	shalt  }
0x57: {  	_ =	shalt  }
0x58: {  	_ =	shalt  }
0x59: {  	_ =	shalt  }
0x5a: {  	_ =	shalt  }
0x5b: {  	_ =	shalt  }
0x5c: {  	_ =	shalt  }
0x5d: {  	_ =	shalt  }
0x5e: {  	_ =	shalt  }
0x5f: {  	_ =	shalt  }
0x60: {  	_ =	shalt  }
0x61: {  	_ =	shalt  }
0x62: {  	_ =	shalt  }
0x63: {  	_ =	shalt  }
0x64: {  	_ =	shalt  }
0x65: {  	_ =	shalt  }
0x66: {  	_ =	shalt  }
0x67: {  	_ =	shalt  }
0x68: {  	_ =	shalt  }
0x69: {  	_ =	shalt  }
0x6a: {  	_ =	shalt  }
0x6b: {  	_ =	shalt  }
0x6c: {  	_ =	shalt  }
0x6d: {  	_ =	shalt  }
0x6e: {  	_ =	shalt  }
0x6f: {  	_ =	shalt  }
0x70: {  	_ =	shalt  }
0x71: {  	_ =	shalt  }
0x72: {  	_ =	shalt  }
0x73: {  	_ =	shalt  }
0x74: {  	_ =	shalt  }
0x75: {  	_ =	shalt  }
0x76: {  	_ =	shalt  }
0x77: {  	_ =	shalt  }
0x78: {  	_ =	shalt  }
0x79: {  	_ =	shalt  }
0x7a: {  	_ =	shalt  }
0x7b: {  	_ =	shalt  }
0x7c: {  	_ =	shalt  }
0x7d: {  	_ =	shalt  }
0x7e: {  	_ =	shalt  }
0x7f: {  	_ =	shalt  }
0x80: {  	_ =	shalt  }
0x81: {  	_ =	shalt  }
0x82: {  	_ =	shalt  }
0x83: {  	_ =	shalt  }
0x84: {  	_ =	shalt  }
0x85: {  	_ =	shalt  }
0x86: {  	_ =	shalt  }
0x87: {  	_ =	shalt  }
.Lfunc_end0:
.L_simem_size_0:
called_computation.1_lowered:
.L_overlay_start_0:
0x88: {  	s2 =	sld [smem:$0x3FD9]  }
0x89: {  	s3 =	sld [smem:$0x3FFE];
	_ =	sdelay $0x1  }
0x8a: {  	s1 =	srdreg.scid  }
0x8b: {  	s0 =	sand.u32 $0x1, s1  }
0x8c: {  	s17 =	sshll.u32 s0, $0xA;
	s2 =	sadd.s32 s3, s2  }
0x8d: {  	s2 =	sadd.s32 s2, s17  }
0x8e: {  	[smem:$0x3FB6] =	sst s2  }
0x8f: {  	_ = 	snop  }
0x90: {  	s2 =	sld [smem:$0x3FD0];
	(tm) =	ssettm $0x1  }
0x91: {  	s18 =	sld [smem:$0x3FFB];
	_ =	sdelay $0x3  }
0x92: {  	_ =	strace s18  }
0x93: {  	s3 =	sld [smem:$0x3FFC];
	_ =	sdelay $0x3  }
0x94: {  	_ =	strace s3  }
0x95: {  	s3 =	sld [smem:$0x3FFD];
	_ =	sdelay $0x3  }
0x96: {  	_ =	strace s3  }
0x97: {  	_ =	strace $0x8FFFFFFF  }
0x98: {  	s19 =	sld [smem:$0x3FDB];
	_ =	sdelay $0x1  }
0x99: {  	s4 =	simm.s32 $_scs_section_size  }
0x9a: {  	s5 =	simm.s32 $_size__tile_overlayer_lowered;
	s6 =	simm.s32 $_tile_overlayer_lowered  }
0x9b: {  	s22 =	simm.s32 $0x1BFF;
	s21 =	sshll.u32 s6, $0x1;
	s3 =	sadd.s32 s4, s19  }
0x9c: {  	s7 =	simm.s32 $0x0;
	s20 =	sshll.u32 s5, $0x1;
	s5 =	sadd.s32 s21, s3  }
0x9d: {  	[timem:s7], [sflag:s22] =	dma.local [hbm:s5], s20  }
0x9e: {  	_ =	swait.ge [sflag:s22], s20  }
0x9f: {  	s4 =	ssub.s32 $0x0, s20;
	[sflag:s22] =	ssyncset.done $0x0  }
0xa0: {  	[sflag:s22] =	ssyncadd.s32 s4;
	_ =	sdelay $0x1  }
0xa1: {  	s23 =	simm.s32 $0x1B8B  }
0xa2: {  	_ =	swait.ge [sflag:s23], $0x1  }
0xa3: {  	[sflag:s23] =	ssyncset.done $0x0  }
0xa4: {  	s25 =	simm.s32 $0x1B8E;
	s24 =	sld [smem:$0x3FFE];
	[sflag:s23] =	ssyncadd.s32 $0xFFFFFFFF  }
0xa5: {  	s26 =	simm.s32 $execute0_lowered;
	[smem:$0x3FD2] =	sst s25  }
0xa6: {  	s5 =	sshll.u32 s26, $0x1;
	_ =	strace $0x80000049;
	[dreg:$0x1] =	wrdreg $0xFFFFFFFF  }
0xa7: {  	s28 =	simm.s32 $_size_execute0_lowered;
	s3 =	sadd.s32 s3, s5;
	[dreg:$0x0] =	wrdreg $0x0  }
0xa8: {  	s5 =	sshll.u32 s28, $0x1;
	[dreg:$0x2] =	wrdreg s3  }
0xa9: {  	[dreg:$0x3] =	wrdreg s5  }
0xaa: {  	[dreg:$0x4] =	wrdreg $0xC0  }
0xab: {  	_ =	task [dreg:s7], $0x5FFFF  }
0xac: {  	[dreg:$0x1] =	wrdreg $0xFFFFFFFF  }
0xad: {  	[dreg:$0x0] =	wrdreg $0x60  }
0xae: {  	[dreg:$0x2] =	wrdreg s24  }
0xaf: {  	[dreg:$0x3] =	wrdreg s2  }
0xb0: {  	[dreg:$0x4] =	wrdreg $0xDE800  }
0xb1: {  	[dreg:$0x5] =	wrdreg $0x9  }
0xb2: {  	_ =	task.clear_ibuf [dreg:s7], $0x6FFFF;
	_ =	strace $0x90000049  }
0xb3: {  	s29 =	simm.s32 $0x9;
	_ =	strace $0x8000004B  }
0xb4: {  	_ =	swait.ge [sflag:s29], $0x1  }
0xb5: {  	[sflag:s29] =	ssyncadd.s32 $0xFFFFFFFF  }
0xb6: {  	_ =	strace $0x9000004B  }
0xb7: {  	_ =	sfence  }
0xb8: {  	s30 =	sld [smem:$0x0];
	_ =	sdelay $0x2  }
0xb9: {  	s31 =	sshll.u32 s1, $0xD;
	s1 =	sshrl.u32 s1, $0x2  }
0xba: {  	s3 =	sand.u32 $0x4000, s31;
	s1 =	sadd.s32 s1, s30  }
0xbb: {  	s0 =	sor.u32 s3, s0;
	s1 =	sshll.u32 s1, $0x11  }
0xbc: {  	s0 =	sor.u32 s1, s0  }
0xbd: {  	s0 =	sadd.s32 $0x8F2B, s0  }
0xbe: {  	[sflag:s0] =	ssyncadd.remote.s32 $0x1  }
0xbf: {  	_ =	sfence.sel $0xFFFF  }
0xc0: {  	[dreg:$0x0] =	wrdreg $0xFFFFFFFF;
	(pc) =	sbr.abs _section_cstart, $3  }
0xc1: {  	[dreg:$0x1] =	wrdreg $0xFFFFFFFF  }
0xc2: {  	_ =	task.clear_ibuf [dreg:s7], $0x2FFFF;
	_ =	strace $0x9FFFFFFF  }
0xc3: {  	(tm) =	ssettm $0x7FFFFFFF  }
tec
execute0_lowered:
.L_overlay_start_1:
0x0: {  	(tag) =	ssettag $0x1  }
0x1: {  	s5 =	rddreg [dreg:$0x0]  }
0x2: {  	s2 =	rddreg [dreg:$0x1]  }
0x3: {  	s0 =	srdreg.scid;
	s3 =	rddreg [dreg:$0x2]  }
0x4: {  	s1 =	rddreg [dreg:$0x3];
	s4 =	simm.s32 $0x0;
	s16 =	simm.s32 $0x7D  }
0x5: {  	s17 =	simm.s32 $0xA000;
	s18 =	simm.s32 $0xBF40;
	s6 =	sand.u32 $0x1, s0  }
0x6: {  	s19 =	simm.s32 $0x1;
	s0 =	stileid.u32;
	s7 =	smul.u32 $0x138800, s6  }
0x7: {  	s20 =	simm.s32 $0x2;
	s21 =	simm.s32 $0x4F80;
	s8 =	smul.u32 $0x5000, s0  }
0x8: {  	s22 =	simm.s32 $0x9F00;
	s23 =	simm.s32 $0x9F80;
	s9 =	smul.u32 $0xA000, s0  }
0x9: {  	s24 =	simm.s32 $0x0;
	[smem:$0x7FF] =	sst s4;
	s10 =	smul.u32 $0x140000, s6  }
0xa: {  	_ =	strace $0x8000004A;
	s6 =	ssub.s32 $0x2, s6;
	s14 =	sshll.u32 s0, $0x6  }
0xb: {  	s31 =	sshrl.u32 s6, $0x1;
	s14 =	sor.u32 $0x1C03, s14;
	s7 =	sshrl.u32 s7, $0x3  }
0xc: {  	s29 =	sshrl.u32 s8, $0x3;
	s30 =	sadd.s32 s9, s10;
	s13 =	ssub.s32 s6, s31  }
0xd: {  	s15 =	sadd.s32 s9, s3;
	s11 =	sadd.s32 s7, s5;
	s8 =	sshrl.u32 s30, $0x3  }
0xe: {  	s7 =	sadd.s32 s29, s5;
	s15 =	sshrl.u32 s15, $0x3;
	s12 =	sadd.s32 s8, s5  }
0xf: {  	s5 =	sadd.s32 $0x3E00, s7;
	s6 =	sadd.s32 $0xDE00, s7;
	s7 =	sadd.s32 $0x66000, s11  }
0x10: {  	s9 =	sadd.s32 $0x79880, s11;
	s11 =	smax.u32 s13, $0x1;
	s13 =	simm.s32 $0x5000  }
0x11: {  	s8 =	sadd.s32 $0xB4200, s12;
	s10 =	sadd.s32 $0xC8200, s12;
	s12 =	simm.s32 $0x3  }
.LBB2_1:
0x12: {  	[tilespmem:s4], [sflag:$0x3] =	stream.linear.gather [hbm4b:s5+s4], $0x5000, $0x38;
	[tilespmem:$0x17E80] =	vst v63  }
0x13: {  	_ =	swait.ge [sflag:s12], $0x5000  }
0x14: {  	[sflag:s12] =	ssyncset.done $0x0  }
0x15: {  	[sflag:s12] =	ssyncadd.s32 $0xFFFFB000  }
0x16: {  	[tilespmem:s13], [sflag:$0x3] =	stream.linear.gather [hbm4b:s6+s4], $0x5000, $0x38;
	[tilespmem:$0x17E80] =	vst v63  }
0x17: {  	_ =	swait.ge [sflag:s12], $0x5000  }
0x18: {  	[sflag:s12] =	ssyncset.done $0x0  }
0x19: {  	[sflag:s12] =	ssyncadd.s32 $0xFFFFB000  }
0x1a: {  	[spmem:s15], [sflag:s14] =	dma.local [hbm:s2], $0x1400  }
0x1b: {  	_ =	swait.ge [sflag:s12], $0x1400  }
0x1c: {  	[sflag:s12] =	ssyncset.done $0x0  }
0x1d: {  	[sflag:s12] =	ssyncadd.s32 $0xFFFFEC00  }
0x1e: {  	[bflag:$0x0] =	sbarrier.arrive $0xFFFF  }
0x1f: {  	[tilespmem:s17], [sflag:$0x1] =	stream.indirect.gather [hbm4b:s7+s16], $0x40, s4, s16, $0xb8;
	[tilespmem:$0x17E80] =	vst v63  }
0x20: {  	s25 =	simm.s32 $0x80  }
0x21: {  	[tilespmem:s18], [sflag:$0x2] =	stream.indirect.gather [hbm4b:s7+s16], $0x40, s25, s16, $0xb8;
	[tilespmem:$0x17E80] =	vst v63  }
0x22: {  	_ =	swait.ge [sflag:s19], $0x1F40  }
0x23: {  	[sflag:s19] =	ssyncset.done $0x0  }
0x24: {  	s29 =	simm.s32 $0x5000;
	[sflag:s19] =	ssyncadd.s32 $0xFFFFE0C0  }
0x25: {  	[spmem:s3] =	stream.indirect.scatter.add.f32 [tilespmem:s17], [sflag:$0x3], $0x40, s29, s16, $0xb8;
	[tilespmem:$0x17E80] =	vst v63  }
0x26: {  	_ =	swait.ge [sflag:s12], $0x1F40  }
0x27: {  	[sflag:s12] =	ssyncset.done $0x0  }
0x28: {  	s30 =	simm.s32 $0x100;
	[sflag:s12] =	ssyncadd.s32 $0xFFFFE0C0  }
0x29: {  	[tilespmem:s17], [sflag:$0x1] =	stream.indirect.gather [hbm4b:s7+s16], $0x40, s30, s16, $0xb8;
	[tilespmem:$0x17E80] =	vst v63  }
0x2a: {  	_ =	swait.ge [sflag:s20], $0x1F40  }
0x2b: {  	[sflag:s20] =	ssyncset.done $0x0  }
0x2c: {  	s31 =	simm.s32 $0x5080;
	[sflag:s20] =	ssyncadd.s32 $0xFFFFE0C0  }
0x2d: {  	[spmem:s3] =	stream.indirect.scatter.add.f32 [tilespmem:s18], [sflag:$0x3], $0x40, s31, s16, $0xb8;
	[tilespmem:$0x17E80] =	vst v63  }
0x2e: {  	_ =	swait.ge [sflag:s12], $0x1F40  }
0x2f: {  	s26 =	simm.s32 $0x800;
	s25 =	simm.s32 $0x100;
	[sflag:s12] =	ssyncset.done $0x0  }
.LBB2_2:
0x30: {  	s28 =	sadd.s32 $0x80, s25  }
0x31: {  	[sflag:s12] =	ssyncadd.s32 $0xFFFFE0C0;
	s29 =	smov.u32 s26;
	s30 =	sadd.s32 $0x400, s26  }
0x32: {  	[tilespmem:s18], [sflag:$0x2] =	stream.indirect.gather [hbm4b:s7+s16], $0x40, s28, s16, $0xb8;
	[tilespmem:$0x17E80] =	vst v63  }
0x33: {  	p0 =	sne.s32 s26, $0x13800;
	_ =	swait.ge [sflag:s19], $0x1F40  }
0x34: {  	[sflag:s19] =	ssyncset.done $0x0  }
0x35: {  	s26 =	sadd.s32 $0x5000, s25;
	[sflag:s19] =	ssyncadd.s32 $0xFFFFE0C0  }
0x36: {  	[spmem:s3] =	stream.indirect.scatter.add.f32 [tilespmem:s17], [sflag:$0x3], $0x40, s26, s16, $0xb8;
	[tilespmem:$0x17E80] =	vst v63  }
0x37: {  	_ =	swait.ge [sflag:s12], $0x1F40  }
0x38: {  	[sflag:s12] =	ssyncset.done $0x0  }
0x39: {  	s26 =	sadd.s32 $0x100, s25;
	[sflag:s12] =	ssyncadd.s32 $0xFFFFE0C0  }
0x3a: {  	[tilespmem:s17], [sflag:$0x1] =	stream.indirect.gather [hbm4b:s7+s16], $0x40, s26, s16, $0xb8;
	[tilespmem:$0x17E80] =	vst v63  }
0x3b: {  	_ =	swait.ge [sflag:s20], $0x1F40  }
.Ltmp0:
0x3c: {  	[sflag:s20] =	ssyncset.done $0x0;
	(pc) =	sbr.rel @p0 .LBB2_2-.Ltmp0, $4  }
0x3d: {  	s25 =	sadd.s32 $0x5080, s25;
	[sflag:s20] =	ssyncadd.s32 $0xFFFFE0C0  }
0x3e: {  	[spmem:s3] =	stream.indirect.scatter.add.f32 [tilespmem:s18], [sflag:$0x3], $0x40, s25, s16, $0xb8;
	[tilespmem:$0x17E80] =	vst v63  }
0x3f: {  	_ =	swait.ge [sflag:s12], $0x1F40  }
0x40: {  	s26 =	smov.u32 s30;
	s25 =	sshra.s32 s29, $0x2;
	[sflag:s12] =	ssyncset.done $0x0  }
0x41: {  	s26 =	sadd.s32 $0x80, s25;
	[sflag:s12] =	ssyncadd.s32 $0xFFFFE0C0  }
0x42: {  	[tilespmem:s18], [sflag:$0x2] =	stream.indirect.gather [hbm4b:s7+s16], $0x40, s26, s16, $0xb8;
	[tilespmem:$0x17E80] =	vst v63  }
0x43: {  	_ =	swait.ge [sflag:s19], $0x1F40  }
0x44: {  	[sflag:s19] =	ssyncset.done $0x0  }
0x45: {  	s29 =	sadd.s32 $0x5000, s25;
	[sflag:s19] =	ssyncadd.s32 $0xFFFFE0C0  }
0x46: {  	[spmem:s3] =	stream.indirect.scatter.add.f32 [tilespmem:s17], [sflag:$0x3], $0x40, s29, s16, $0xb8;
	[tilespmem:$0x17E80] =	vst v63  }
0x47: {  	_ =	swait.ge [sflag:s12], $0x1F40  }
0x48: {  	[sflag:s12] =	ssyncset.done $0x0  }
0x49: {  	s30 =	sadd.s32 $0x100, s25;
	[sflag:s12] =	ssyncadd.s32 $0xFFFFE0C0  }
0x4a: {  	[tilespmem:s17], [sflag:$0x1] =	stream.indirect.gather [hbm4b:s7+s16], $0x40, s30, s16, $0xb8;
	[tilespmem:$0x17E80] =	vst v63  }
0x4b: {  	_ =	swait.ge [sflag:s20], $0x1F40  }
0x4c: {  	[sflag:s20] =	ssyncset.done $0x0  }
0x4d: {  	s31 =	sadd.s32 $0x5080, s25;
	[sflag:s20] =	ssyncadd.s32 $0xFFFFE0C0  }
0x4e: {  	[spmem:s3] =	stream.indirect.scatter.add.f32 [tilespmem:s18], [sflag:$0x3], $0x40, s31, s16, $0xb8;
	[tilespmem:$0x17E80] =	vst v63  }
0x4f: {  	_ =	swait.ge [sflag:s12], $0x1F40  }
0x50: {  	[sflag:s12] =	ssyncset.done $0x0  }
0x51: {  	[sflag:s12] =	ssyncadd.s32 $0xFFFFE0C0  }
0x52: {  	[tilespmem:s18], [sflag:$0x2] =	stream.indirect.gather [hbm4b:s7+s16], $0x40, s21, s16, $0xb8;
	[tilespmem:$0x17E80] =	vst v63  }
0x53: {  	_ =	swait.ge [sflag:s19], $0x1F40  }
0x54: {  	[sflag:s19] =	ssyncset.done $0x0  }
0x55: {  	[sflag:s19] =	ssyncadd.s32 $0xFFFFE0C0  }
0x56: {  	[spmem:s3] =	stream.indirect.scatter.add.f32 [tilespmem:s17], [sflag:$0x3], $0x40, s22, s16, $0xb8;
	[tilespmem:$0x17E80] =	vst v63  }
0x57: {  	_ =	swait.ge [sflag:s12], $0x1F40  }
0x58: {  	[sflag:s12] =	ssyncset.done $0x0  }
0x59: {  	[sflag:s12] =	ssyncadd.s32 $0xFFFFE0C0  }
0x5a: {  	_ =	swait.ge [sflag:s20], $0x1F40  }
0x5b: {  	[sflag:s20] =	ssyncset.done $0x0  }
0x5c: {  	[sflag:s20] =	ssyncadd.s32 $0xFFFFE0C0  }
0x5d: {  	[spmem:s3] =	stream.indirect.scatter.add.f32 [tilespmem:s18], [sflag:$0x3], $0x40, s23, s16, $0xb8;
	[tilespmem:$0x17E80] =	vst v63  }
0x5e: {  	_ =	swait.ge [sflag:s12], $0x1F40  }
0x5f: {  	[sflag:s12] =	ssyncset.done $0x0  }
0x60: {  	[sflag:s12] =	ssyncadd.s32 $0xFFFFE0C0  }
0x61: {  	[bflag:$0x0] =	sbarrier.arrive $0xFFFF  }
0x62: {  	[hbm:s8], [sflag:s14] =	dma.local [spmem:s15], $0x1400  }
0x63: {  	_ =	swait.ge [sflag:s12], $0x1400  }
0x64: {  	[sflag:s12] =	ssyncset.done $0x0  }
0x65: {  	[sflag:s12] =	ssyncadd.s32 $0xFFFFEC00  }
0x66: {  	[bflag:$0x0] =	sbarrier.arrive $0xFFFF  }
0x67: {  	[spmem:s15], [sflag:s14] =	dma.local [hbm:s2], $0x1400  }
0x68: {  	_ =	swait.ge [sflag:s12], $0x1400  }
0x69: {  	[sflag:s12] =	ssyncset.done $0x0  }
0x6a: {  	[sflag:s12] =	ssyncadd.s32 $0xFFFFEC00  }
0x6b: {  	s26 =	simm.s32 $0x0;
	[bflag:$0x0] =	sbarrier.arrive $0xFFFF  }
0x6c: {  	[tilespmem:s17], [sflag:$0x1] =	stream.indirect.gather [hbm4b:s9+s16], $0x40, s26, s16, $0xb8;
	[tilespmem:$0x17E80] =	vst v63  }
0x6d: {  	s28 =	simm.s32 $0x80  }
0x6e: {  	[tilespmem:s18], [sflag:$0x2] =	stream.indirect.gather [hbm4b:s9+s16], $0x40, s28, s16, $0xb8;
	[tilespmem:$0x17E80] =	vst v63  }
0x6f: {  	_ =	swait.ge [sflag:s19], $0x1F40  }
0x70: {  	[sflag:s19] =	ssyncset.done $0x0  }
0x71: {  	s29 =	simm.s32 $0x5000;
	[sflag:s19] =	ssyncadd.s32 $0xFFFFE0C0  }
0x72: {  	[spmem:s3] =	stream.indirect.scatter.add.f32 [tilespmem:s17], [sflag:$0x3], $0x40, s29, s16, $0xb8;
	[tilespmem:$0x17E80] =	vst v63  }
0x73: {  	_ =	swait.ge [sflag:s12], $0x1F40  }
0x74: {  	[sflag:s12] =	ssyncset.done $0x0  }
0x75: {  	s30 =	simm.s32 $0x100;
	[sflag:s12] =	ssyncadd.s32 $0xFFFFE0C0  }
0x76: {  	[tilespmem:s17], [sflag:$0x1] =	stream.indirect.gather [hbm4b:s9+s16], $0x40, s30, s16, $0xb8;
	[tilespmem:$0x17E80] =	vst v63  }
0x77: {  	_ =	swait.ge [sflag:s20], $0x1F40  }
0x78: {  	[sflag:s20] =	ssyncset.done $0x0  }
0x79: {  	s31 =	simm.s32 $0x5080;
	[sflag:s20] =	ssyncadd.s32 $0xFFFFE0C0  }
0x7a: {  	[spmem:s3] =	stream.indirect.scatter.add.f32 [tilespmem:s18], [sflag:$0x3], $0x40, s31, s16, $0xb8;
	[tilespmem:$0x17E80] =	vst v63  }
0x7b: {  	_ =	swait.ge [sflag:s12], $0x1F40  }
0x7c: {  	s25 =	simm.s32 $0x100;
	s26 =	simm.s32 $0x800;
	[sflag:s12] =	ssyncset.done $0x0  }
.LBB2_4:
0x7d: {  	s28 =	sadd.s32 $0x80, s25  }
0x7e: {  	[sflag:s12] =	ssyncadd.s32 $0xFFFFE0C0;
	s29 =	smov.u32 s26;
	s30 =	sadd.s32 $0x400, s26  }
0x7f: {  	[tilespmem:s18], [sflag:$0x2] =	stream.indirect.gather [hbm4b:s9+s16], $0x40, s28, s16, $0xb8;
	[tilespmem:$0x17E80] =	vst v63  }
0x80: {  	p0 =	sne.s32 s26, $0x13800;
	_ =	swait.ge [sflag:s19], $0x1F40  }
0x81: {  	[sflag:s19] =	ssyncset.done $0x0  }
0x82: {  	s26 =	sadd.s32 $0x5000, s25;
	[sflag:s19] =	ssyncadd.s32 $0xFFFFE0C0  }
0x83: {  	[spmem:s3] =	stream.indirect.scatter.add.f32 [tilespmem:s17], [sflag:$0x3], $0x40, s26, s16, $0xb8;
	[tilespmem:$0x17E80] =	vst v63  }
0x84: {  	_ =	swait.ge [sflag:s12], $0x1F40  }
0x85: {  	[sflag:s12] =	ssyncset.done $0x0  }
0x86: {  	s26 =	sadd.s32 $0x100, s25;
	[sflag:s12] =	ssyncadd.s32 $0xFFFFE0C0  }
0x87: {  	[tilespmem:s17], [sflag:$0x1] =	stream.indirect.gather [hbm4b:s9+s16], $0x40, s26, s16, $0xb8;
	[tilespmem:$0x17E80] =	vst v63  }
0x88: {  	_ =	swait.ge [sflag:s20], $0x1F40  }
.Ltmp1:
0x89: {  	[sflag:s20] =	ssyncset.done $0x0;
	(pc) =	sbr.rel @p0 .LBB2_4-.Ltmp1, $4  }
0x8a: {  	s25 =	sadd.s32 $0x5080, s25;
	[sflag:s20] =	ssyncadd.s32 $0xFFFFE0C0  }
0x8b: {  	[spmem:s3] =	stream.indirect.scatter.add.f32 [tilespmem:s18], [sflag:$0x3], $0x40, s25, s16, $0xb8;
	[tilespmem:$0x17E80] =	vst v63  }
0x8c: {  	_ =	swait.ge [sflag:s12], $0x1F40  }
0x8d: {  	s26 =	smov.u32 s30;
	s25 =	sshra.s32 s29, $0x2;
	[sflag:s12] =	ssyncset.done $0x0  }
0x8e: {  	s26 =	sadd.s32 $0x80, s25;
	[sflag:s12] =	ssyncadd.s32 $0xFFFFE0C0  }
0x8f: {  	[tilespmem:s18], [sflag:$0x2] =	stream.indirect.gather [hbm4b:s9+s16], $0x40, s26, s16, $0xb8;
	[tilespmem:$0x17E80] =	vst v63  }
0x90: {  	_ =	swait.ge [sflag:s19], $0x1F40  }
0x91: {  	[sflag:s19] =	ssyncset.done $0x0  }
0x92: {  	s29 =	sadd.s32 $0x5000, s25;
	[sflag:s19] =	ssyncadd.s32 $0xFFFFE0C0  }
0x93: {  	[spmem:s3] =	stream.indirect.scatter.add.f32 [tilespmem:s17], [sflag:$0x3], $0x40, s29, s16, $0xb8;
	[tilespmem:$0x17E80] =	vst v63  }
0x94: {  	_ =	swait.ge [sflag:s12], $0x1F40  }
0x95: {  	[sflag:s12] =	ssyncset.done $0x0  }
0x96: {  	s30 =	sadd.s32 $0x100, s25;
	[sflag:s12] =	ssyncadd.s32 $0xFFFFE0C0  }
0x97: {  	[tilespmem:s17], [sflag:$0x1] =	stream.indirect.gather [hbm4b:s9+s16], $0x40, s30, s16, $0xb8;
	[tilespmem:$0x17E80] =	vst v63  }
0x98: {  	_ =	swait.ge [sflag:s20], $0x1F40  }
0x99: {  	[sflag:s20] =	ssyncset.done $0x0  }
0x9a: {  	s31 =	sadd.s32 $0x5080, s25;
	[sflag:s20] =	ssyncadd.s32 $0xFFFFE0C0  }
0x9b: {  	[spmem:s3] =	stream.indirect.scatter.add.f32 [tilespmem:s18], [sflag:$0x3], $0x40, s31, s16, $0xb8;
	[tilespmem:$0x17E80] =	vst v63  }
0x9c: {  	_ =	swait.ge [sflag:s12], $0x1F40  }
0x9d: {  	[sflag:s12] =	ssyncset.done $0x0  }
0x9e: {  	[sflag:s12] =	ssyncadd.s32 $0xFFFFE0C0  }
0x9f: {  	[tilespmem:s18], [sflag:$0x2] =	stream.indirect.gather [hbm4b:s9+s16], $0x40, s21, s16, $0xb8;
	[tilespmem:$0x17E80] =	vst v63  }
0xa0: {  	_ =	swait.ge [sflag:s19], $0x1F40  }
0xa1: {  	[sflag:s19] =	ssyncset.done $0x0  }
0xa2: {  	[sflag:s19] =	ssyncadd.s32 $0xFFFFE0C0  }
0xa3: {  	[spmem:s3] =	stream.indirect.scatter.add.f32 [tilespmem:s17], [sflag:$0x3], $0x40, s22, s16, $0xb8;
	[tilespmem:$0x17E80] =	vst v63  }
0xa4: {  	_ =	swait.ge [sflag:s12], $0x1F40  }
0xa5: {  	[sflag:s12] =	ssyncset.done $0x0  }
0xa6: {  	[sflag:s12] =	ssyncadd.s32 $0xFFFFE0C0  }
0xa7: {  	_ =	swait.ge [sflag:s20], $0x1F40  }
0xa8: {  	[sflag:s20] =	ssyncset.done $0x0  }
0xa9: {  	[sflag:s20] =	ssyncadd.s32 $0xFFFFE0C0  }
0xaa: {  	[spmem:s3] =	stream.indirect.scatter.add.f32 [tilespmem:s18], [sflag:$0x3], $0x40, s23, s16, $0xb8;
	[tilespmem:$0x17E80] =	vst v63  }
0xab: {  	_ =	swait.ge [sflag:s12], $0x1F40  }
0xac: {  	[sflag:s12] =	ssyncset.done $0x0  }
0xad: {  	s24 =	sadd.s32 $0x1, s24;
	[sflag:s12] =	ssyncadd.s32 $0xFFFFE0C0  }
0xae: {  	p0 =	sne.s32 s24, s11;
	[bflag:$0x0] =	sbarrier.arrive $0xFFFF  }
0xaf: {  	[hbm:s10], [sflag:s14] =	dma.local [spmem:s15], $0x1400  }
.Ltmp2:
0xb0: {  	_ =	swait.ge [sflag:s12], $0x1400;
	(pc) =	sbr.rel @p0 .LBB2_1-.Ltmp2, $3  }
0xb1: {  	[sflag:s12] =	ssyncset.done $0x0  }
0xb2: {  	[sflag:s12] =	ssyncadd.s32 $0xFFFFEC00  }
0xb3: {  	[bflag:$0x0] =	sbarrier.arrive $0xFFFF;
	_ =	sdelay $0x1  }
0xb4: {  	_ =	sfence.sel $0x180000  }
0xb5: {  	[bflag:$0x0] =	sbarrier.arrive $0xFFFF  }
0xb6: {  	p0 =	sne.s32 s0, $0x0;
	_ =	strace $0x9000004A  }
0xb7: {  	s0 =	sadd.s32 @!p0 $0x100000, s1;
	[bflag:$0x2] =	sbarrier.arrive $0xFFFF  }
0xb8: {  	[sflag:s0] =	ssyncadd.tile.s32 @!p0 $0x1;
	_ =	shalt  }
.Lfunc_end2:
_tile_overlayer_lowered:
.L_overlay_start_2:
0xb9: {  	(tag) =	ssettag $0x2  }
0xba: {  	s0 =	rddreg [dreg:$0x0];
	s2 =	stileid.u32  }
0xbb: {  	s1 =	rddreg [dreg:$0x1];
	p0 =	sne.s32 s2, $0x0  }
0xbc: {  	s3 =	rddreg [dreg:$0x2];
	[bflag:$0x3] =	sbarrier.arrive $0xFFFF;
	s2 =	simm.s32 @!p0 $0x1C03  }
0xbd: {  	[timem:s3], [sflag:s2] =	dma.local @!p0 [hbm:s0], s1  }
0xbe: {  	s0 =	simm.s32 @!p0 $0x3  }
0xbf: {  	_ =	swait.ge @!p0 [sflag:s0], s1  }
0xc0: {  	s1 =	ssub.s32 @!p0 $0x0, s1;
	[sflag:s0] =	ssyncset.done @!p0 $0x0  }
0xc1: {  	[sflag:s0] =	ssyncadd.s32 @!p0 s1  }
0xc2: {  	[bflag:$0x3] =	sbarrier.arrive $0xFFFF  }
0xc3: {  	_ =	shalt  }

// kernel: kernel.15.cloned.1.call-start
scs
__scs_entry_jumppad:
0x0: {  	(pc) =	sbr.rel $0x88, $3  }
0x1: {  	(tag) =	ssettag $0x0;
	lr =	simm.s32 $0x1  }
0x2: {  	[smem:$0x3F8F] =	sst lr;
	_ =	strace $0xD0000000  }
0x3: {  	_ = 	snop  }
0x4: {  	_ = 	snop  }
0x5: {  	_ = 	snop  }
0x6: {  	_ = 	snop  }
0x7: {  	_ = 	snop  }
__scs_overlays_trampoline_lowered:
0x8: {  	[smem:$0x3F9E] =	sst s0  }
0x9: {  	[smem:$0x3F9F] =	sst s1  }
0xa: {  	[smem:$0x3FA0] =	sst s2  }
0xb: {  	[smem:$0x3FA1] =	sst s3  }
0xc: {  	[smem:$0x3FA2] =	sst s4  }
0xd: {  	[smem:$0x3FA3] =	sst s5  }
0xe: {  	[smem:$0x3FA4] =	sst s6  }
0xf: {  	[smem:$0x3FA5] =	sst s7  }
0x10: {  	[smem:$0x3FA6] =	sst s8  }
0x11: {  	[smem:$0x3FA7] =	sst s9;
	s0 =	simm.s32 @!p0 $0x0  }
0x12: {  	s1 =	sld [smem:$0x3F8D];
	s0 =	simm.s32 @p0 $0x1  }
0x13: {  	[smem:$0x3FA8] =	sst s0;
	s0 =	simm.s32 @!p1 $0x0  }
0x14: {  	s2 =	sld [smem:$0x3F8C];
	s0 =	simm.s32 @p1 $0x1  }
0x15: {  	[smem:$0x3FA9] =	sst s0;
	s0 =	simm.s32 @!p2 $0x0  }
0x16: {  	s3 =	sld [smem:$0x3FDB];
	s0 =	simm.s32 @p2 $0x1  }
0x17: {  	s4 =	simm.s32 $0x1BF5;
	[smem:$0x3FAB] =	sst s0  }
0x18: {  	s0 =	sld [smem:$0x3F8E];
	_ =	swait.ge [sflag:s4], $0x0  }
0x19: {  	s7 =	sld [smem:$0x3F8F]  }
0x1a: {  	s8 =	sadd.s32 $0xFFFFE003, lr  }
0x1b: {  	s9 =	sadd.s32 $0xFFFFFEF7, lr;
	s5 =	simm.s32 $0xFFFFFFFF;
	p2 =	slt.u32 s8, $0xFFFFF086  }
0x1c: {  	p1 =	slt.u32 s9, $0xF7A;
	s5 =	simm.s32 @!p2 $0x0  }
0x1d: {  	s5 =	simm.s32 @p1 $0x1;
	p0 =	seq.s32 s7, s2  }
0x1e: {  	s7 =	smul.u32 @!p0 $0xF7A, s2;
	p2 =	seq.s32 @!p0 s5, $0x0  }
0x1f: {  	s9 =	smul.u32 $0xF7A, s1;
	s8 =	simm.s32 @!p0 $0x1BF5;
	p2 =	por !p2, p0  }
0x20: {  	[sflag:s8] =	ssyncset.s32 @!p0 $0xFFFFF086;
	s6 =	sadd.s32 @!p0 s3, s7;
	s7 =	simm.s32 @!p0 $0x108  }
0x21: {  	s3 =	sadd.s32 s3, s9;
	s6 =	sadd.s32 @!p0 $0x88, s6;
	s7 =	simm.s32 @p2 $0x1082  }
0x22: {  	[simem:s7], [sflag:s8] =	dma.local @!p0 [hbm:s6], $0xF7A  }
0x23: {  	s9 =	sor.u32 $0xD0000000, s2;
	s6 =	simm.s32 $0x108;
	_ =	swait.ge @!p0 [sflag:s8], $0x0  }
0x24: {  	s3 =	sadd.s32 $0x88, s3;
	s6 =	simm.s32 @!p1 $0x1082;
	[sflag:s4] =	ssyncset.s32 $0xFFFFF086  }
0x25: {  	[simem:s6], [sflag:s4] =	dma.local [hbm:s3], $0xF7A  }
0x26: {  	[smem:$0x3F8F] =	sst s1;
	(tag) =	ssettag s2;
	_ =	strace s9  }
0x27: {  	s1 =	sld [smem:$0x3F9F]  }
0x28: {  	s2 =	sld [smem:$0x3FA0]  }
0x29: {  	s4 =	sld [smem:$0x3FA2]  }
0x2a: {  	p0 =	seq.s32 s5, $0x0;
	s5 =	sld [smem:$0x3FA3]  }
0x2b: {  	s6 =	sld [smem:$0x3FA4]  }
0x2c: {  	s7 =	sld [smem:$0x3FA5]  }
0x2d: {  	s3 =	simm.s32 $0x108;
	s8 =	sld [smem:$0x3FA6]  }
0x2e: {  	s3 =	simm.s32 @!p0 $0x1082;
	s9 =	sld [smem:$0x3FA7]  }
0x2f: {  	lr =	sadd.s32 s0, s3;
	s0 =	sld [smem:$0x3F9E]  }
0x30: {  	s3 =	sld [smem:$0x3FA1]  }
0x31: {  	[smem:$0x3FAA] =	sst s10  }
0x32: {  	s10 =	sld [smem:$0x3FA8];
	_ =	sdelay $0x3  }
0x33: {  	p0 =	seq.s32 s10, $0x1;
	s10 =	sld [smem:$0x3FAA];
	_ =	sdelay $0x3  }
0x34: {  	[smem:$0x3FAA] =	sst s10  }
0x35: {  	s10 =	sld [smem:$0x3FA9];
	_ =	sdelay $0x3  }
0x36: {  	p1 =	seq.s32 s10, $0x1;
	s10 =	sld [smem:$0x3FAA];
	_ =	sdelay $0x3  }
0x37: {  	[smem:$0x3FAA] =	sst s10  }
0x38: {  	s10 =	sld [smem:$0x3FAB]  }
0x39: {  	_ = 	snop;
	(pc) =	sbr.ind lr, $3  }
0x3a: {  	_ = 	snop  }
0x3b: {  	_ = 	snop  }
0x3c: {  	p2 =	seq.s32 s10, $0x1;
	s10 =	sld [smem:$0x3FAA]  }
0x3d: {  	_ =	shalt  }
0x3e: {  	_ =	shalt  }
0x3f: {  	_ =	shalt  }
0x40: {  	_ =	shalt  }
0x41: {  	_ =	shalt  }
0x42: {  	_ =	shalt  }
0x43: {  	_ =	shalt  }
0x44: {  	_ =	shalt  }
0x45: {  	_ =	shalt  }
0x46: {  	_ =	shalt  }
0x47: {  	_ =	shalt  }
0x48: {  	_ =	shalt  }
0x49: {  	_ =	shalt  }
0x4a: {  	_ =	shalt  }
0x4b: {  	_ =	shalt  }
0x4c: {  	_ =	shalt  }
0x4d: {  	_ =	shalt  }
0x4e: {  	_ =	shalt  }
0x4f: {  	_ =	shalt  }
0x50: {  	_ =	shalt  }
0x51: {  	_ =	shalt  }
0x52: {  	_ =	shalt  }
0x53: {  	_ =	shalt  }
0x54: {  	_ =	shalt  }
0x55: {  	_ =	shalt  }
0x56: {  	_ =	shalt  }
0x57: {  	_ =	shalt  }
0x58: {  	_ =	shalt  }
0x59: {  	_ =	shalt  }
0x5a: {  	_ =	shalt  }
0x5b: {  	_ =	shalt  }
0x5c: {  	_ =	shalt  }
0x5d: {  	_ =	shalt  }
0x5e: {  	_ =	shalt  }
0x5f: {  	_ =	shalt  }
0x60: {  	_ =	shalt  }
0x61: {  	_ =	shalt  }
0x62: {  	_ =	shalt  }
0x63: {  	_ =	shalt  }
0x64: {  	_ =	shalt  }
0x65: {  	_ =	shalt  }
0x66: {  	_ =	shalt  }
0x67: {  	_ =	shalt  }
0x68: {  	_ =	shalt  }
0x69: {  	_ =	shalt  }
0x6a: {  	_ =	shalt  }
0x6b: {  	_ =	shalt  }
0x6c: {  	_ =	shalt  }
0x6d: {  	_ =	shalt  }
0x6e: {  	_ =	shalt  }
0x6f: {  	_ =	shalt  }
0x70: {  	_ =	shalt  }
0x71: {  	_ =	shalt  }
0x72: {  	_ =	shalt  }
0x73: {  	_ =	shalt  }
0x74: {  	_ =	shalt  }
0x75: {  	_ =	shalt  }
0x76: {  	_ =	shalt  }
0x77: {  	_ =	shalt  }
0x78: {  	_ =	shalt  }
0x79: {  	_ =	shalt  }
0x7a: {  	_ =	shalt  }
0x7b: {  	_ =	shalt  }
0x7c: {  	_ =	shalt  }
0x7d: {  	_ =	shalt  }
0x7e: {  	_ =	shalt  }
0x7f: {  	_ =	shalt  }
0x80: {  	_ =	shalt  }
0x81: {  	_ =	shalt  }
0x82: {  	_ =	shalt  }
0x83: {  	_ =	shalt  }
0x84: {  	_ =	shalt  }
0x85: {  	_ =	shalt  }
0x86: {  	_ =	shalt  }
0x87: {  	_ =	shalt  }
.Lfunc_end0:
.L_simem_size_0:
called_computation.2_lowered:
.L_overlay_start_0:
0x88: {  	s2 =	sld [smem:$0x3FD9]  }
0x89: {  	s3 =	sld [smem:$0x3FFE];
	_ =	sdelay $0x1  }
0x8a: {  	s1 =	srdreg.scid  }
0x8b: {  	s0 =	sand.u32 $0x1, s1  }
0x8c: {  	s17 =	sshll.u32 s0, $0xA;
	s2 =	sadd.s32 s3, s2  }
0x8d: {  	s2 =	sadd.s32 s2, s17  }
0x8e: {  	[smem:$0x3FB6] =	sst s2  }
0x8f: {  	_ = 	snop  }
0x90: {  	s2 =	sld [smem:$0x3FD0];
	(tm) =	ssettm $0x1  }
0x91: {  	s18 =	sld [smem:$0x3FFB];
	_ =	sdelay $0x3  }
0x92: {  	_ =	strace s18  }
0x93: {  	s3 =	sld [smem:$0x3FFC];
	_ =	sdelay $0x3  }
0x94: {  	_ =	strace s3  }
0x95: {  	s3 =	sld [smem:$0x3FFD];
	_ =	sdelay $0x3  }
0x96: {  	_ =	strace s3  }
0x97: {  	_ =	strace $0x8FFFFFFF  }
0x98: {  	s19 =	sld [smem:$0x3FDB];
	_ =	sdelay $0x1  }
0x99: {  	s4 =	simm.s32 $_scs_section_size  }
0x9a: {  	s5 =	simm.s32 $_size__tile_overlayer_lowered;
	s6 =	simm.s32 $_tile_overlayer_lowered  }
0x9b: {  	s22 =	simm.s32 $0x1BFF;
	s21 =	sshll.u32 s6, $0x1;
	s3 =	sadd.s32 s4, s19  }
0x9c: {  	s7 =	simm.s32 $0x0;
	s20 =	sshll.u32 s5, $0x1;
	s5 =	sadd.s32 s21, s3  }
0x9d: {  	[timem:s7], [sflag:s22] =	dma.local [hbm:s5], s20  }
0x9e: {  	_ =	swait.ge [sflag:s22], s20  }
0x9f: {  	s4 =	ssub.s32 $0x0, s20;
	[sflag:s22] =	ssyncset.done $0x0  }
0xa0: {  	[sflag:s22] =	ssyncadd.s32 s4;
	_ =	sdelay $0x1  }
0xa1: {  	s23 =	simm.s32 $0x1B8B  }
0xa2: {  	_ =	swait.ge [sflag:s23], $0x1  }
0xa3: {  	[sflag:s23] =	ssyncset.done $0x0  }
0xa4: {  	s25 =	simm.s32 $0x1B8E;
	s24 =	sld [smem:$0x3FFE];
	[sflag:s23] =	ssyncadd.s32 $0xFFFFFFFF  }
0xa5: {  	s26 =	simm.s32 $execute0_lowered;
	[smem:$0x3FD2] =	sst s25  }
0xa6: {  	s5 =	sshll.u32 s26, $0x1;
	_ =	strace $0x8000004C;
	[dreg:$0x1] =	wrdreg $0xFFFFFFFF  }
0xa7: {  	s28 =	simm.s32 $_size_execute0_lowered;
	s3 =	sadd.s32 s3, s5;
	[dreg:$0x0] =	wrdreg $0x0  }
0xa8: {  	s5 =	sshll.u32 s28, $0x1;
	[dreg:$0x2] =	wrdreg s3  }
0xa9: {  	[dreg:$0x3] =	wrdreg s5  }
0xaa: {  	[dreg:$0x4] =	wrdreg $0xC0  }
0xab: {  	_ =	task [dreg:s7], $0x5FFFF  }
0xac: {  	[dreg:$0x1] =	wrdreg $0xFFFFFFFF  }
0xad: {  	[dreg:$0x0] =	wrdreg $0x60  }
0xae: {  	[dreg:$0x2] =	wrdreg s24  }
0xaf: {  	[dreg:$0x3] =	wrdreg s2  }
0xb0: {  	[dreg:$0x4] =	wrdreg $0xDE800  }
0xb1: {  	[dreg:$0x5] =	wrdreg $0x9  }
0xb2: {  	_ =	task.clear_ibuf [dreg:s7], $0x6FFFF;
	_ =	strace $0x9000004C  }
0xb3: {  	s29 =	simm.s32 $0x9;
	_ =	strace $0x8000004E  }
0xb4: {  	_ =	swait.ge [sflag:s29], $0x1  }
0xb5: {  	[sflag:s29] =	ssyncadd.s32 $0xFFFFFFFF  }
0xb6: {  	_ =	strace $0x9000004E  }
0xb7: {  	_ =	sfence  }
0xb8: {  	s30 =	sld [smem:$0x0];
	_ =	sdelay $0x2  }
0xb9: {  	s31 =	sshll.u32 s1, $0xD;
	s1 =	sshrl.u32 s1, $0x2  }
0xba: {  	s3 =	sand.u32 $0x4000, s31;
	s1 =	sadd.s32 s1, s30  }
0xbb: {  	s0 =	sor.u32 s3, s0;
	s1 =	sshll.u32 s1, $0x11  }
0xbc: {  	s0 =	sor.u32 s1, s0  }
0xbd: {  	s0 =	sadd.s32 $0x8F2B, s0  }
0xbe: {  	[sflag:s0] =	ssyncadd.remote.s32 $0x1  }
0xbf: {  	_ =	sfence.sel $0xFFFF  }
0xc0: {  	[dreg:$0x0] =	wrdreg $0xFFFFFFFF;
	(pc) =	sbr.abs _section_cstart, $3  }
0xc1: {  	[dreg:$0x1] =	wrdreg $0xFFFFFFFF  }
0xc2: {  	_ =	task.clear_ibuf [dreg:s7], $0x2FFFF;
	_ =	strace $0x9FFFFFFF  }
0xc3: {  	(tm) =	ssettm $0x7FFFFFFF  }
tec
execute0_lowered:
.L_overlay_start_1:
0x0: {  	(tag) =	ssettag $0x1  }
0x1: {  	s5 =	rddreg [dreg:$0x0]  }
0x2: {  	s2 =	rddreg [dreg:$0x1]  }
0x3: {  	s0 =	srdreg.scid;
	s3 =	rddreg [dreg:$0x2]  }
0x4: {  	s1 =	rddreg [dreg:$0x3];
	s4 =	simm.s32 $0x0;
	s16 =	simm.s32 $0x7D  }
0x5: {  	s17 =	simm.s32 $0xA000;
	s18 =	simm.s32 $0xBF40;
	s6 =	sand.u32 $0x1, s0  }
0x6: {  	s19 =	simm.s32 $0x1;
	s0 =	stileid.u32;
	s7 =	smul.u32 $0x138800, s6  }
0x7: {  	s20 =	simm.s32 $0x2;
	s21 =	simm.s32 $0x4F80;
	s8 =	smul.u32 $0x5000, s0  }
0x8: {  	s22 =	simm.s32 $0x9F00;
	s23 =	simm.s32 $0x9F80;
	s9 =	smul.u32 $0xA000, s0  }
0x9: {  	s24 =	simm.s32 $0x0;
	[smem:$0x7FF] =	sst s4;
	s10 =	smul.u32 $0x140000, s6  }
0xa: {  	_ =	strace $0x8000004D;
	s6 =	ssub.s32 $0x2, s6;
	s14 =	sshll.u32 s0, $0x6  }
0xb: {  	s31 =	sshrl.u32 s6, $0x1;
	s14 =	sor.u32 $0x1C03, s14;
	s7 =	sshrl.u32 s7, $0x3  }
0xc: {  	s29 =	sshrl.u32 s8, $0x3;
	s30 =	sadd.s32 s9, s10;
	s13 =	ssub.s32 s6, s31  }
0xd: {  	s15 =	sadd.s32 s9, s3;
	s11 =	sadd.s32 s7, s5;
	s8 =	sshrl.u32 s30, $0x3  }
0xe: {  	s7 =	sadd.s32 s29, s5;
	s15 =	sshrl.u32 s15, $0x3;
	s12 =	sadd.s32 s8, s5  }
0xf: {  	s5 =	sadd.s32 $0x3E00, s7;
	s6 =	sadd.s32 $0xDE00, s7;
	s7 =	sadd.s32 $0xB4200, s11  }
0x10: {  	s9 =	sadd.s32 $0xC7A80, s11;
	s11 =	smax.u32 s13, $0x1;
	s13 =	simm.s32 $0x5000  }
0x11: {  	s8 =	sadd.s32 $0x17E00, s12;
	s10 =	sadd.s32 $0x2BE00, s12;
	s12 =	simm.s32 $0x3  }
.LBB2_1:
0x12: {  	[tilespmem:s4], [sflag:$0x3] =	stream.linear.gather [hbm4b:s5+s4], $0x5000, $0x38;
	[tilespmem:$0x17E80] =	vst v63  }
0x13: {  	_ =	swait.ge [sflag:s12], $0x5000  }
0x14: {  	[sflag:s12] =	ssyncset.done $0x0  }
0x15: {  	[sflag:s12] =	ssyncadd.s32 $0xFFFFB000  }
0x16: {  	[tilespmem:s13], [sflag:$0x3] =	stream.linear.gather [hbm4b:s6+s4], $0x5000, $0x38;
	[tilespmem:$0x17E80] =	vst v63  }
0x17: {  	_ =	swait.ge [sflag:s12], $0x5000  }
0x18: {  	[sflag:s12] =	ssyncset.done $0x0  }
0x19: {  	[sflag:s12] =	ssyncadd.s32 $0xFFFFB000  }
0x1a: {  	[spmem:s15], [sflag:s14] =	dma.local [hbm:s2], $0x1400  }
0x1b: {  	_ =	swait.ge [sflag:s12], $0x1400  }
0x1c: {  	[sflag:s12] =	ssyncset.done $0x0  }
0x1d: {  	[sflag:s12] =	ssyncadd.s32 $0xFFFFEC00  }
0x1e: {  	[bflag:$0x0] =	sbarrier.arrive $0xFFFF  }
0x1f: {  	[tilespmem:s17], [sflag:$0x1] =	stream.indirect.gather [hbm4b:s7+s16], $0x40, s4, s16, $0xb8;
	[tilespmem:$0x17E80] =	vst v63  }
0x20: {  	s25 =	simm.s32 $0x80  }
0x21: {  	[tilespmem:s18], [sflag:$0x2] =	stream.indirect.gather [hbm4b:s7+s16], $0x40, s25, s16, $0xb8;
	[tilespmem:$0x17E80] =	vst v63  }
0x22: {  	_ =	swait.ge [sflag:s19], $0x1F40  }
0x23: {  	[sflag:s19] =	ssyncset.done $0x0  }
0x24: {  	s29 =	simm.s32 $0x5000;
	[sflag:s19] =	ssyncadd.s32 $0xFFFFE0C0  }
0x25: {  	[spmem:s3] =	stream.indirect.scatter.add.f32 [tilespmem:s17], [sflag:$0x3], $0x40, s29, s16, $0xb8;
	[tilespmem:$0x17E80] =	vst v63  }
0x26: {  	_ =	swait.ge [sflag:s12], $0x1F40  }
0x27: {  	[sflag:s12] =	ssyncset.done $0x0  }
0x28: {  	s30 =	simm.s32 $0x100;
	[sflag:s12] =	ssyncadd.s32 $0xFFFFE0C0  }
0x29: {  	[tilespmem:s17], [sflag:$0x1] =	stream.indirect.gather [hbm4b:s7+s16], $0x40, s30, s16, $0xb8;
	[tilespmem:$0x17E80] =	vst v63  }
0x2a: {  	_ =	swait.ge [sflag:s20], $0x1F40  }
0x2b: {  	[sflag:s20] =	ssyncset.done $0x0  }
0x2c: {  	s31 =	simm.s32 $0x5080;
	[sflag:s20] =	ssyncadd.s32 $0xFFFFE0C0  }
0x2d: {  	[spmem:s3] =	stream.indirect.scatter.add.f32 [tilespmem:s18], [sflag:$0x3], $0x40, s31, s16, $0xb8;
	[tilespmem:$0x17E80] =	vst v63  }
0x2e: {  	_ =	swait.ge [sflag:s12], $0x1F40  }
0x2f: {  	s26 =	simm.s32 $0x800;
	s25 =	simm.s32 $0x100;
	[sflag:s12] =	ssyncset.done $0x0  }
.LBB2_2:
0x30: {  	s28 =	sadd.s32 $0x80, s25  }
0x31: {  	[sflag:s12] =	ssyncadd.s32 $0xFFFFE0C0;
	s29 =	smov.u32 s26;
	s30 =	sadd.s32 $0x400, s26  }
0x32: {  	[tilespmem:s18], [sflag:$0x2] =	stream.indirect.gather [hbm4b:s7+s16], $0x40, s28, s16, $0xb8;
	[tilespmem:$0x17E80] =	vst v63  }
0x33: {  	p0 =	sne.s32 s26, $0x13800;
	_ =	swait.ge [sflag:s19], $0x1F40  }
0x34: {  	[sflag:s19] =	ssyncset.done $0x0  }
0x35: {  	s26 =	sadd.s32 $0x5000, s25;
	[sflag:s19] =	ssyncadd.s32 $0xFFFFE0C0  }
0x36: {  	[spmem:s3] =	stream.indirect.scatter.add.f32 [tilespmem:s17], [sflag:$0x3], $0x40, s26, s16, $0xb8;
	[tilespmem:$0x17E80] =	vst v63  }
0x37: {  	_ =	swait.ge [sflag:s12], $0x1F40  }
0x38: {  	[sflag:s12] =	ssyncset.done $0x0  }
0x39: {  	s26 =	sadd.s32 $0x100, s25;
	[sflag:s12] =	ssyncadd.s32 $0xFFFFE0C0  }
0x3a: {  	[tilespmem:s17], [sflag:$0x1] =	stream.indirect.gather [hbm4b:s7+s16], $0x40, s26, s16, $0xb8;
	[tilespmem:$0x17E80] =	vst v63  }
0x3b: {  	_ =	swait.ge [sflag:s20], $0x1F40  }
.Ltmp0:
0x3c: {  	[sflag:s20] =	ssyncset.done $0x0;
	(pc) =	sbr.rel @p0 .LBB2_2-.Ltmp0, $4  }
0x3d: {  	s25 =	sadd.s32 $0x5080, s25;
	[sflag:s20] =	ssyncadd.s32 $0xFFFFE0C0  }
0x3e: {  	[spmem:s3] =	stream.indirect.scatter.add.f32 [tilespmem:s18], [sflag:$0x3], $0x40, s25, s16, $0xb8;
	[tilespmem:$0x17E80] =	vst v63  }
0x3f: {  	_ =	swait.ge [sflag:s12], $0x1F40  }
0x40: {  	s26 =	smov.u32 s30;
	s25 =	sshra.s32 s29, $0x2;
	[sflag:s12] =	ssyncset.done $0x0  }
0x41: {  	s26 =	sadd.s32 $0x80, s25;
	[sflag:s12] =	ssyncadd.s32 $0xFFFFE0C0  }
0x42: {  	[tilespmem:s18], [sflag:$0x2] =	stream.indirect.gather [hbm4b:s7+s16], $0x40, s26, s16, $0xb8;
	[tilespmem:$0x17E80] =	vst v63  }
0x43: {  	_ =	swait.ge [sflag:s19], $0x1F40  }
0x44: {  	[sflag:s19] =	ssyncset.done $0x0  }
0x45: {  	s29 =	sadd.s32 $0x5000, s25;
	[sflag:s19] =	ssyncadd.s32 $0xFFFFE0C0  }
0x46: {  	[spmem:s3] =	stream.indirect.scatter.add.f32 [tilespmem:s17], [sflag:$0x3], $0x40, s29, s16, $0xb8;
	[tilespmem:$0x17E80] =	vst v63  }
0x47: {  	_ =	swait.ge [sflag:s12], $0x1F40  }
0x48: {  	[sflag:s12] =	ssyncset.done $0x0  }
0x49: {  	s30 =	sadd.s32 $0x100, s25;
	[sflag:s12] =	ssyncadd.s32 $0xFFFFE0C0  }
0x4a: {  	[tilespmem:s17], [sflag:$0x1] =	stream.indirect.gather [hbm4b:s7+s16], $0x40, s30, s16, $0xb8;
	[tilespmem:$0x17E80] =	vst v63  }
0x4b: {  	_ =	swait.ge [sflag:s20], $0x1F40  }
0x4c: {  	[sflag:s20] =	ssyncset.done $0x0  }
0x4d: {  	s31 =	sadd.s32 $0x5080, s25;
	[sflag:s20] =	ssyncadd.s32 $0xFFFFE0C0  }
0x4e: {  	[spmem:s3] =	stream.indirect.scatter.add.f32 [tilespmem:s18], [sflag:$0x3], $0x40, s31, s16, $0xb8;
	[tilespmem:$0x17E80] =	vst v63  }
0x4f: {  	_ =	swait.ge [sflag:s12], $0x1F40  }
0x50: {  	[sflag:s12] =	ssyncset.done $0x0  }
0x51: {  	[sflag:s12] =	ssyncadd.s32 $0xFFFFE0C0  }
0x52: {  	[tilespmem:s18], [sflag:$0x2] =	stream.indirect.gather [hbm4b:s7+s16], $0x40, s21, s16, $0xb8;
	[tilespmem:$0x17E80] =	vst v63  }
0x53: {  	_ =	swait.ge [sflag:s19], $0x1F40  }
0x54: {  	[sflag:s19] =	ssyncset.done $0x0  }
0x55: {  	[sflag:s19] =	ssyncadd.s32 $0xFFFFE0C0  }
0x56: {  	[spmem:s3] =	stream.indirect.scatter.add.f32 [tilespmem:s17], [sflag:$0x3], $0x40, s22, s16, $0xb8;
	[tilespmem:$0x17E80] =	vst v63  }
0x57: {  	_ =	swait.ge [sflag:s12], $0x1F40  }
0x58: {  	[sflag:s12] =	ssyncset.done $0x0  }
0x59: {  	[sflag:s12] =	ssyncadd.s32 $0xFFFFE0C0  }
0x5a: {  	_ =	swait.ge [sflag:s20], $0x1F40  }
0x5b: {  	[sflag:s20] =	ssyncset.done $0x0  }
0x5c: {  	[sflag:s20] =	ssyncadd.s32 $0xFFFFE0C0  }
0x5d: {  	[spmem:s3] =	stream.indirect.scatter.add.f32 [tilespmem:s18], [sflag:$0x3], $0x40, s23, s16, $0xb8;
	[tilespmem:$0x17E80] =	vst v63  }
0x5e: {  	_ =	swait.ge [sflag:s12], $0x1F40  }
0x5f: {  	[sflag:s12] =	ssyncset.done $0x0  }
0x60: {  	[sflag:s12] =	ssyncadd.s32 $0xFFFFE0C0  }
0x61: {  	[bflag:$0x0] =	sbarrier.arrive $0xFFFF  }
0x62: {  	[hbm:s8], [sflag:s14] =	dma.local [spmem:s15], $0x1400  }
0x63: {  	_ =	swait.ge [sflag:s12], $0x1400  }
0x64: {  	[sflag:s12] =	ssyncset.done $0x0  }
0x65: {  	[sflag:s12] =	ssyncadd.s32 $0xFFFFEC00  }
0x66: {  	[bflag:$0x0] =	sbarrier.arrive $0xFFFF  }
0x67: {  	[spmem:s15], [sflag:s14] =	dma.local [hbm:s2], $0x1400  }
0x68: {  	_ =	swait.ge [sflag:s12], $0x1400  }
0x69: {  	[sflag:s12] =	ssyncset.done $0x0  }
0x6a: {  	[sflag:s12] =	ssyncadd.s32 $0xFFFFEC00  }
0x6b: {  	s26 =	simm.s32 $0x0;
	[bflag:$0x0] =	sbarrier.arrive $0xFFFF  }
0x6c: {  	[tilespmem:s17], [sflag:$0x1] =	stream.indirect.gather [hbm4b:s9+s16], $0x40, s26, s16, $0xb8;
	[tilespmem:$0x17E80] =	vst v63  }
0x6d: {  	s28 =	simm.s32 $0x80  }
0x6e: {  	[tilespmem:s18], [sflag:$0x2] =	stream.indirect.gather [hbm4b:s9+s16], $0x40, s28, s16, $0xb8;
	[tilespmem:$0x17E80] =	vst v63  }
0x6f: {  	_ =	swait.ge [sflag:s19], $0x1F40  }
0x70: {  	[sflag:s19] =	ssyncset.done $0x0  }
0x71: {  	s29 =	simm.s32 $0x5000;
	[sflag:s19] =	ssyncadd.s32 $0xFFFFE0C0  }
0x72: {  	[spmem:s3] =	stream.indirect.scatter.add.f32 [tilespmem:s17], [sflag:$0x3], $0x40, s29, s16, $0xb8;
	[tilespmem:$0x17E80] =	vst v63  }
0x73: {  	_ =	swait.ge [sflag:s12], $0x1F40  }
0x74: {  	[sflag:s12] =	ssyncset.done $0x0  }
0x75: {  	s30 =	simm.s32 $0x100;
	[sflag:s12] =	ssyncadd.s32 $0xFFFFE0C0  }
0x76: {  	[tilespmem:s17], [sflag:$0x1] =	stream.indirect.gather [hbm4b:s9+s16], $0x40, s30, s16, $0xb8;
	[tilespmem:$0x17E80] =	vst v63  }
0x77: {  	_ =	swait.ge [sflag:s20], $0x1F40  }
0x78: {  	[sflag:s20] =	ssyncset.done $0x0  }
0x79: {  	s31 =	simm.s32 $0x5080;
	[sflag:s20] =	ssyncadd.s32 $0xFFFFE0C0  }
0x7a: {  	[spmem:s3] =	stream.indirect.scatter.add.f32 [tilespmem:s18], [sflag:$0x3], $0x40, s31, s16, $0xb8;
	[tilespmem:$0x17E80] =	vst v63  }
0x7b: {  	_ =	swait.ge [sflag:s12], $0x1F40  }
0x7c: {  	s25 =	simm.s32 $0x100;
	s26 =	simm.s32 $0x800;
	[sflag:s12] =	ssyncset.done $0x0  }
.LBB2_4:
0x7d: {  	s28 =	sadd.s32 $0x80, s25  }
0x7e: {  	[sflag:s12] =	ssyncadd.s32 $0xFFFFE0C0;
	s29 =	smov.u32 s26;
	s30 =	sadd.s32 $0x400, s26  }
0x7f: {  	[tilespmem:s18], [sflag:$0x2] =	stream.indirect.gather [hbm4b:s9+s16], $0x40, s28, s16, $0xb8;
	[tilespmem:$0x17E80] =	vst v63  }
0x80: {  	p0 =	sne.s32 s26, $0x13800;
	_ =	swait.ge [sflag:s19], $0x1F40  }
0x81: {  	[sflag:s19] =	ssyncset.done $0x0  }
0x82: {  	s26 =	sadd.s32 $0x5000, s25;
	[sflag:s19] =	ssyncadd.s32 $0xFFFFE0C0  }
0x83: {  	[spmem:s3] =	stream.indirect.scatter.add.f32 [tilespmem:s17], [sflag:$0x3], $0x40, s26, s16, $0xb8;
	[tilespmem:$0x17E80] =	vst v63  }
0x84: {  	_ =	swait.ge [sflag:s12], $0x1F40  }
0x85: {  	[sflag:s12] =	ssyncset.done $0x0  }
0x86: {  	s26 =	sadd.s32 $0x100, s25;
	[sflag:s12] =	ssyncadd.s32 $0xFFFFE0C0  }
0x87: {  	[tilespmem:s17], [sflag:$0x1] =	stream.indirect.gather [hbm4b:s9+s16], $0x40, s26, s16, $0xb8;
	[tilespmem:$0x17E80] =	vst v63  }
0x88: {  	_ =	swait.ge [sflag:s20], $0x1F40  }
.Ltmp1:
0x89: {  	[sflag:s20] =	ssyncset.done $0x0;
	(pc) =	sbr.rel @p0 .LBB2_4-.Ltmp1, $4  }
0x8a: {  	s25 =	sadd.s32 $0x5080, s25;
	[sflag:s20] =	ssyncadd.s32 $0xFFFFE0C0  }
0x8b: {  	[spmem:s3] =	stream.indirect.scatter.add.f32 [tilespmem:s18], [sflag:$0x3], $0x40, s25, s16, $0xb8;
	[tilespmem:$0x17E80] =	vst v63  }
0x8c: {  	_ =	swait.ge [sflag:s12], $0x1F40  }
0x8d: {  	s26 =	smov.u32 s30;
	s25 =	sshra.s32 s29, $0x2;
	[sflag:s12] =	ssyncset.done $0x0  }
0x8e: {  	s26 =	sadd.s32 $0x80, s25;
	[sflag:s12] =	ssyncadd.s32 $0xFFFFE0C0  }
0x8f: {  	[tilespmem:s18], [sflag:$0x2] =	stream.indirect.gather [hbm4b:s9+s16], $0x40, s26, s16, $0xb8;
	[tilespmem:$0x17E80] =	vst v63  }
0x90: {  	_ =	swait.ge [sflag:s19], $0x1F40  }
0x91: {  	[sflag:s19] =	ssyncset.done $0x0  }
0x92: {  	s29 =	sadd.s32 $0x5000, s25;
	[sflag:s19] =	ssyncadd.s32 $0xFFFFE0C0  }
0x93: {  	[spmem:s3] =	stream.indirect.scatter.add.f32 [tilespmem:s17], [sflag:$0x3], $0x40, s29, s16, $0xb8;
	[tilespmem:$0x17E80] =	vst v63  }
0x94: {  	_ =	swait.ge [sflag:s12], $0x1F40  }
0x95: {  	[sflag:s12] =	ssyncset.done $0x0  }
0x96: {  	s30 =	sadd.s32 $0x100, s25;
	[sflag:s12] =	ssyncadd.s32 $0xFFFFE0C0  }
0x97: {  	[tilespmem:s17], [sflag:$0x1] =	stream.indirect.gather [hbm4b:s9+s16], $0x40, s30, s16, $0xb8;
	[tilespmem:$0x17E80] =	vst v63  }
0x98: {  	_ =	swait.ge [sflag:s20], $0x1F40  }
0x99: {  	[sflag:s20] =	ssyncset.done $0x0  }
0x9a: {  	s31 =	sadd.s32 $0x5080, s25;
	[sflag:s20] =	ssyncadd.s32 $0xFFFFE0C0  }
0x9b: {  	[spmem:s3] =	stream.indirect.scatter.add.f32 [tilespmem:s18], [sflag:$0x3], $0x40, s31, s16, $0xb8;
	[tilespmem:$0x17E80] =	vst v63  }
0x9c: {  	_ =	swait.ge [sflag:s12], $0x1F40  }
0x9d: {  	[sflag:s12] =	ssyncset.done $0x0  }
0x9e: {  	[sflag:s12] =	ssyncadd.s32 $0xFFFFE0C0  }
0x9f: {  	[tilespmem:s18], [sflag:$0x2] =	stream.indirect.gather [hbm4b:s9+s16], $0x40, s21, s16, $0xb8;
	[tilespmem:$0x17E80] =	vst v63  }
0xa0: {  	_ =	swait.ge [sflag:s19], $0x1F40  }
0xa1: {  	[sflag:s19] =	ssyncset.done $0x0  }
0xa2: {  	[sflag:s19] =	ssyncadd.s32 $0xFFFFE0C0  }
0xa3: {  	[spmem:s3] =	stream.indirect.scatter.add.f32 [tilespmem:s17], [sflag:$0x3], $0x40, s22, s16, $0xb8;
	[tilespmem:$0x17E80] =	vst v63  }
0xa4: {  	_ =	swait.ge [sflag:s12], $0x1F40  }
0xa5: {  	[sflag:s12] =	ssyncset.done $0x0  }
0xa6: {  	[sflag:s12] =	ssyncadd.s32 $0xFFFFE0C0  }
0xa7: {  	_ =	swait.ge [sflag:s20], $0x1F40  }
0xa8: {  	[sflag:s20] =	ssyncset.done $0x0  }
0xa9: {  	[sflag:s20] =	ssyncadd.s32 $0xFFFFE0C0  }
0xaa: {  	[spmem:s3] =	stream.indirect.scatter.add.f32 [tilespmem:s18], [sflag:$0x3], $0x40, s23, s16, $0xb8;
	[tilespmem:$0x17E80] =	vst v63  }
0xab: {  	_ =	swait.ge [sflag:s12], $0x1F40  }
0xac: {  	[sflag:s12] =	ssyncset.done $0x0  }
0xad: {  	s24 =	sadd.s32 $0x1, s24;
	[sflag:s12] =	ssyncadd.s32 $0xFFFFE0C0  }
0xae: {  	p0 =	sne.s32 s24, s11;
	[bflag:$0x0] =	sbarrier.arrive $0xFFFF  }
0xaf: {  	[hbm:s10], [sflag:s14] =	dma.local [spmem:s15], $0x1400  }
.Ltmp2:
0xb0: {  	_ =	swait.ge [sflag:s12], $0x1400;
	(pc) =	sbr.rel @p0 .LBB2_1-.Ltmp2, $3  }
0xb1: {  	[sflag:s12] =	ssyncset.done $0x0  }
0xb2: {  	[sflag:s12] =	ssyncadd.s32 $0xFFFFEC00  }
0xb3: {  	[bflag:$0x0] =	sbarrier.arrive $0xFFFF;
	_ =	sdelay $0x1  }
0xb4: {  	_ =	sfence.sel $0x180000  }
0xb5: {  	[bflag:$0x0] =	sbarrier.arrive $0xFFFF  }
0xb6: {  	p0 =	sne.s32 s0, $0x0;
	_ =	strace $0x9000004D  }
0xb7: {  	s0 =	sadd.s32 @!p0 $0x100000, s1;
	[bflag:$0x2] =	sbarrier.arrive $0xFFFF  }
0xb8: {  	[sflag:s0] =	ssyncadd.tile.s32 @!p0 $0x1;
	_ =	shalt  }
.Lfunc_end2:
_tile_overlayer_lowered:
.L_overlay_start_2:
0xb9: {  	(tag) =	ssettag $0x2  }
0xba: {  	s0 =	rddreg [dreg:$0x0];
	s2 =	stileid.u32  }
0xbb: {  	s1 =	rddreg [dreg:$0x1];
	p0 =	sne.s32 s2, $0x0  }
0xbc: {  	s3 =	rddreg [dreg:$0x2];
	[bflag:$0x3] =	sbarrier.arrive $0xFFFF;
	s2 =	simm.s32 @!p0 $0x1C03  }
0xbd: {  	[timem:s3], [sflag:s2] =	dma.local @!p0 [hbm:s0], s1  }
0xbe: {  	s0 =	simm.s32 @!p0 $0x3  }
0xbf: {  	_ =	swait.ge @!p0 [sflag:s0], s1  }
0xc0: {  	s1 =	ssub.s32 @!p0 $0x0, s1;
	[sflag:s0] =	ssyncset.done @!p0 $0x0  }
0xc1: {  	[sflag:s0] =	ssyncadd.s32 @!p0 s1  }
0xc2: {  	[bflag:$0x3] =	sbarrier.arrive $0xFFFF  }
0xc3: {  	_ =	shalt  }

// kernel: kernel.9.cloned.1.call-start
scs
__scs_entry_jumppad:
0x0: {  	(pc) =	sbr.rel $0x88, $3  }
0x1: {  	(tag) =	ssettag $0x0;
	lr =	simm.s32 $0x1  }
0x2: {  	[smem:$0x3F8F] =	sst lr;
	_ =	strace $0xD0000000  }
0x3: {  	_ = 	snop  }
0x4: {  	_ = 	snop  }
0x5: {  	_ = 	snop  }
0x6: {  	_ = 	snop  }
0x7: {  	_ = 	snop  }
__scs_overlays_trampoline_lowered:
0x8: {  	[smem:$0x3F9E] =	sst s0  }
0x9: {  	[smem:$0x3F9F] =	sst s1  }
0xa: {  	[smem:$0x3FA0] =	sst s2  }
0xb: {  	[smem:$0x3FA1] =	sst s3  }
0xc: {  	[smem:$0x3FA2] =	sst s4  }
0xd: {  	[smem:$0x3FA3] =	sst s5  }
0xe: {  	[smem:$0x3FA4] =	sst s6  }
0xf: {  	[smem:$0x3FA5] =	sst s7  }
0x10: {  	[smem:$0x3FA6] =	sst s8  }
0x11: {  	[smem:$0x3FA7] =	sst s9;
	s0 =	simm.s32 @!p0 $0x0  }
0x12: {  	s1 =	sld [smem:$0x3F8D];
	s0 =	simm.s32 @p0 $0x1  }
0x13: {  	[smem:$0x3FA8] =	sst s0;
	s0 =	simm.s32 @!p1 $0x0  }
0x14: {  	s2 =	sld [smem:$0x3F8C];
	s0 =	simm.s32 @p1 $0x1  }
0x15: {  	[smem:$0x3FA9] =	sst s0;
	s0 =	simm.s32 @!p2 $0x0  }
0x16: {  	s3 =	sld [smem:$0x3FDB];
	s0 =	simm.s32 @p2 $0x1  }
0x17: {  	s4 =	simm.s32 $0x1BF5;
	[smem:$0x3FAB] =	sst s0  }
0x18: {  	s0 =	sld [smem:$0x3F8E];
	_ =	swait.ge [sflag:s4], $0x0  }
0x19: {  	s7 =	sld [smem:$0x3F8F]  }
0x1a: {  	s8 =	sadd.s32 $0xFFFFE003, lr  }
0x1b: {  	s9 =	sadd.s32 $0xFFFFFEF7, lr;
	s5 =	simm.s32 $0xFFFFFFFF;
	p2 =	slt.u32 s8, $0xFFFFF086  }
0x1c: {  	p1 =	slt.u32 s9, $0xF7A;
	s5 =	simm.s32 @!p2 $0x0  }
0x1d: {  	s5 =	simm.s32 @p1 $0x1;
	p0 =	seq.s32 s7, s2  }
0x1e: {  	s7 =	smul.u32 @!p0 $0xF7A, s2;
	p2 =	seq.s32 @!p0 s5, $0x0  }
0x1f: {  	s9 =	smul.u32 $0xF7A, s1;
	s8 =	simm.s32 @!p0 $0x1BF5;
	p2 =	por !p2, p0  }
0x20: {  	[sflag:s8] =	ssyncset.s32 @!p0 $0xFFFFF086;
	s6 =	sadd.s32 @!p0 s3, s7;
	s7 =	simm.s32 @!p0 $0x108  }
0x21: {  	s3 =	sadd.s32 s3, s9;
	s6 =	sadd.s32 @!p0 $0x88, s6;
	s7 =	simm.s32 @p2 $0x1082  }
0x22: {  	[simem:s7], [sflag:s8] =	dma.local @!p0 [hbm:s6], $0xF7A  }
0x23: {  	s9 =	sor.u32 $0xD0000000, s2;
	s6 =	simm.s32 $0x108;
	_ =	swait.ge @!p0 [sflag:s8], $0x0  }
0x24: {  	s3 =	sadd.s32 $0x88, s3;
	s6 =	simm.s32 @!p1 $0x1082;
	[sflag:s4] =	ssyncset.s32 $0xFFFFF086  }
0x25: {  	[simem:s6], [sflag:s4] =	dma.local [hbm:s3], $0xF7A  }
0x26: {  	[smem:$0x3F8F] =	sst s1;
	(tag) =	ssettag s2;
	_ =	strace s9  }
0x27: {  	s1 =	sld [smem:$0x3F9F]  }
0x28: {  	s2 =	sld [smem:$0x3FA0]  }
0x29: {  	s4 =	sld [smem:$0x3FA2]  }
0x2a: {  	p0 =	seq.s32 s5, $0x0;
	s5 =	sld [smem:$0x3FA3]  }
0x2b: {  	s6 =	sld [smem:$0x3FA4]  }
0x2c: {  	s7 =	sld [smem:$0x3FA5]  }
0x2d: {  	s3 =	simm.s32 $0x108;
	s8 =	sld [smem:$0x3FA6]  }
0x2e: {  	s3 =	simm.s32 @!p0 $0x1082;
	s9 =	sld [smem:$0x3FA7]  }
0x2f: {  	lr =	sadd.s32 s0, s3;
	s0 =	sld [smem:$0x3F9E]  }
0x30: {  	s3 =	sld [smem:$0x3FA1]  }
0x31: {  	[smem:$0x3FAA] =	sst s10  }
0x32: {  	s10 =	sld [smem:$0x3FA8];
	_ =	sdelay $0x3  }
0x33: {  	p0 =	seq.s32 s10, $0x1;
	s10 =	sld [smem:$0x3FAA];
	_ =	sdelay $0x3  }
0x34: {  	[smem:$0x3FAA] =	sst s10  }
0x35: {  	s10 =	sld [smem:$0x3FA9];
	_ =	sdelay $0x3  }
0x36: {  	p1 =	seq.s32 s10, $0x1;
	s10 =	sld [smem:$0x3FAA];
	_ =	sdelay $0x3  }
0x37: {  	[smem:$0x3FAA] =	sst s10  }
0x38: {  	s10 =	sld [smem:$0x3FAB]  }
0x39: {  	_ = 	snop;
	(pc) =	sbr.ind lr, $3  }
0x3a: {  	_ = 	snop  }
0x3b: {  	_ = 	snop  }
0x3c: {  	p2 =	seq.s32 s10, $0x1;
	s10 =	sld [smem:$0x3FAA]  }
0x3d: {  	_ =	shalt  }
0x3e: {  	_ =	shalt  }
0x3f: {  	_ =	shalt  }
0x40: {  	_ =	shalt  }
0x41: {  	_ =	shalt  }
0x42: {  	_ =	shalt  }
0x43: {  	_ =	shalt  }
0x44: {  	_ =	shalt  }
0x45: {  	_ =	shalt  }
0x46: {  	_ =	shalt  }
0x47: {  	_ =	shalt  }
0x48: {  	_ =	shalt  }
0x49: {  	_ =	shalt  }
0x4a: {  	_ =	shalt  }
0x4b: {  	_ =	shalt  }
0x4c: {  	_ =	shalt  }
0x4d: {  	_ =	shalt  }
0x4e: {  	_ =	shalt  }
0x4f: {  	_ =	shalt  }
0x50: {  	_ =	shalt  }
0x51: {  	_ =	shalt  }
0x52: {  	_ =	shalt  }
0x53: {  	_ =	shalt  }
0x54: {  	_ =	shalt  }
0x55: {  	_ =	shalt  }
0x56: {  	_ =	shalt  }
0x57: {  	_ =	shalt  }
0x58: {  	_ =	shalt  }
0x59: {  	_ =	shalt  }
0x5a: {  	_ =	shalt  }
0x5b: {  	_ =	shalt  }
0x5c: {  	_ =	shalt  }
0x5d: {  	_ =	shalt  }
0x5e: {  	_ =	shalt  }
0x5f: {  	_ =	shalt  }
0x60: {  	_ =	shalt  }
0x61: {  	_ =	shalt  }
0x62: {  	_ =	shalt  }
0x63: {  	_ =	shalt  }
0x64: {  	_ =	shalt  }
0x65: {  	_ =	shalt  }
0x66: {  	_ =	shalt  }
0x67: {  	_ =	shalt  }
0x68: {  	_ =	shalt  }
0x69: {  	_ =	shalt  }
0x6a: {  	_ =	shalt  }
0x6b: {  	_ =	shalt  }
0x6c: {  	_ =	shalt  }
0x6d: {  	_ =	shalt  }
0x6e: {  	_ =	shalt  }
0x6f: {  	_ =	shalt  }
0x70: {  	_ =	shalt  }
0x71: {  	_ =	shalt  }
0x72: {  	_ =	shalt  }
0x73: {  	_ =	shalt  }
0x74: {  	_ =	shalt  }
0x75: {  	_ =	shalt  }
0x76: {  	_ =	shalt  }
0x77: {  	_ =	shalt  }
0x78: {  	_ =	shalt  }
0x79: {  	_ =	shalt  }
0x7a: {  	_ =	shalt  }
0x7b: {  	_ =	shalt  }
0x7c: {  	_ =	shalt  }
0x7d: {  	_ =	shalt  }
0x7e: {  	_ =	shalt  }
0x7f: {  	_ =	shalt  }
0x80: {  	_ =	shalt  }
0x81: {  	_ =	shalt  }
0x82: {  	_ =	shalt  }
0x83: {  	_ =	shalt  }
0x84: {  	_ =	shalt  }
0x85: {  	_ =	shalt  }
0x86: {  	_ =	shalt  }
0x87: {  	_ =	shalt  }
.Lfunc_end0:
.L_simem_size_0:
called_computation_lowered:
.L_overlay_start_0:
0x88: {  	s2 =	sld [smem:$0x3FD9]  }
0x89: {  	s3 =	sld [smem:$0x3FFE];
	_ =	sdelay $0x1  }
0x8a: {  	s1 =	srdreg.scid  }
0x8b: {  	s0 =	sand.u32 $0x1, s1  }
0x8c: {  	s17 =	sshll.u32 s0, $0xA;
	s2 =	sadd.s32 s3, s2  }
0x8d: {  	s2 =	sadd.s32 s2, s17  }
0x8e: {  	[smem:$0x3FB6] =	sst s2  }
0x8f: {  	_ = 	snop  }
0x90: {  	s2 =	sld [smem:$0x3FD0];
	(tm) =	ssettm $0x1  }
0x91: {  	s18 =	sld [smem:$0x3FFB];
	_ =	sdelay $0x3  }
0x92: {  	_ =	strace s18  }
0x93: {  	s3 =	sld [smem:$0x3FFC];
	_ =	sdelay $0x3  }
0x94: {  	_ =	strace s3  }
0x95: {  	s3 =	sld [smem:$0x3FFD];
	_ =	sdelay $0x3  }
0x96: {  	_ =	strace s3  }
0x97: {  	_ =	strace $0x8FFFFFFF  }
0x98: {  	s19 =	sld [smem:$0x3FDB];
	_ =	sdelay $0x1  }
0x99: {  	s4 =	simm.s32 $_scs_section_size  }
0x9a: {  	s5 =	simm.s32 $_size__tile_overlayer_lowered;
	s6 =	simm.s32 $_tile_overlayer_lowered  }
0x9b: {  	s22 =	simm.s32 $0x1BFF;
	s21 =	sshll.u32 s6, $0x1;
	s3 =	sadd.s32 s4, s19  }
0x9c: {  	s7 =	simm.s32 $0x0;
	s20 =	sshll.u32 s5, $0x1;
	s5 =	sadd.s32 s21, s3  }
0x9d: {  	[timem:s7], [sflag:s22] =	dma.local [hbm:s5], s20  }
0x9e: {  	_ =	swait.ge [sflag:s22], s20  }
0x9f: {  	s4 =	ssub.s32 $0x0, s20;
	[sflag:s22] =	ssyncset.done $0x0  }
0xa0: {  	[sflag:s22] =	ssyncadd.s32 s4;
	_ =	sdelay $0x1  }
0xa1: {  	s23 =	simm.s32 $0x1B8B  }
0xa2: {  	_ =	swait.ge [sflag:s23], $0x1  }
0xa3: {  	[sflag:s23] =	ssyncset.done $0x0  }
0xa4: {  	s25 =	simm.s32 $0x1B8E;
	s24 =	sld [smem:$0x3FFE];
	[sflag:s23] =	ssyncadd.s32 $0xFFFFFFFF  }
0xa5: {  	s26 =	simm.s32 $execute0_lowered;
	[smem:$0x3FD2] =	sst s25  }
0xa6: {  	s5 =	sshll.u32 s26, $0x1;
	_ =	strace $0x80000046;
	[dreg:$0x1] =	wrdreg $0xFFFFFFFF  }
0xa7: {  	s28 =	simm.s32 $_size_execute0_lowered;
	s3 =	sadd.s32 s3, s5;
	[dreg:$0x0] =	wrdreg $0x0  }
0xa8: {  	s5 =	sshll.u32 s28, $0x1;
	[dreg:$0x2] =	wrdreg s3  }
0xa9: {  	[dreg:$0x3] =	wrdreg s5  }
0xaa: {  	[dreg:$0x4] =	wrdreg $0xC0  }
0xab: {  	_ =	task [dreg:s7], $0x5FFFF  }
0xac: {  	[dreg:$0x1] =	wrdreg $0xFFFFFFFF  }
0xad: {  	[dreg:$0x0] =	wrdreg $0x60  }
0xae: {  	[dreg:$0x2] =	wrdreg s24  }
0xaf: {  	[dreg:$0x3] =	wrdreg s2  }
0xb0: {  	[dreg:$0x4] =	wrdreg $0xDE800  }
0xb1: {  	[dreg:$0x5] =	wrdreg $0x9  }
0xb2: {  	_ =	task.clear_ibuf [dreg:s7], $0x6FFFF;
	_ =	strace $0x90000046  }
0xb3: {  	s29 =	simm.s32 $0x9;
	_ =	strace $0x80000048  }
0xb4: {  	_ =	swait.ge [sflag:s29], $0x1  }
0xb5: {  	[sflag:s29] =	ssyncadd.s32 $0xFFFFFFFF  }
0xb6: {  	_ =	strace $0x90000048  }
0xb7: {  	_ =	sfence  }
0xb8: {  	s30 =	sld [smem:$0x0];
	_ =	sdelay $0x2  }
0xb9: {  	s31 =	sshll.u32 s1, $0xD;
	s1 =	sshrl.u32 s1, $0x2  }
0xba: {  	s3 =	sand.u32 $0x4000, s31;
	s1 =	sadd.s32 s1, s30  }
0xbb: {  	s0 =	sor.u32 s3, s0;
	s1 =	sshll.u32 s1, $0x11  }
0xbc: {  	s0 =	sor.u32 s1, s0  }
0xbd: {  	s0 =	sadd.s32 $0x8F2B, s0  }
0xbe: {  	[sflag:s0] =	ssyncadd.remote.s32 $0x1  }
0xbf: {  	_ =	sfence.sel $0xFFFF  }
0xc0: {  	[dreg:$0x0] =	wrdreg $0xFFFFFFFF;
	(pc) =	sbr.abs _section_cstart, $3  }
0xc1: {  	[dreg:$0x1] =	wrdreg $0xFFFFFFFF  }
0xc2: {  	_ =	task.clear_ibuf [dreg:s7], $0x2FFFF;
	_ =	strace $0x9FFFFFFF  }
0xc3: {  	(tm) =	ssettm $0x7FFFFFFF  }
tec
execute0_lowered:
.L_overlay_start_1:
0x0: {  	(tag) =	ssettag $0x1  }
0x1: {  	s5 =	rddreg [dreg:$0x0]  }
0x2: {  	s2 =	rddreg [dreg:$0x1]  }
0x3: {  	s0 =	srdreg.scid;
	s3 =	rddreg [dreg:$0x2]  }
0x4: {  	s1 =	rddreg [dreg:$0x3];
	s4 =	simm.s32 $0x0;
	s16 =	simm.s32 $0x7D  }
0x5: {  	s17 =	simm.s32 $0xA000;
	s18 =	simm.s32 $0xBF40;
	s6 =	sand.u32 $0x1, s0  }
0x6: {  	s19 =	simm.s32 $0x1;
	s0 =	stileid.u32;
	s7 =	smul.u32 $0x138800, s6  }
0x7: {  	s20 =	simm.s32 $0x2;
	s21 =	simm.s32 $0x4F80;
	s8 =	smul.u32 $0x5000, s0  }
0x8: {  	s22 =	simm.s32 $0x9F00;
	s23 =	simm.s32 $0x9F80;
	s9 =	smul.u32 $0xA000, s0  }
0x9: {  	s24 =	simm.s32 $0x0;
	[smem:$0x7FF] =	sst s4;
	s10 =	smul.u32 $0x140000, s6  }
0xa: {  	_ =	strace $0x80000047;
	s6 =	ssub.s32 $0x2, s6;
	s14 =	sshll.u32 s0, $0x6  }
0xb: {  	s31 =	sshrl.u32 s6, $0x1;
	s14 =	sor.u32 $0x1C03, s14;
	s7 =	sshrl.u32 s7, $0x3  }
0xc: {  	s29 =	sshrl.u32 s8, $0x3;
	s30 =	sadd.s32 s9, s10;
	s13 =	ssub.s32 s6, s31  }
0xd: {  	s15 =	sadd.s32 s9, s3;
	s11 =	sadd.s32 s7, s5;
	s8 =	sshrl.u32 s30, $0x3  }
0xe: {  	s7 =	sadd.s32 s29, s5;
	s15 =	sshrl.u32 s15, $0x3;
	s12 =	sadd.s32 s8, s5  }
0xf: {  	s5 =	sadd.s32 $0x3E00, s7;
	s6 =	sadd.s32 $0xDE00, s7;
	s7 =	sadd.s32 $0xA0200, s11  }
0x10: {  	s9 =	sadd.s32 $0xB3A80, s11;
	s11 =	smax.u32 s13, $0x1;
	s13 =	simm.s32 $0x5000  }
0x11: {  	s8 =	sadd.s32 $0x17E00, s12;
	s10 =	sadd.s32 $0x2BE00, s12;
	s12 =	simm.s32 $0x3  }
.LBB2_1:
0x12: {  	[tilespmem:s4], [sflag:$0x3] =	stream.linear.gather [hbm4b:s5+s4], $0x5000, $0x38;
	[tilespmem:$0x17E80] =	vst v63  }
0x13: {  	_ =	swait.ge [sflag:s12], $0x5000  }
0x14: {  	[sflag:s12] =	ssyncset.done $0x0  }
0x15: {  	[sflag:s12] =	ssyncadd.s32 $0xFFFFB000  }
0x16: {  	[tilespmem:s13], [sflag:$0x3] =	stream.linear.gather [hbm4b:s6+s4], $0x5000, $0x38;
	[tilespmem:$0x17E80] =	vst v63  }
0x17: {  	_ =	swait.ge [sflag:s12], $0x5000  }
0x18: {  	[sflag:s12] =	ssyncset.done $0x0  }
0x19: {  	[sflag:s12] =	ssyncadd.s32 $0xFFFFB000  }
0x1a: {  	[spmem:s15], [sflag:s14] =	dma.local [hbm:s2], $0x1400  }
0x1b: {  	_ =	swait.ge [sflag:s12], $0x1400  }
0x1c: {  	[sflag:s12] =	ssyncset.done $0x0  }
0x1d: {  	[sflag:s12] =	ssyncadd.s32 $0xFFFFEC00  }
0x1e: {  	[bflag:$0x0] =	sbarrier.arrive $0xFFFF  }
0x1f: {  	[tilespmem:s17], [sflag:$0x1] =	stream.indirect.gather [hbm4b:s7+s16], $0x40, s4, s16, $0xb8;
	[tilespmem:$0x17E80] =	vst v63  }
0x20: {  	s25 =	simm.s32 $0x80  }
0x21: {  	[tilespmem:s18], [sflag:$0x2] =	stream.indirect.gather [hbm4b:s7+s16], $0x40, s25, s16, $0xb8;
	[tilespmem:$0x17E80] =	vst v63  }
0x22: {  	_ =	swait.ge [sflag:s19], $0x1F40  }
0x23: {  	[sflag:s19] =	ssyncset.done $0x0  }
0x24: {  	s29 =	simm.s32 $0x5000;
	[sflag:s19] =	ssyncadd.s32 $0xFFFFE0C0  }
0x25: {  	[spmem:s3] =	stream.indirect.scatter.add.f32 [tilespmem:s17], [sflag:$0x3], $0x40, s29, s16, $0xb8;
	[tilespmem:$0x17E80] =	vst v63  }
0x26: {  	_ =	swait.ge [sflag:s12], $0x1F40  }
0x27: {  	[sflag:s12] =	ssyncset.done $0x0  }
0x28: {  	s30 =	simm.s32 $0x100;
	[sflag:s12] =	ssyncadd.s32 $0xFFFFE0C0  }
0x29: {  	[tilespmem:s17], [sflag:$0x1] =	stream.indirect.gather [hbm4b:s7+s16], $0x40, s30, s16, $0xb8;
	[tilespmem:$0x17E80] =	vst v63  }
0x2a: {  	_ =	swait.ge [sflag:s20], $0x1F40  }
0x2b: {  	[sflag:s20] =	ssyncset.done $0x0  }
0x2c: {  	s31 =	simm.s32 $0x5080;
	[sflag:s20] =	ssyncadd.s32 $0xFFFFE0C0  }
0x2d: {  	[spmem:s3] =	stream.indirect.scatter.add.f32 [tilespmem:s18], [sflag:$0x3], $0x40, s31, s16, $0xb8;
	[tilespmem:$0x17E80] =	vst v63  }
0x2e: {  	_ =	swait.ge [sflag:s12], $0x1F40  }
0x2f: {  	s26 =	simm.s32 $0x800;
	s25 =	simm.s32 $0x100;
	[sflag:s12] =	ssyncset.done $0x0  }
.LBB2_2:
0x30: {  	s28 =	sadd.s32 $0x80, s25  }
0x31: {  	[sflag:s12] =	ssyncadd.s32 $0xFFFFE0C0;
	s29 =	smov.u32 s26;
	s30 =	sadd.s32 $0x400, s26  }
0x32: {  	[tilespmem:s18], [sflag:$0x2] =	stream.indirect.gather [hbm4b:s7+s16], $0x40, s28, s16, $0xb8;
	[tilespmem:$0x17E80] =	vst v63  }
0x33: {  	p0 =	sne.s32 s26, $0x13800;
	_ =	swait.ge [sflag:s19], $0x1F40  }
0x34: {  	[sflag:s19] =	ssyncset.done $0x0  }
0x35: {  	s26 =	sadd.s32 $0x5000, s25;
	[sflag:s19] =	ssyncadd.s32 $0xFFFFE0C0  }
0x36: {  	[spmem:s3] =	stream.indirect.scatter.add.f32 [tilespmem:s17], [sflag:$0x3], $0x40, s26, s16, $0xb8;
	[tilespmem:$0x17E80] =	vst v63  }
0x37: {  	_ =	swait.ge [sflag:s12], $0x1F40  }
0x38: {  	[sflag:s12] =	ssyncset.done $0x0  }
0x39: {  	s26 =	sadd.s32 $0x100, s25;
	[sflag:s12] =	ssyncadd.s32 $0xFFFFE0C0  }
0x3a: {  	[tilespmem:s17], [sflag:$0x1] =	stream.indirect.gather [hbm4b:s7+s16], $0x40, s26, s16, $0xb8;
	[tilespmem:$0x17E80] =	vst v63  }
0x3b: {  	_ =	swait.ge [sflag:s20], $0x1F40  }
.Ltmp0:
0x3c: {  	[sflag:s20] =	ssyncset.done $0x0;
	(pc) =	sbr.rel @p0 .LBB2_2-.Ltmp0, $4  }
0x3d: {  	s25 =	sadd.s32 $0x5080, s25;
	[sflag:s20] =	ssyncadd.s32 $0xFFFFE0C0  }
0x3e: {  	[spmem:s3] =	stream.indirect.scatter.add.f32 [tilespmem:s18], [sflag:$0x3], $0x40, s25, s16, $0xb8;
	[tilespmem:$0x17E80] =	vst v63  }
0x3f: {  	_ =	swait.ge [sflag:s12], $0x1F40  }
0x40: {  	s26 =	smov.u32 s30;
	s25 =	sshra.s32 s29, $0x2;
	[sflag:s12] =	ssyncset.done $0x0  }
0x41: {  	s26 =	sadd.s32 $0x80, s25;
	[sflag:s12] =	ssyncadd.s32 $0xFFFFE0C0  }
0x42: {  	[tilespmem:s18], [sflag:$0x2] =	stream.indirect.gather [hbm4b:s7+s16], $0x40, s26, s16, $0xb8;
	[tilespmem:$0x17E80] =	vst v63  }
0x43: {  	_ =	swait.ge [sflag:s19], $0x1F40  }
0x44: {  	[sflag:s19] =	ssyncset.done $0x0  }
0x45: {  	s29 =	sadd.s32 $0x5000, s25;
	[sflag:s19] =	ssyncadd.s32 $0xFFFFE0C0  }
0x46: {  	[spmem:s3] =	stream.indirect.scatter.add.f32 [tilespmem:s17], [sflag:$0x3], $0x40, s29, s16, $0xb8;
	[tilespmem:$0x17E80] =	vst v63  }
0x47: {  	_ =	swait.ge [sflag:s12], $0x1F40  }
0x48: {  	[sflag:s12] =	ssyncset.done $0x0  }
0x49: {  	s30 =	sadd.s32 $0x100, s25;
	[sflag:s12] =	ssyncadd.s32 $0xFFFFE0C0  }
0x4a: {  	[tilespmem:s17], [sflag:$0x1] =	stream.indirect.gather [hbm4b:s7+s16], $0x40, s30, s16, $0xb8;
	[tilespmem:$0x17E80] =	vst v63  }
0x4b: {  	_ =	swait.ge [sflag:s20], $0x1F40  }
0x4c: {  	[sflag:s20] =	ssyncset.done $0x0  }
0x4d: {  	s31 =	sadd.s32 $0x5080, s25;
	[sflag:s20] =	ssyncadd.s32 $0xFFFFE0C0  }
0x4e: {  	[spmem:s3] =	stream.indirect.scatter.add.f32 [tilespmem:s18], [sflag:$0x3], $0x40, s31, s16, $0xb8;
	[tilespmem:$0x17E80] =	vst v63  }
0x4f: {  	_ =	swait.ge [sflag:s12], $0x1F40  }
0x50: {  	[sflag:s12] =	ssyncset.done $0x0  }
0x51: {  	[sflag:s12] =	ssyncadd.s32 $0xFFFFE0C0  }
0x52: {  	[tilespmem:s18], [sflag:$0x2] =	stream.indirect.gather [hbm4b:s7+s16], $0x40, s21, s16, $0xb8;
	[tilespmem:$0x17E80] =	vst v63  }
0x53: {  	_ =	swait.ge [sflag:s19], $0x1F40  }
0x54: {  	[sflag:s19] =	ssyncset.done $0x0  }
0x55: {  	[sflag:s19] =	ssyncadd.s32 $0xFFFFE0C0  }
0x56: {  	[spmem:s3] =	stream.indirect.scatter.add.f32 [tilespmem:s17], [sflag:$0x3], $0x40, s22, s16, $0xb8;
	[tilespmem:$0x17E80] =	vst v63  }
0x57: {  	_ =	swait.ge [sflag:s12], $0x1F40  }
0x58: {  	[sflag:s12] =	ssyncset.done $0x0  }
0x59: {  	[sflag:s12] =	ssyncadd.s32 $0xFFFFE0C0  }
0x5a: {  	_ =	swait.ge [sflag:s20], $0x1F40  }
0x5b: {  	[sflag:s20] =	ssyncset.done $0x0  }
0x5c: {  	[sflag:s20] =	ssyncadd.s32 $0xFFFFE0C0  }
0x5d: {  	[spmem:s3] =	stream.indirect.scatter.add.f32 [tilespmem:s18], [sflag:$0x3], $0x40, s23, s16, $0xb8;
	[tilespmem:$0x17E80] =	vst v63  }
0x5e: {  	_ =	swait.ge [sflag:s12], $0x1F40  }
0x5f: {  	[sflag:s12] =	ssyncset.done $0x0  }
0x60: {  	[sflag:s12] =	ssyncadd.s32 $0xFFFFE0C0  }
0x61: {  	[bflag:$0x0] =	sbarrier.arrive $0xFFFF  }
0x62: {  	[hbm:s8], [sflag:s14] =	dma.local [spmem:s15], $0x1400  }
0x63: {  	_ =	swait.ge [sflag:s12], $0x1400  }
0x64: {  	[sflag:s12] =	ssyncset.done $0x0  }
0x65: {  	[sflag:s12] =	ssyncadd.s32 $0xFFFFEC00  }
0x66: {  	[bflag:$0x0] =	sbarrier.arrive $0xFFFF  }
0x67: {  	[spmem:s15], [sflag:s14] =	dma.local [hbm:s2], $0x1400  }
0x68: {  	_ =	swait.ge [sflag:s12], $0x1400  }
0x69: {  	[sflag:s12] =	ssyncset.done $0x0  }
0x6a: {  	[sflag:s12] =	ssyncadd.s32 $0xFFFFEC00  }
0x6b: {  	s26 =	simm.s32 $0x0;
	[bflag:$0x0] =	sbarrier.arrive $0xFFFF  }
0x6c: {  	[tilespmem:s17], [sflag:$0x1] =	stream.indirect.gather [hbm4b:s9+s16], $0x40, s26, s16, $0xb8;
	[tilespmem:$0x17E80] =	vst v63  }
0x6d: {  	s28 =	simm.s32 $0x80  }
0x6e: {  	[tilespmem:s18], [sflag:$0x2] =	stream.indirect.gather [hbm4b:s9+s16], $0x40, s28, s16, $0xb8;
	[tilespmem:$0x17E80] =	vst v63  }
0x6f: {  	_ =	swait.ge [sflag:s19], $0x1F40  }
0x70: {  	[sflag:s19] =	ssyncset.done $0x0  }
0x71: {  	s29 =	simm.s32 $0x5000;
	[sflag:s19] =	ssyncadd.s32 $0xFFFFE0C0  }
0x72: {  	[spmem:s3] =	stream.indirect.scatter.add.f32 [tilespmem:s17], [sflag:$0x3], $0x40, s29, s16, $0xb8;
	[tilespmem:$0x17E80] =	vst v63  }
0x73: {  	_ =	swait.ge [sflag:s12], $0x1F40  }
0x74: {  	[sflag:s12] =	ssyncset.done $0x0  }
0x75: {  	s30 =	simm.s32 $0x100;
	[sflag:s12] =	ssyncadd.s32 $0xFFFFE0C0  }
0x76: {  	[tilespmem:s17], [sflag:$0x1] =	stream.indirect.gather [hbm4b:s9+s16], $0x40, s30, s16, $0xb8;
	[tilespmem:$0x17E80] =	vst v63  }
0x77: {  	_ =	swait.ge [sflag:s20], $0x1F40  }
0x78: {  	[sflag:s20] =	ssyncset.done $0x0  }
0x79: {  	s31 =	simm.s32 $0x5080;
	[sflag:s20] =	ssyncadd.s32 $0xFFFFE0C0  }
0x7a: {  	[spmem:s3] =	stream.indirect.scatter.add.f32 [tilespmem:s18], [sflag:$0x3], $0x40, s31, s16, $0xb8;
	[tilespmem:$0x17E80] =	vst v63  }
0x7b: {  	_ =	swait.ge [sflag:s12], $0x1F40  }
0x7c: {  	s25 =	simm.s32 $0x100;
	s26 =	simm.s32 $0x800;
	[sflag:s12] =	ssyncset.done $0x0  }
.LBB2_4:
0x7d: {  	s28 =	sadd.s32 $0x80, s25  }
0x7e: {  	[sflag:s12] =	ssyncadd.s32 $0xFFFFE0C0;
	s29 =	smov.u32 s26;
	s30 =	sadd.s32 $0x400, s26  }
0x7f: {  	[tilespmem:s18], [sflag:$0x2] =	stream.indirect.gather [hbm4b:s9+s16], $0x40, s28, s16, $0xb8;
	[tilespmem:$0x17E80] =	vst v63  }
0x80: {  	p0 =	sne.s32 s26, $0x13800;
	_ =	swait.ge [sflag:s19], $0x1F40  }
0x81: {  	[sflag:s19] =	ssyncset.done $0x0  }
0x82: {  	s26 =	sadd.s32 $0x5000, s25;
	[sflag:s19] =	ssyncadd.s32 $0xFFFFE0C0  }
0x83: {  	[spmem:s3] =	stream.indirect.scatter.add.f32 [tilespmem:s17], [sflag:$0x3], $0x40, s26, s16, $0xb8;
	[tilespmem:$0x17E80] =	vst v63  }
0x84: {  	_ =	swait.ge [sflag:s12], $0x1F40  }
0x85: {  	[sflag:s12] =	ssyncset.done $0x0  }
0x86: {  	s26 =	sadd.s32 $0x100, s25;
	[sflag:s12] =	ssyncadd.s32 $0xFFFFE0C0  }
0x87: {  	[tilespmem:s17], [sflag:$0x1] =	stream.indirect.gather [hbm4b:s9+s16], $0x40, s26, s16, $0xb8;
	[tilespmem:$0x17E80] =	vst v63  }
0x88: {  	_ =	swait.ge [sflag:s20], $0x1F40  }
.Ltmp1:
0x89: {  	[sflag:s20] =	ssyncset.done $0x0;
	(pc) =	sbr.rel @p0 .LBB2_4-.Ltmp1, $4  }
0x8a: {  	s25 =	sadd.s32 $0x5080, s25;
	[sflag:s20] =	ssyncadd.s32 $0xFFFFE0C0  }
0x8b: {  	[spmem:s3] =	stream.indirect.scatter.add.f32 [tilespmem:s18], [sflag:$0x3], $0x40, s25, s16, $0xb8;
	[tilespmem:$0x17E80] =	vst v63  }
0x8c: {  	_ =	swait.ge [sflag:s12], $0x1F40  }
0x8d: {  	s26 =	smov.u32 s30;
	s25 =	sshra.s32 s29, $0x2;
	[sflag:s12] =	ssyncset.done $0x0  }
0x8e: {  	s26 =	sadd.s32 $0x80, s25;
	[sflag:s12] =	ssyncadd.s32 $0xFFFFE0C0  }
0x8f: {  	[tilespmem:s18], [sflag:$0x2] =	stream.indirect.gather [hbm4b:s9+s16], $0x40, s26, s16, $0xb8;
	[tilespmem:$0x17E80] =	vst v63  }
0x90: {  	_ =	swait.ge [sflag:s19], $0x1F40  }
0x91: {  	[sflag:s19] =	ssyncset.done $0x0  }
0x92: {  	s29 =	sadd.s32 $0x5000, s25;
	[sflag:s19] =	ssyncadd.s32 $0xFFFFE0C0  }
0x93: {  	[spmem:s3] =	stream.indirect.scatter.add.f32 [tilespmem:s17], [sflag:$0x3], $0x40, s29, s16, $0xb8;
	[tilespmem:$0x17E80] =	vst v63  }
0x94: {  	_ =	swait.ge [sflag:s12], $0x1F40  }
0x95: {  	[sflag:s12] =	ssyncset.done $0x0  }
0x96: {  	s30 =	sadd.s32 $0x100, s25;
	[sflag:s12] =	ssyncadd.s32 $0xFFFFE0C0  }
0x97: {  	[tilespmem:s17], [sflag:$0x1] =	stream.indirect.gather [hbm4b:s9+s16], $0x40, s30, s16, $0xb8;
	[tilespmem:$0x17E80] =	vst v63  }
0x98: {  	_ =	swait.ge [sflag:s20], $0x1F40  }
0x99: {  	[sflag:s20] =	ssyncset.done $0x0  }
0x9a: {  	s31 =	sadd.s32 $0x5080, s25;
	[sflag:s20] =	ssyncadd.s32 $0xFFFFE0C0  }
0x9b: {  	[spmem:s3] =	stream.indirect.scatter.add.f32 [tilespmem:s18], [sflag:$0x3], $0x40, s31, s16, $0xb8;
	[tilespmem:$0x17E80] =	vst v63  }
0x9c: {  	_ =	swait.ge [sflag:s12], $0x1F40  }
0x9d: {  	[sflag:s12] =	ssyncset.done $0x0  }
0x9e: {  	[sflag:s12] =	ssyncadd.s32 $0xFFFFE0C0  }
0x9f: {  	[tilespmem:s18], [sflag:$0x2] =	stream.indirect.gather [hbm4b:s9+s16], $0x40, s21, s16, $0xb8;
	[tilespmem:$0x17E80] =	vst v63  }
0xa0: {  	_ =	swait.ge [sflag:s19], $0x1F40  }
0xa1: {  	[sflag:s19] =	ssyncset.done $0x0  }
0xa2: {  	[sflag:s19] =	ssyncadd.s32 $0xFFFFE0C0  }
0xa3: {  	[spmem:s3] =	stream.indirect.scatter.add.f32 [tilespmem:s17], [sflag:$0x3], $0x40, s22, s16, $0xb8;
	[tilespmem:$0x17E80] =	vst v63  }
0xa4: {  	_ =	swait.ge [sflag:s12], $0x1F40  }
0xa5: {  	[sflag:s12] =	ssyncset.done $0x0  }
0xa6: {  	[sflag:s12] =	ssyncadd.s32 $0xFFFFE0C0  }
0xa7: {  	_ =	swait.ge [sflag:s20], $0x1F40  }
0xa8: {  	[sflag:s20] =	ssyncset.done $0x0  }
0xa9: {  	[sflag:s20] =	ssyncadd.s32 $0xFFFFE0C0  }
0xaa: {  	[spmem:s3] =	stream.indirect.scatter.add.f32 [tilespmem:s18], [sflag:$0x3], $0x40, s23, s16, $0xb8;
	[tilespmem:$0x17E80] =	vst v63  }
0xab: {  	_ =	swait.ge [sflag:s12], $0x1F40  }
0xac: {  	[sflag:s12] =	ssyncset.done $0x0  }
0xad: {  	s24 =	sadd.s32 $0x1, s24;
	[sflag:s12] =	ssyncadd.s32 $0xFFFFE0C0  }
0xae: {  	p0 =	sne.s32 s24, s11;
	[bflag:$0x0] =	sbarrier.arrive $0xFFFF  }
0xaf: {  	[hbm:s10], [sflag:s14] =	dma.local [spmem:s15], $0x1400  }
.Ltmp2:
0xb0: {  	_ =	swait.ge [sflag:s12], $0x1400;
	(pc) =	sbr.rel @p0 .LBB2_1-.Ltmp2, $3  }
0xb1: {  	[sflag:s12] =	ssyncset.done $0x0  }
0xb2: {  	[sflag:s12] =	ssyncadd.s32 $0xFFFFEC00  }
0xb3: {  	[bflag:$0x0] =	sbarrier.arrive $0xFFFF;
	_ =	sdelay $0x1  }
0xb4: {  	_ =	sfence.sel $0x180000  }
0xb5: {  	[bflag:$0x0] =	sbarrier.arrive $0xFFFF  }
0xb6: {  	p0 =	sne.s32 s0, $0x0;
	_ =	strace $0x90000047  }
0xb7: {  	s0 =	sadd.s32 @!p0 $0x100000, s1;
	[bflag:$0x2] =	sbarrier.arrive $0xFFFF  }
0xb8: {  	[sflag:s0] =	ssyncadd.tile.s32 @!p0 $0x1;
	_ =	shalt  }
.Lfunc_end2:
_tile_overlayer_lowered:
.L_overlay_start_2:
0xb9: {  	(tag) =	ssettag $0x2  }
0xba: {  	s0 =	rddreg [dreg:$0x0];
	s2 =	stileid.u32  }
0xbb: {  	s1 =	rddreg [dreg:$0x1];
	p0 =	sne.s32 s2, $0x0  }
0xbc: {  	s3 =	rddreg [dreg:$0x2];
	[bflag:$0x3] =	sbarrier.arrive $0xFFFF;
	s2 =	simm.s32 @!p0 $0x1C03  }
0xbd: {  	[timem:s3], [sflag:s2] =	dma.local @!p0 [hbm:s0], s1  }
0xbe: {  	s0 =	simm.s32 @!p0 $0x3  }
0xbf: {  	_ =	swait.ge @!p0 [sflag:s0], s1  }
0xc0: {  	s1 =	ssub.s32 @!p0 $0x0, s1;
	[sflag:s0] =	ssyncset.done @!p0 $0x0  }
0xc1: {  	[sflag:s0] =	ssyncadd.s32 @!p0 s1  }
0xc2: {  	[bflag:$0x3] =	sbarrier.arrive $0xFFFF  }
0xc3: {  	_ =	shalt  }

</sc_bundles>
